<compile_context>
chip_gen: v7x
topology: tpu7x:2x2x1
jax: 0.10.2.dev20260603
libtpu: 0.0.44.dev20260713+nightly
codegen_flags: <defaults>
</compile_context>

<pallas_src>
import functools

import jax
import jax.numpy as jnp
from jax import lax
from jax.experimental import pallas as pl
from jax.experimental.pallas import tpu as pltpu
from jax.experimental.pallas import tpu_sc as plsc

NCENTROIDS = 1024
NCODEBOOKS = 16
SUBVECT = 256
BATCH = 4096

TB = 512
NB = BATCH // TB


def _mm_argmax_kernel(x_ref, cb_ref, out_ref):
    cols = []
    for c in range(NCODEBOOKS):
        resp = lax.dot_general(
            x_ref[:, c, :], cb_ref[c], (((1,), (1,)), ((), ())),
            preferred_element_type=jnp.float32,
        )
        code = jnp.argmax(resp, axis=1).astype(jnp.int32)
        cols.append((code + c * NCENTROIDS)[:, None])
    out_ref[...] = jnp.concatenate(cols, axis=1)


def _compute_codes_part(inputs, centroids, tile0, ntiles):
    return pl.pallas_call(
        _mm_argmax_kernel,
        grid=(ntiles,),
        in_specs=[
            pl.BlockSpec(
                (TB, NCODEBOOKS, SUBVECT), lambda b: (b + tile0, 0, 0)
            ),
            pl.BlockSpec(
                (NCODEBOOKS, NCENTROIDS, SUBVECT), lambda b: (0, 0, 0)
            ),
        ],
        out_specs=pl.BlockSpec((TB, NCODEBOOKS), lambda b: (b, 0)),
        out_shape=jax.ShapeDtypeStruct((ntiles * TB, NCODEBOOKS), jnp.int32),
    )(inputs, centroids)


def _make_gather(row0, nrows):
    info = plsc.get_sparse_core_info()
    nc, ns = info.num_cores, info.num_subcores
    nw = nc * ns
    rows_per_w = nrows // nw
    b_per_w = rows_per_w * NCODEBOOKS
    ch = 64
    n_ch = b_per_w // ch
    assert b_per_w % ch == 0 and n_ch % 4 == 0 and n_ch >= 8
    nbuf = 4
    mesh = plsc.VectorSubcoreMesh(core_axis_name="c", subcore_axis_name="s")

    @functools.partial(
        pl.kernel,
        mesh=mesh,
        out_type=(),
        scratch_types=[
            pltpu.VMEM((rows_per_w, NCODEBOOKS), jnp.int32),
            pltpu.VMEM((b_per_w,), jnp.int32),
            [pltpu.VMEM((ch, SUBVECT), jnp.float32) for _ in range(nbuf)],
            [pltpu.SemaphoreType.DMA for _ in range(nbuf)],
            [pltpu.SemaphoreType.DMA for _ in range(nbuf)],
        ],
    )
    def gather(table_hbm, idx_hbm, out_hbm, idx2d, idx_v, rows, gsem, wsem):
        wid = lax.axis_index("s") * nc + lax.axis_index("c")
        half_base = row0 * NCODEBOOKS
        pltpu.sync_copy(idx_hbm.at[pl.ds(wid * rows_per_w, rows_per_w), :], idx2d)

        def fl(r, _):
            idx_v[pl.ds(r * NCODEBOOKS, NCODEBOOKS)] = idx2d[r]
            return 0

        lax.fori_loop(0, rows_per_w, fl, 0)

        base = half_base + wid * b_per_w

        def start_g(j, t):
            pltpu.async_copy(
                table_hbm.at[idx_v.at[pl.ds(j * ch, ch)]], rows[t], gsem[t]
            )

        def wait_g(j, t):
            pltpu.make_async_copy(
                table_hbm.at[idx_v.at[pl.ds(j * ch, ch)]], rows[t], gsem[t]
            ).wait()

        def start_w(j, t):
            pltpu.async_copy(
                rows[t], out_hbm.at[pl.ds(base + j * ch, ch)], wsem[t]
            )

        def wait_w(j, t):
            pltpu.make_async_copy(
                rows[t], out_hbm.at[pl.ds(base + j * ch, ch)], wsem[t]
            ).wait()

        start_g(0, 0)
        start_g(1, 1)
        for j in range(2):
            wait_g(j, j % nbuf)
            start_w(j, j % nbuf)
            start_g(j + 2, (j + 2) % nbuf)
        for j in range(2, 4):
            wait_g(j, j % nbuf)
            start_w(j, j % nbuf)
            wait_w(j - 2, (j - 2) % nbuf)
            start_g(j + 2, (j + 2) % nbuf)

        def body(p, _):
            j0 = 4 * p
            for t in range(4):
                j = j0 + t
                b = (j0 + t) % nbuf
                wait_g(j, t)
                start_w(j, t)
                wait_w(j - 2, (t + 2) % nbuf)
                start_g(j + 2, (t + 2) % nbuf)
            return 0

        lax.fori_loop(1, n_ch // 4 - 1, body, 0)

        for j in range(n_ch - 4, n_ch):
            t = j % nbuf
            wait_g(j, t)
            start_w(j, t)
            wait_w(j - 2, (j - 2) % nbuf)
            if j + 2 < n_ch:
                start_g(j + 2, (j + 2) % nbuf)
        wait_w(n_ch - 2, (n_ch - 2) % nbuf)
        wait_w(n_ch - 1, (n_ch - 1) % nbuf)

    return gather


SPLIT = 2560
_gather0 = _make_gather(0, SPLIT)
_gather1 = _make_gather(SPLIT, BATCH - SPLIT)


def kernel(inputs, centroids):
    flat_centroids = centroids.reshape(NCODEBOOKS * NCENTROIDS, SUBVECT)
    idx_a = _compute_codes_part(inputs, centroids, 0, SPLIT // TB)
    idx_b = _compute_codes_part(inputs, centroids, SPLIT // TB,
                                (BATCH - SPLIT) // TB)
    out_ref = jax.empty_ref(
        jax.ShapeDtypeStruct((BATCH * NCODEBOOKS, SUBVECT), jnp.float32)
    )
    _gather0(flat_centroids, idx_a, out_ref)
    _gather1(flat_centroids, idx_b, out_ref)
    neighbour_idxs = jnp.concatenate([idx_a, idx_b], axis=0)
    rows = out_ref[...]
    outputs = rows.reshape(BATCH, NCODEBOOKS, SUBVECT)
    return (neighbour_idxs, outputs)

# --- scband reference (transcript-rebuilt; emitter-appended) ---
"""Pipeline reference for scband-dpqnetwork-11510512353918 (READ-ONLY COPY).

The authoritative reference and input builder live on the scoring server;
editing this copy changes nothing except your own understanding.
"""

import jax, jax.numpy as jnp
import numpy as np

NCENTROIDS = 1024
NCODEBOOKS = 16
SUBVECT = 256
BATCH = 4096


def setup_inputs(seed: int = 0) -> dict:
    key = jax.random.key(seed)
    k1, k2 = jax.random.split(key)
    inputs = jax.random.normal(k1, (BATCH, NCODEBOOKS, SUBVECT), dtype=jnp.float32)
    # learned parameter: centroids (ncodebooks, ncentroids, subvect_len)
    centroids = jax.random.normal(k2, (NCODEBOOKS, NCENTROIDS, SUBVECT), dtype=jnp.float32)
    return {"inputs": inputs, "centroids": centroids}


def reference(inputs, centroids):
    # response = matmul(inputs^T(0,1), centroids^T(1,2)) -> (C,B,K) -> transpose -> (B,C,K)
    response = jnp.einsum('bcd,ckd->bck', inputs, centroids)
    tau = jnp.asarray(1.0, dtype=response.dtype)
    response_prob = jax.nn.softmax(response / tau, axis=-1)  # computed in original forward (unused in return)
    codes = jnp.argmax(response, axis=-1)  # (B, C)
    # torch code does neighbour_idxs = codes; neighbour_idxs += D_base (in-place),
    # so the returned `codes` also carry the per-codebook offsets.
    D_base = jnp.arange(NCODEBOOKS, dtype=codes.dtype) * NCENTROIDS
    neighbour_idxs = codes + D_base[None, :]
    flat_centroids = centroids.reshape((-1, SUBVECT))  # (C*K, subvect)
    outputs = jnp.take(flat_centroids, neighbour_idxs.reshape(-1), axis=0)
    outputs = outputs.reshape((-1, NCODEBOOKS, SUBVECT))
    # straight-through: outputs_final numerically == outputs, grad flows to inputs
    outputs_final = jax.lax.stop_gradient(outputs - inputs) + inputs
    return (neighbour_idxs, outputs_final)

if __name__ == "__main__":
    import jax
    _d = setup_inputs()
    print(jax.jit(kernel)(*tuple(_d.values())))

</pallas_src>

<mosaic_0001>
#map = affine_map<(d0, d1) -> (0, 0)>
module attributes {stable_mosaic.version = 14 : i64} {
  func.func @new_body(%arg0: i32, %arg1: i32, %arg2: memref<16384x256xf32, #tpu.memory_space<hbm>>, %arg3: memref<1536x16xi32, #tpu.memory_space<hbm>>, %arg4: memref<65536x256xf32, #tpu.memory_space<hbm>>, %arg5: memref<65536x256xf32, #tpu.memory_space<hbm>>, %arg6: memref<48x16xi32, #tpu.memory_space<vmem>>, %arg7: memref<768xi32, #tpu.memory_space<vmem>>, %arg8: memref<64x256xf32, #tpu.memory_space<vmem>>, %arg9: memref<64x256xf32, #tpu.memory_space<vmem>>, %arg10: memref<64x256xf32, #tpu.memory_space<vmem>>, %arg11: memref<64x256xf32, #tpu.memory_space<vmem>>, %arg12: memref<!tpu.dma_semaphore, #tpu.memory_space<semaphore_mem>>, %arg13: memref<!tpu.dma_semaphore, #tpu.memory_space<semaphore_mem>>, %arg14: memref<!tpu.dma_semaphore, #tpu.memory_space<semaphore_mem>>, %arg15: memref<!tpu.dma_semaphore, #tpu.memory_space<semaphore_mem>>, %arg16: memref<!tpu.dma_semaphore, #tpu.memory_space<semaphore_mem>>, %arg17: memref<!tpu.dma_semaphore, #tpu.memory_space<semaphore_mem>>, %arg18: memref<!tpu.dma_semaphore, #tpu.memory_space<semaphore_mem>>, %arg19: memref<!tpu.dma_semaphore, #tpu.memory_space<semaphore_mem>>) attributes {dimension_semantics = [#tpu.dimension_semantics<core_parallel>, #tpu.dimension_semantics<subcore_parallel>], iteration_bounds = array<i64: 2, 16>, scalar_prefetch = 0 : i64, scratch_operands = 14 : i64, tpu.core_type = #tpu.core_type<sc_vector_subcore>, window_params = [{transform_indices = #map}, {transform_indices = #map}, {transform_indices = #map}, {transform_indices = #map}]} {
    %mul3A = arith.constant 2 : i32
    %mul3A_0 = arith.muli %arg1, %mul3A : i32
    %add3A = arith.addi %mul3A_0, %arg0 : i32
    %mul3A_1 = arith.constant 48 : i32
    %mul3A_2 = arith.muli %add3A, %mul3A_1 : i32
    "tpu.region"() ({
      %run_scoped3A = tpu.sem_alloc : memref<!tpu.dma_semaphore, #tpu.memory_space<semaphore_mem>>
      %dma_start3A_385 = arith.constant 0 : i32
      %dma_start3A_386 = tpu.memref_slice %arg3[%mul3A_2, %dma_start3A_385] : memref<1536x16xi32, #tpu.memory_space<hbm>> -> memref<48x16xi32, #tpu.memory_space<hbm>>
      %dma_start3A_387 = arith.constant 0 : i32
      %dma_start3A_388 = tpu.memref_slice %arg3[%mul3A_2, %dma_start3A_387] : memref<1536x16xi32, #tpu.memory_space<hbm>> -> memref<48x16xi32, #tpu.memory_space<hbm>>
      tpu.enqueue_dma source(%dma_start3A_388 : memref<48x16xi32, #tpu.memory_space<hbm>>) target(%arg6 : memref<48x16xi32, #tpu.memory_space<vmem>>) target_semaphore(%run_scoped3A : memref<!tpu.dma_semaphore, #tpu.memory_space<semaphore_mem>>)
      %dma_wait3A_389 = arith.constant 0 : i32
      %dma_wait3A_390 = tpu.memref_slice %arg3[%mul3A_2, %dma_wait3A_389] : memref<1536x16xi32, #tpu.memory_space<hbm>> -> memref<48x16xi32, #tpu.memory_space<hbm>>
      %dma_wait3A_391 = arith.constant 0 : i32
      %dma_wait3A_392 = tpu.memref_slice %arg3[%mul3A_2, %dma_wait3A_391] : memref<1536x16xi32, #tpu.memory_space<hbm>> -> memref<48x16xi32, #tpu.memory_space<hbm>>
      tpu.wait_dma2 semaphore(%run_scoped3A : memref<!tpu.dma_semaphore, #tpu.memory_space<semaphore_mem>>) src(%dma_wait3A_392 : memref<48x16xi32, #tpu.memory_space<hbm>>) dst(%arg6 : memref<48x16xi32, #tpu.memory_space<vmem>>)
      tpu.yield
    }) : () -> ()
    %scan3A = arith.constant 0 : i32
    %scan3A_3 = arith.constant 0 : i32
    %scan3A_4 = arith.constant 48 : i32
    %scan3A_5 = arith.addi %scan3A_3, %scan3A_4 : i32
    %scan3A_6 = arith.constant 1 : i32
    %scan3A_7 = scf.for %scan3A_385 = %scan3A_3 to %scan3A_5 step %scan3A_6 iter_args(%scan3A_386 = %scan3A) -> (i32)  : i32 {
      %get3A = arith.index_cast %scan3A_385 : i32 to index
      %get3A_387 = arith.constant 0 : index
      %get3A_388 = tpu.vector_load %arg6[%get3A, %get3A_387] {strides = array<i32>} : memref<48x16xi32, #tpu.memory_space<vmem>>, vector<1x16xi32>,
      %get3A_389 = vector.shape_cast %get3A_388 : vector<1x16xi32> to vector<16xi32>
      %mul3A_390 = arith.constant 16 : i32
      %mul3A_391 = arith.muli %scan3A_385, %mul3A_390 : i32
      %swap3A = arith.index_cast %mul3A_391 : i32 to index
      %swap3A_392 = tpu.vector_load %arg7[%swap3A] {strides = array<i32>} : memref<768xi32, #tpu.memory_space<vmem>>, vector<16xi32>,
      %swap3A_393 = vector.shape_cast %swap3A_392 : vector<16xi32> to vector<16xi32>
      %swap3A_394 = vector.shape_cast %get3A_389 : vector<16xi32> to vector<16xi32>
      tpu.vector_store %arg7[%swap3A], %swap3A_394 {strides = array<i32>} : memref<768xi32, #tpu.memory_space<vmem>>, vector<16xi32>,
      %scan3A_395 = arith.constant 0 : i32
      scf.yield %scan3A_395 : i32
    }
    %scan3A_8 = arith.constant 48 : i32
    %mul3A_9 = arith.constant 768 : i32
    %mul3A_10 = arith.muli %add3A, %mul3A_9 : i32
    %add3A_11 = arith.constant 40960 : i32
    %add3A_12 = arith.addi %add3A_11, %mul3A_10 : i32
    %dma_start3A = arith.constant 0 : i32
    %dma_start3A_13 = tpu.memref_slice %arg7[%dma_start3A] : memref<768xi32, #tpu.memory_space<vmem>> -> memref<64xi32, #tpu.memory_space<vmem>>
    %dma_start3A_14 = arith.constant 0 : i32
    %dma_start3A_15 = arith.constant 0 : i32
    %dma_start3A_16 = tpu.memref_slice %arg2[%dma_start3A_14, %dma_start3A_15] : memref<16384x256xf32, #tpu.memory_space<hbm>> -> memref<16384x256xf32, #tpu.memory_space<hbm>>
    tpu.enqueue_indirect_dma source(%dma_start3A_16 : memref<16384x256xf32, #tpu.memory_space<hbm>>) target(%arg8 : memref<64x256xf32, #tpu.memory_space<vmem>>) offsets(%dma_start3A_13 : memref<64xi32, #tpu.memory_space<vmem>>) semaphore(%arg12 : memref<!tpu.dma_semaphore, #tpu.memory_space<semaphore_mem>>)
    %dma_start3A_17 = arith.constant 64 : i32
    %dma_start3A_18 = tpu.memref_slice %arg7[%dma_start3A_17] : memref<768xi32, #tpu.memory_space<vmem>> -> memref<64xi32, #tpu.memory_space<vmem>>
    %dma_start3A_19 = arith.constant 0 : i32
    %dma_start3A_20 = arith.constant 0 : i32
    %dma_start3A_21 = tpu.memref_slice %arg2[%dma_start3A_19, %dma_start3A_20] : memref<16384x256xf32, #tpu.memory_space<hbm>> -> memref<16384x256xf32, #tpu.memory_space<hbm>>
    tpu.enqueue_indirect_dma source(%dma_start3A_21 : memref<16384x256xf32, #tpu.memory_space<hbm>>) target(%arg9 : memref<64x256xf32, #tpu.memory_space<vmem>>) offsets(%dma_start3A_18 : memref<64xi32, #tpu.memory_space<vmem>>) semaphore(%arg13 : memref<!tpu.dma_semaphore, #tpu.memory_space<semaphore_mem>>)
    %dma_wait3A = arith.constant 0 : i32
    %dma_wait3A_22 = tpu.memref_slice %arg7[%dma_wait3A] : memref<768xi32, #tpu.memory_space<vmem>> -> memref<64xi32, #tpu.memory_space<vmem>>
    %dma_wait3A_23 = arith.constant 0 : i32
    %dma_wait3A_24 = arith.constant 0 : i32
    %dma_wait3A_25 = tpu.memref_slice %arg2[%dma_wait3A_23, %dma_wait3A_24] : memref<16384x256xf32, #tpu.memory_space<hbm>> -> memref<16384x256xf32, #tpu.memory_space<hbm>>
    tpu.wait_indirect_dma semaphore(%arg12 : memref<!tpu.dma_semaphore, #tpu.memory_space<semaphore_mem>>) src(%dma_wait3A_25 : memref<16384x256xf32, #tpu.memory_space<hbm>>) dst(%arg8 : memref<64x256xf32, #tpu.memory_space<vmem>>)
    %add3A_26 = arith.constant 0 : i32
    %add3A_27 = arith.addi %add3A_12, %add3A_26 : i32
    %dma_start3A_28 = arith.constant 0 : i32
    %dma_start3A_29 = tpu.memref_slice %arg4[%add3A_27, %dma_start3A_28] : memref<65536x256xf32, #tpu.memory_space<hbm>> -> memref<64x256xf32, #tpu.memory_space<hbm>>
    %dma_start3A_30 = arith.constant 0 : i32
    %dma_start3A_31 = tpu.memref_slice %arg4[%add3A_27, %dma_start3A_30] : memref<65536x256xf32, #tpu.memory_space<hbm>> -> memref<64x256xf32, #tpu.memory_space<hbm>>
    tpu.enqueue_dma source(%arg8 : memref<64x256xf32, #tpu.memory_space<vmem>>) target(%dma_start3A_31 : memref<64x256xf32, #tpu.memory_space<hbm>>) target_semaphore(%arg16 : memref<!tpu.dma_semaphore, #tpu.memory_space<semaphore_mem>>)
    %dma_start3A_32 = arith.constant 128 : i32
    %dma_start3A_33 = tpu.memref_slice %arg7[%dma_start3A_32] : memref<768xi32, #tpu.memory_space<vmem>> -> memref<64xi32, #tpu.memory_space<vmem>>
    %dma_start3A_34 = arith.constant 0 : i32
    %dma_start3A_35 = arith.constant 0 : i32
    %dma_start3A_36 = tpu.memref_slice %arg2[%dma_start3A_34, %dma_start3A_35] : memref<16384x256xf32, #tpu.memory_space<hbm>> -> memref<16384x256xf32, #tpu.memory_space<hbm>>
    tpu.enqueue_indirect_dma source(%dma_start3A_36 : memref<16384x256xf32, #tpu.memory_space<hbm>>) target(%arg10 : memref<64x256xf32, #tpu.memory_space<vmem>>) offsets(%dma_start3A_33 : memref<64xi32, #tpu.memory_space<vmem>>) semaphore(%arg14 : memref<!tpu.dma_semaphore, #tpu.memory_space<semaphore_mem>>)
    %dma_wait3A_37 = arith.constant 64 : i32
    %dma_wait3A_38 = tpu.memref_slice %arg7[%dma_wait3A_37] : memref<768xi32, #tpu.memory_space<vmem>> -> memref<64xi32, #tpu.memory_space<vmem>>
    %dma_wait3A_39 = arith.constant 0 : i32
    %dma_wait3A_40 = arith.constant 0 : i32
    %dma_wait3A_41 = tpu.memref_slice %arg2[%dma_wait3A_39, %dma_wait3A_40] : memref<16384x256xf32, #tpu.memory_space<hbm>> -> memref<16384x256xf32, #tpu.memory_space<hbm>>
    tpu.wait_indirect_dma semaphore(%arg13 : memref<!tpu.dma_semaphore, #tpu.memory_space<semaphore_mem>>) src(%dma_wait3A_41 : memref<16384x256xf32, #tpu.memory_space<hbm>>) dst(%arg9 : memref<64x256xf32, #tpu.memory_space<vmem>>)
    %add3A_42 = arith.constant 64 : i32
    %add3A_43 = arith.addi %add3A_12, %add3A_42 : i32
    %dma_start3A_44 = arith.constant 0 : i32
    %dma_start3A_45 = tpu.memref_slice %arg4[%add3A_43, %dma_start3A_44] : memref<65536x256xf32, #tpu.memory_space<hbm>> -> memref<64x256xf32, #tpu.memory_space<hbm>>
    %dma_start3A_46 = arith.constant 0 : i32
    %dma_start3A_47 = tpu.memref_slice %arg4[%add3A_43, %dma_start3A_46] : memref<65536x256xf32, #tpu.memory_space<hbm>> -> memref<64x256xf32, #tpu.memory_space<hbm>>
    tpu.enqueue_dma source(%arg9 : memref<64x256xf32, #tpu.memory_space<vmem>>) target(%dma_start3A_47 : memref<64x256xf32, #tpu.memory_space<hbm>>) target_semaphore(%arg17 : memref<!tpu.dma_semaphore, #tpu.memory_space<semaphore_mem>>)
    %dma_start3A_48 = arith.constant 192 : i32
    %dma_start3A_49 = tpu.memref_slice %arg7[%dma_start3A_48] : memref<768xi32, #tpu.memory_space<vmem>> -> memref<64xi32, #tpu.memory_space<vmem>>
    %dma_start3A_50 = arith.constant 0 : i32
    %dma_start3A_51 = arith.constant 0 : i32
    %dma_start3A_52 = tpu.memref_slice %arg2[%dma_start3A_50, %dma_start3A_51] : memref<16384x256xf32, #tpu.memory_space<hbm>> -> memref<16384x256xf32, #tpu.memory_space<hbm>>
    tpu.enqueue_indirect_dma source(%dma_start3A_52 : memref<16384x256xf32, #tpu.memory_space<hbm>>) target(%arg11 : memref<64x256xf32, #tpu.memory_space<vmem>>) offsets(%dma_start3A_49 : memref<64xi32, #tpu.memory_space<vmem>>) semaphore(%arg15 : memref<!tpu.dma_semaphore, #tpu.memory_space<semaphore_mem>>)
    %dma_wait3A_53 = arith.constant 128 : i32
    %dma_wait3A_54 = tpu.memref_slice %arg7[%dma_wait3A_53] : memref<768xi32, #tpu.memory_space<vmem>> -> memref<64xi32, #tpu.memory_space<vmem>>
    %dma_wait3A_55 = arith.constant 0 : i32
    %dma_wait3A_56 = arith.constant 0 : i32
    %dma_wait3A_57 = tpu.memref_slice %arg2[%dma_wait3A_55, %dma_wait3A_56] : memref<16384x256xf32, #tpu.memory_space<hbm>> -> memref<16384x256xf32, #tpu.memory_space<hbm>>
    tpu.wait_indirect_dma semaphore(%arg14 : memref<!tpu.dma_semaphore, #tpu.memory_space<semaphore_mem>>) src(%dma_wait3A_57 : memref<16384x256xf32, #tpu.memory_space<hbm>>) dst(%arg10 : memref<64x256xf32, #tpu.memory_space<vmem>>)
    %add3A_58 = arith.constant 128 : i32
    %add3A_59 = arith.addi %add3A_12, %add3A_58 : i32
    %dma_start3A_60 = arith.constant 0 : i32
    %dma_start3A_61 = tpu.memref_slice %arg4[%add3A_59, %dma_start3A_60] : memref<65536x256xf32, #tpu.memory_space<hbm>> -> memref<64x256xf32, #tpu.memory_space<hbm>>
    %dma_start3A_62 = arith.constant 0 : i32
    %dma_start3A_63 = tpu.memref_slice %arg4[%add3A_59, %dma_start3A_62] : memref<65536x256xf32, #tpu.memory_space<hbm>> -> memref<64x256xf32, #tpu.memory_space<hbm>>
    tpu.enqueue_dma source(%arg10 : memref<64x256xf32, #tpu.memory_space<vmem>>) target(%dma_start3A_63 : memref<64x256xf32, #tpu.memory_space<hbm>>) target_semaphore(%arg18 : memref<!tpu.dma_semaphore, #tpu.memory_space<semaphore_mem>>)
    %add3A_64 = arith.constant 0 : i32
    %add3A_65 = arith.addi %add3A_12, %add3A_64 : i32
    %dma_wait3A_66 = arith.constant 0 : i32
    %dma_wait3A_67 = tpu.memref_slice %arg4[%add3A_65, %dma_wait3A_66] : memref<65536x256xf32, #tpu.memory_space<hbm>> -> memref<64x256xf32, #tpu.memory_space<hbm>>
    %dma_wait3A_68 = arith.constant 0 : i32
    %dma_wait3A_69 = tpu.memref_slice %arg4[%add3A_65, %dma_wait3A_68] : memref<65536x256xf32, #tpu.memory_space<hbm>> -> memref<64x256xf32, #tpu.memory_space<hbm>>
    tpu.wait_dma2 semaphore(%arg16 : memref<!tpu.dma_semaphore, #tpu.memory_space<semaphore_mem>>) src(%arg8 : memref<64x256xf32, #tpu.memory_space<vmem>>) dst(%dma_wait3A_69 : memref<64x256xf32, #tpu.memory_space<hbm>>)
    %dma_start3A_70 = arith.constant 256 : i32
    %dma_start3A_71 = tpu.memref_slice %arg7[%dma_start3A_70] : memref<768xi32, #tpu.memory_space<vmem>> -> memref<64xi32, #tpu.memory_space<vmem>>
    %dma_start3A_72 = arith.constant 0 : i32
    %dma_start3A_73 = arith.constant 0 : i32
    %dma_start3A_74 = tpu.memref_slice %arg2[%dma_start3A_72, %dma_start3A_73] : memref<16384x256xf32, #tpu.memory_space<hbm>> -> memref<16384x256xf32, #tpu.memory_space<hbm>>
    tpu.enqueue_indirect_dma source(%dma_start3A_74 : memref<16384x256xf32, #tpu.memory_space<hbm>>) target(%arg8 : memref<64x256xf32, #tpu.memory_space<vmem>>) offsets(%dma_start3A_71 : memref<64xi32, #tpu.memory_space<vmem>>) semaphore(%arg12 : memref<!tpu.dma_semaphore, #tpu.memory_space<semaphore_mem>>)
    %dma_wait3A_75 = arith.constant 192 : i32
    %dma_wait3A_76 = tpu.memref_slice %arg7[%dma_wait3A_75] : memref<768xi32, #tpu.memory_space<vmem>> -> memref<64xi32, #tpu.memory_space<vmem>>
    %dma_wait3A_77 = arith.constant 0 : i32
    %dma_wait3A_78 = arith.constant 0 : i32
    %dma_wait3A_79 = tpu.memref_slice %arg2[%dma_wait3A_77, %dma_wait3A_78] : memref<16384x256xf32, #tpu.memory_space<hbm>> -> memref<16384x256xf32, #tpu.memory_space<hbm>>
    tpu.wait_indirect_dma semaphore(%arg15 : memref<!tpu.dma_semaphore, #tpu.memory_space<semaphore_mem>>) src(%dma_wait3A_79 : memref<16384x256xf32, #tpu.memory_space<hbm>>) dst(%arg11 : memref<64x256xf32, #tpu.memory_space<vmem>>)
    %add3A_80 = arith.constant 192 : i32
    %add3A_81 = arith.addi %add3A_12, %add3A_80 : i32
    %dma_start3A_82 = arith.constant 0 : i32
    %dma_start3A_83 = tpu.memref_slice %arg4[%add3A_81, %dma_start3A_82] : memref<65536x256xf32, #tpu.memory_space<hbm>> -> memref<64x256xf32, #tpu.memory_space<hbm>>
    %dma_start3A_84 = arith.constant 0 : i32
    %dma_start3A_85 = tpu.memref_slice %arg4[%add3A_81, %dma_start3A_84] : memref<65536x256xf32, #tpu.memory_space<hbm>> -> memref<64x256xf32, #tpu.memory_space<hbm>>
    tpu.enqueue_dma source(%arg11 : memref<64x256xf32, #tpu.memory_space<vmem>>) target(%dma_start3A_85 : memref<64x256xf32, #tpu.memory_space<hbm>>) target_semaphore(%arg19 : memref<!tpu.dma_semaphore, #tpu.memory_space<semaphore_mem>>)
    %add3A_86 = arith.constant 64 : i32
    %add3A_87 = arith.addi %add3A_12, %add3A_86 : i32
    %dma_wait3A_88 = arith.constant 0 : i32
    %dma_wait3A_89 = tpu.memref_slice %arg4[%add3A_87, %dma_wait3A_88] : memref<65536x256xf32, #tpu.memory_space<hbm>> -> memref<64x256xf32, #tpu.memory_space<hbm>>
    %dma_wait3A_90 = arith.constant 0 : i32
    %dma_wait3A_91 = tpu.memref_slice %arg4[%add3A_87, %dma_wait3A_90] : memref<65536x256xf32, #tpu.memory_space<hbm>> -> memref<64x256xf32, #tpu.memory_space<hbm>>
    tpu.wait_dma2 semaphore(%arg17 : memref<!tpu.dma_semaphore, #tpu.memory_space<semaphore_mem>>) src(%arg9 : memref<64x256xf32, #tpu.memory_space<vmem>>) dst(%dma_wait3A_91 : memref<64x256xf32, #tpu.memory_space<hbm>>)
    %dma_start3A_92 = arith.constant 320 : i32
    %dma_start3A_93 = tpu.memref_slice %arg7[%dma_start3A_92] : memref<768xi32, #tpu.memory_space<vmem>> -> memref<64xi32, #tpu.memory_space<vmem>>
    %dma_start3A_94 = arith.constant 0 : i32
    %dma_start3A_95 = arith.constant 0 : i32
    %dma_start3A_96 = tpu.memref_slice %arg2[%dma_start3A_94, %dma_start3A_95] : memref<16384x256xf32, #tpu.memory_space<hbm>> -> memref<16384x256xf32, #tpu.memory_space<hbm>>
    tpu.enqueue_indirect_dma source(%dma_start3A_96 : memref<16384x256xf32, #tpu.memory_space<hbm>>) target(%arg9 : memref<64x256xf32, #tpu.memory_space<vmem>>) offsets(%dma_start3A_93 : memref<64xi32, #tpu.memory_space<vmem>>) semaphore(%arg13 : memref<!tpu.dma_semaphore, #tpu.memory_space<semaphore_mem>>)
    %scan3A_97 = arith.constant 0 : i32
    %scan3A_98 = arith.constant 1 : i32
    %mul3A_99 = arith.constant 4 : i32
    %mul3A_100 = arith.muli %mul3A_99, %scan3A_98 : i32
    %add3A_101 = arith.constant 0 : i32
    %add3A_102 = arith.addi %mul3A_100, %add3A_101 : i32
    %add3A_103 = arith.constant 0 : i32
    %add3A_104 = arith.addi %mul3A_100, %add3A_103 : i32
    %jit3A = arith.constant 4 : i32
    %eq3A = arith.constant 0 : i32
    %eq3A_105 = arith.cmpi eq, %jit3A, %eq3A : i32
    %jit3A_106 = arith.constant 1 : i32
    %select_n3A = arith.select %eq3A_105, %jit3A_106, %jit3A : i32
    %rem3A = arith.remsi %add3A_104, %select_n3A : i32
    %ne3A = arith.constant 0 : i32
    %ne3A_107 = arith.cmpi ne, %rem3A, %ne3A : i32
    %lt3A = arith.constant 0 : i32
    %lt3A_108 = arith.cmpi slt, %rem3A, %lt3A : i32
    %lt3A_109 = arith.constant 0 : i32
    %lt3A_110 = arith.cmpi slt, %select_n3A, %lt3A_109 : i32
    %ne3A_111 = arith.xori %lt3A_108, %lt3A_110 : i1
    %and3A = arith.andi %ne3A_111, %ne3A_107 : i1
    %add3A_112 = arith.addi %rem3A, %select_n3A : i32
    %select_n3A_113 = arith.select %and3A, %add3A_112, %rem3A : i32
    %mul3A_114 = arith.constant 64 : i32
    %mul3A_115 = arith.muli %add3A_102, %mul3A_114 : i32
    %dma_wait3A_116 = tpu.memref_slice %arg7[%mul3A_115] : memref<768xi32, #tpu.memory_space<vmem>> -> memref<64xi32, #tpu.memory_space<vmem>>
    %dma_wait3A_117 = arith.constant 0 : i32
    %dma_wait3A_118 = arith.constant 0 : i32
    %dma_wait3A_119 = tpu.memref_slice %arg2[%dma_wait3A_117, %dma_wait3A_118] : memref<16384x256xf32, #tpu.memory_space<hbm>> -> memref<16384x256xf32, #tpu.memory_space<hbm>>
    tpu.wait_indirect_dma semaphore(%arg12 : memref<!tpu.dma_semaphore, #tpu.memory_space<semaphore_mem>>) src(%dma_wait3A_119 : memref<16384x256xf32, #tpu.memory_space<hbm>>) dst(%arg8 : memref<64x256xf32, #tpu.memory_space<vmem>>)
    %mul3A_120 = arith.constant 64 : i32
    %mul3A_121 = arith.muli %add3A_102, %mul3A_120 : i32
    %add3A_122 = arith.addi %add3A_12, %mul3A_121 : i32
    %dma_start3A_123 = arith.constant 0 : i32
    %dma_start3A_124 = tpu.memref_slice %arg4[%add3A_122, %dma_start3A_123] : memref<65536x256xf32, #tpu.memory_space<hbm>> -> memref<64x256xf32, #tpu.memory_space<hbm>>
    %dma_start3A_125 = arith.constant 0 : i32
    %dma_start3A_126 = tpu.memref_slice %arg4[%add3A_122, %dma_start3A_125] : memref<65536x256xf32, #tpu.memory_space<hbm>> -> memref<64x256xf32, #tpu.memory_space<hbm>>
    tpu.enqueue_dma source(%arg8 : memref<64x256xf32, #tpu.memory_space<vmem>>) target(%dma_start3A_126 : memref<64x256xf32, #tpu.memory_space<hbm>>) target_semaphore(%arg16 : memref<!tpu.dma_semaphore, #tpu.memory_space<semaphore_mem>>)
    %sub3A = arith.constant 2 : i32
    %sub3A_127 = arith.subi %add3A_102, %sub3A : i32
    %mul3A_128 = arith.constant 64 : i32
    %mul3A_129 = arith.muli %sub3A_127, %mul3A_128 : i32
    %add3A_130 = arith.addi %add3A_12, %mul3A_129 : i32
    %dma_wait3A_131 = arith.constant 0 : i32
    %dma_wait3A_132 = tpu.memref_slice %arg4[%add3A_130, %dma_wait3A_131] : memref<65536x256xf32, #tpu.memory_space<hbm>> -> memref<64x256xf32, #tpu.memory_space<hbm>>
    %dma_wait3A_133 = arith.constant 0 : i32
    %dma_wait3A_134 = tpu.memref_slice %arg4[%add3A_130, %dma_wait3A_133] : memref<65536x256xf32, #tpu.memory_space<hbm>> -> memref<64x256xf32, #tpu.memory_space<hbm>>
    tpu.wait_dma2 semaphore(%arg18 : memref<!tpu.dma_semaphore, #tpu.memory_space<semaphore_mem>>) src(%arg10 : memref<64x256xf32, #tpu.memory_space<vmem>>) dst(%dma_wait3A_134 : memref<64x256xf32, #tpu.memory_space<hbm>>)
    %add3A_135 = arith.constant 2 : i32
    %add3A_136 = arith.addi %add3A_102, %add3A_135 : i32
    %mul3A_137 = arith.constant 64 : i32
    %mul3A_138 = arith.muli %add3A_136, %mul3A_137 : i32
    %dma_start3A_139 = tpu.memref_slice %arg7[%mul3A_138] : memref<768xi32, #tpu.memory_space<vmem>> -> memref<64xi32, #tpu.memory_space<vmem>>
    %dma_start3A_140 = arith.constant 0 : i32
    %dma_start3A_141 = arith.constant 0 : i32
    %dma_start3A_142 = tpu.memref_slice %arg2[%dma_start3A_140, %dma_start3A_141] : memref<16384x256xf32, #tpu.memory_space<hbm>> -> memref<16384x256xf32, #tpu.memory_space<hbm>>
    tpu.enqueue_indirect_dma source(%dma_start3A_142 : memref<16384x256xf32, #tpu.memory_space<hbm>>) target(%arg10 : memref<64x256xf32, #tpu.memory_space<vmem>>) offsets(%dma_start3A_139 : memref<64xi32, #tpu.memory_space<vmem>>) semaphore(%arg14 : memref<!tpu.dma_semaphore, #tpu.memory_space<semaphore_mem>>)
    %add3A_143 = arith.constant 1 : i32
    %add3A_144 = arith.addi %mul3A_100, %add3A_143 : i32
    %add3A_145 = arith.constant 1 : i32
    %add3A_146 = arith.addi %mul3A_100, %add3A_145 : i32
    %jit3A_147 = arith.constant 4 : i32
    %eq3A_148 = arith.constant 0 : i32
    %eq3A_149 = arith.cmpi eq, %jit3A_147, %eq3A_148 : i32
    %jit3A_150 = arith.constant 1 : i32
    %select_n3A_151 = arith.select %eq3A_149, %jit3A_150, %jit3A_147 : i32
    %rem3A_152 = arith.remsi %add3A_146, %select_n3A_151 : i32
    %ne3A_153 = arith.constant 0 : i32
    %ne3A_154 = arith.cmpi ne, %rem3A_152, %ne3A_153 : i32
    %lt3A_155 = arith.constant 0 : i32
    %lt3A_156 = arith.cmpi slt, %rem3A_152, %lt3A_155 : i32
    %lt3A_157 = arith.constant 0 : i32
    %lt3A_158 = arith.cmpi slt, %select_n3A_151, %lt3A_157 : i32
    %ne3A_159 = arith.xori %lt3A_156, %lt3A_158 : i1
    %and3A_160 = arith.andi %ne3A_159, %ne3A_154 : i1
    %add3A_161 = arith.addi %rem3A_152, %select_n3A_151 : i32
    %select_n3A_162 = arith.select %and3A_160, %add3A_161, %rem3A_152 : i32
    %mul3A_163 = arith.constant 64 : i32
    %mul3A_164 = arith.muli %add3A_144, %mul3A_163 : i32
    %dma_wait3A_165 = tpu.memref_slice %arg7[%mul3A_164] : memref<768xi32, #tpu.memory_space<vmem>> -> memref<64xi32, #tpu.memory_space<vmem>>
    %dma_wait3A_166 = arith.constant 0 : i32
    %dma_wait3A_167 = arith.constant 0 : i32
    %dma_wait3A_168 = tpu.memref_slice %arg2[%dma_wait3A_166, %dma_wait3A_167] : memref<16384x256xf32, #tpu.memory_space<hbm>> -> memref<16384x256xf32, #tpu.memory_space<hbm>>
    tpu.wait_indirect_dma semaphore(%arg13 : memref<!tpu.dma_semaphore, #tpu.memory_space<semaphore_mem>>) src(%dma_wait3A_168 : memref<16384x256xf32, #tpu.memory_space<hbm>>) dst(%arg9 : memref<64x256xf32, #tpu.memory_space<vmem>>)
    %mul3A_169 = arith.constant 64 : i32
    %mul3A_170 = arith.muli %add3A_144, %mul3A_169 : i32
    %add3A_171 = arith.addi %add3A_12, %mul3A_170 : i32
    %dma_start3A_172 = arith.constant 0 : i32
    %dma_start3A_173 = tpu.memref_slice %arg4[%add3A_171, %dma_start3A_172] : memref<65536x256xf32, #tpu.memory_space<hbm>> -> memref<64x256xf32, #tpu.memory_space<hbm>>
    %dma_start3A_174 = arith.constant 0 : i32
    %dma_start3A_175 = tpu.memref_slice %arg4[%add3A_171, %dma_start3A_174] : memref<65536x256xf32, #tpu.memory_space<hbm>> -> memref<64x256xf32, #tpu.memory_space<hbm>>
    tpu.enqueue_dma source(%arg9 : memref<64x256xf32, #tpu.memory_space<vmem>>) target(%dma_start3A_175 : memref<64x256xf32, #tpu.memory_space<hbm>>) target_semaphore(%arg17 : memref<!tpu.dma_semaphore, #tpu.memory_space<semaphore_mem>>)
    %sub3A_176 = arith.constant 2 : i32
    %sub3A_177 = arith.subi %add3A_144, %sub3A_176 : i32
    %mul3A_178 = arith.constant 64 : i32
    %mul3A_179 = arith.muli %sub3A_177, %mul3A_178 : i32
    %add3A_180 = arith.addi %add3A_12, %mul3A_179 : i32
    %dma_wait3A_181 = arith.constant 0 : i32
    %dma_wait3A_182 = tpu.memref_slice %arg4[%add3A_180, %dma_wait3A_181] : memref<65536x256xf32, #tpu.memory_space<hbm>> -> memref<64x256xf32, #tpu.memory_space<hbm>>
    %dma_wait3A_183 = arith.constant 0 : i32
    %dma_wait3A_184 = tpu.memref_slice %arg4[%add3A_180, %dma_wait3A_183] : memref<65536x256xf32, #tpu.memory_space<hbm>> -> memref<64x256xf32, #tpu.memory_space<hbm>>
    tpu.wait_dma2 semaphore(%arg19 : memref<!tpu.dma_semaphore, #tpu.memory_space<semaphore_mem>>) src(%arg11 : memref<64x256xf32, #tpu.memory_space<vmem>>) dst(%dma_wait3A_184 : memref<64x256xf32, #tpu.memory_space<hbm>>)
    %add3A_185 = arith.constant 2 : i32
    %add3A_186 = arith.addi %add3A_144, %add3A_185 : i32
    %mul3A_187 = arith.constant 64 : i32
    %mul3A_188 = arith.muli %add3A_186, %mul3A_187 : i32
    %dma_start3A_189 = tpu.memref_slice %arg7[%mul3A_188] : memref<768xi32, #tpu.memory_space<vmem>> -> memref<64xi32, #tpu.memory_space<vmem>>
    %dma_start3A_190 = arith.constant 0 : i32
    %dma_start3A_191 = arith.constant 0 : i32
    %dma_start3A_192 = tpu.memref_slice %arg2[%dma_start3A_190, %dma_start3A_191] : memref<16384x256xf32, #tpu.memory_space<hbm>> -> memref<16384x256xf32, #tpu.memory_space<hbm>>
    tpu.enqueue_indirect_dma source(%dma_start3A_192 : memref<16384x256xf32, #tpu.memory_space<hbm>>) target(%arg11 : memref<64x256xf32, #tpu.memory_space<vmem>>) offsets(%dma_start3A_189 : memref<64xi32, #tpu.memory_space<vmem>>) semaphore(%arg15 : memref<!tpu.dma_semaphore, #tpu.memory_space<semaphore_mem>>)
    %add3A_193 = arith.constant 2 : i32
    %add3A_194 = arith.addi %mul3A_100, %add3A_193 : i32
    %add3A_195 = arith.constant 2 : i32
    %add3A_196 = arith.addi %mul3A_100, %add3A_195 : i32
    %jit3A_197 = arith.constant 4 : i32
    %eq3A_198 = arith.constant 0 : i32
    %eq3A_199 = arith.cmpi eq, %jit3A_197, %eq3A_198 : i32
    %jit3A_200 = arith.constant 1 : i32
    %select_n3A_201 = arith.select %eq3A_199, %jit3A_200, %jit3A_197 : i32
    %rem3A_202 = arith.remsi %add3A_196, %select_n3A_201 : i32
    %ne3A_203 = arith.constant 0 : i32
    %ne3A_204 = arith.cmpi ne, %rem3A_202, %ne3A_203 : i32
    %lt3A_205 = arith.constant 0 : i32
    %lt3A_206 = arith.cmpi slt, %rem3A_202, %lt3A_205 : i32
    %lt3A_207 = arith.constant 0 : i32
    %lt3A_208 = arith.cmpi slt, %select_n3A_201, %lt3A_207 : i32
    %ne3A_209 = arith.xori %lt3A_206, %lt3A_208 : i1
    %and3A_210 = arith.andi %ne3A_209, %ne3A_204 : i1
    %add3A_211 = arith.addi %rem3A_202, %select_n3A_201 : i32
    %select_n3A_212 = arith.select %and3A_210, %add3A_211, %rem3A_202 : i32
    %mul3A_213 = arith.constant 64 : i32
    %mul3A_214 = arith.muli %add3A_194, %mul3A_213 : i32
    %dma_wait3A_215 = tpu.memref_slice %arg7[%mul3A_214] : memref<768xi32, #tpu.memory_space<vmem>> -> memref<64xi32, #tpu.memory_space<vmem>>
    %dma_wait3A_216 = arith.constant 0 : i32
    %dma_wait3A_217 = arith.constant 0 : i32
    %dma_wait3A_218 = tpu.memref_slice %arg2[%dma_wait3A_216, %dma_wait3A_217] : memref<16384x256xf32, #tpu.memory_space<hbm>> -> memref<16384x256xf32, #tpu.memory_space<hbm>>
    tpu.wait_indirect_dma semaphore(%arg14 : memref<!tpu.dma_semaphore, #tpu.memory_space<semaphore_mem>>) src(%dma_wait3A_218 : memref<16384x256xf32, #tpu.memory_space<hbm>>) dst(%arg10 : memref<64x256xf32, #tpu.memory_space<vmem>>)
    %mul3A_219 = arith.constant 64 : i32
    %mul3A_220 = arith.muli %add3A_194, %mul3A_219 : i32
    %add3A_221 = arith.addi %add3A_12, %mul3A_220 : i32
    %dma_start3A_222 = arith.constant 0 : i32
    %dma_start3A_223 = tpu.memref_slice %arg4[%add3A_221, %dma_start3A_222] : memref<65536x256xf32, #tpu.memory_space<hbm>> -> memref<64x256xf32, #tpu.memory_space<hbm>>
    %dma_start3A_224 = arith.constant 0 : i32
    %dma_start3A_225 = tpu.memref_slice %arg4[%add3A_221, %dma_start3A_224] : memref<65536x256xf32, #tpu.memory_space<hbm>> -> memref<64x256xf32, #tpu.memory_space<hbm>>
    tpu.enqueue_dma source(%arg10 : memref<64x256xf32, #tpu.memory_space<vmem>>) target(%dma_start3A_225 : memref<64x256xf32, #tpu.memory_space<hbm>>) target_semaphore(%arg18 : memref<!tpu.dma_semaphore, #tpu.memory_space<semaphore_mem>>)
    %sub3A_226 = arith.constant 2 : i32
    %sub3A_227 = arith.subi %add3A_194, %sub3A_226 : i32
    %mul3A_228 = arith.constant 64 : i32
    %mul3A_229 = arith.muli %sub3A_227, %mul3A_228 : i32
    %add3A_230 = arith.addi %add3A_12, %mul3A_229 : i32
    %dma_wait3A_231 = arith.constant 0 : i32
    %dma_wait3A_232 = tpu.memref_slice %arg4[%add3A_230, %dma_wait3A_231] : memref<65536x256xf32, #tpu.memory_space<hbm>> -> memref<64x256xf32, #tpu.memory_space<hbm>>
    %dma_wait3A_233 = arith.constant 0 : i32
    %dma_wait3A_234 = tpu.memref_slice %arg4[%add3A_230, %dma_wait3A_233] : memref<65536x256xf32, #tpu.memory_space<hbm>> -> memref<64x256xf32, #tpu.memory_space<hbm>>
    tpu.wait_dma2 semaphore(%arg16 : memref<!tpu.dma_semaphore, #tpu.memory_space<semaphore_mem>>) src(%arg8 : memref<64x256xf32, #tpu.memory_space<vmem>>) dst(%dma_wait3A_234 : memref<64x256xf32, #tpu.memory_space<hbm>>)
    %add3A_235 = arith.constant 2 : i32
    %add3A_236 = arith.addi %add3A_194, %add3A_235 : i32
    %mul3A_237 = arith.constant 64 : i32
    %mul3A_238 = arith.muli %add3A_236, %mul3A_237 : i32
    %dma_start3A_239 = tpu.memref_slice %arg7[%mul3A_238] : memref<768xi32, #tpu.memory_space<vmem>> -> memref<64xi32, #tpu.memory_space<vmem>>
    %dma_start3A_240 = arith.constant 0 : i32
    %dma_start3A_241 = arith.constant 0 : i32
    %dma_start3A_242 = tpu.memref_slice %arg2[%dma_start3A_240, %dma_start3A_241] : memref<16384x256xf32, #tpu.memory_space<hbm>> -> memref<16384x256xf32, #tpu.memory_space<hbm>>
    tpu.enqueue_indirect_dma source(%dma_start3A_242 : memref<16384x256xf32, #tpu.memory_space<hbm>>) target(%arg8 : memref<64x256xf32, #tpu.memory_space<vmem>>) offsets(%dma_start3A_239 : memref<64xi32, #tpu.memory_space<vmem>>) semaphore(%arg12 : memref<!tpu.dma_semaphore, #tpu.memory_space<semaphore_mem>>)
    %add3A_243 = arith.constant 3 : i32
    %add3A_244 = arith.addi %mul3A_100, %add3A_243 : i32
    %add3A_245 = arith.constant 3 : i32
    %add3A_246 = arith.addi %mul3A_100, %add3A_245 : i32
    %jit3A_247 = arith.constant 4 : i32
    %eq3A_248 = arith.constant 0 : i32
    %eq3A_249 = arith.cmpi eq, %jit3A_247, %eq3A_248 : i32
    %jit3A_250 = arith.constant 1 : i32
    %select_n3A_251 = arith.select %eq3A_249, %jit3A_250, %jit3A_247 : i32
    %rem3A_252 = arith.remsi %add3A_246, %select_n3A_251 : i32
    %ne3A_253 = arith.constant 0 : i32
    %ne3A_254 = arith.cmpi ne, %rem3A_252, %ne3A_253 : i32
    %lt3A_255 = arith.constant 0 : i32
    %lt3A_256 = arith.cmpi slt, %rem3A_252, %lt3A_255 : i32
    %lt3A_257 = arith.constant 0 : i32
    %lt3A_258 = arith.cmpi slt, %select_n3A_251, %lt3A_257 : i32
    %ne3A_259 = arith.xori %lt3A_256, %lt3A_258 : i1
    %and3A_260 = arith.andi %ne3A_259, %ne3A_254 : i1
    %add3A_261 = arith.addi %rem3A_252, %select_n3A_251 : i32
    %select_n3A_262 = arith.select %and3A_260, %add3A_261, %rem3A_252 : i32
    %mul3A_263 = arith.constant 64 : i32
    %mul3A_264 = arith.muli %add3A_244, %mul3A_263 : i32
    %dma_wait3A_265 = tpu.memref_slice %arg7[%mul3A_264] : memref<768xi32, #tpu.memory_space<vmem>> -> memref<64xi32, #tpu.memory_space<vmem>>
    %dma_wait3A_266 = arith.constant 0 : i32
    %dma_wait3A_267 = arith.constant 0 : i32
    %dma_wait3A_268 = tpu.memref_slice %arg2[%dma_wait3A_266, %dma_wait3A_267] : memref<16384x256xf32, #tpu.memory_space<hbm>> -> memref<16384x256xf32, #tpu.memory_space<hbm>>
    tpu.wait_indirect_dma semaphore(%arg15 : memref<!tpu.dma_semaphore, #tpu.memory_space<semaphore_mem>>) src(%dma_wait3A_268 : memref<16384x256xf32, #tpu.memory_space<hbm>>) dst(%arg11 : memref<64x256xf32, #tpu.memory_space<vmem>>)
    %mul3A_269 = arith.constant 64 : i32
    %mul3A_270 = arith.muli %add3A_244, %mul3A_269 : i32
    %add3A_271 = arith.addi %add3A_12, %mul3A_270 : i32
    %dma_start3A_272 = arith.constant 0 : i32
    %dma_start3A_273 = tpu.memref_slice %arg4[%add3A_271, %dma_start3A_272] : memref<65536x256xf32, #tpu.memory_space<hbm>> -> memref<64x256xf32, #tpu.memory_space<hbm>>
    %dma_start3A_274 = arith.constant 0 : i32
    %dma_start3A_275 = tpu.memref_slice %arg4[%add3A_271, %dma_start3A_274] : memref<65536x256xf32, #tpu.memory_space<hbm>> -> memref<64x256xf32, #tpu.memory_space<hbm>>
    tpu.enqueue_dma source(%arg11 : memref<64x256xf32, #tpu.memory_space<vmem>>) target(%dma_start3A_275 : memref<64x256xf32, #tpu.memory_space<hbm>>) target_semaphore(%arg19 : memref<!tpu.dma_semaphore, #tpu.memory_space<semaphore_mem>>)
    %sub3A_276 = arith.constant 2 : i32
    %sub3A_277 = arith.subi %add3A_244, %sub3A_276 : i32
    %mul3A_278 = arith.constant 64 : i32
    %mul3A_279 = arith.muli %sub3A_277, %mul3A_278 : i32
    %add3A_280 = arith.addi %add3A_12, %mul3A_279 : i32
    %dma_wait3A_281 = arith.constant 0 : i32
    %dma_wait3A_282 = tpu.memref_slice %arg4[%add3A_280, %dma_wait3A_281] : memref<65536x256xf32, #tpu.memory_space<hbm>> -> memref<64x256xf32, #tpu.memory_space<hbm>>
    %dma_wait3A_283 = arith.constant 0 : i32
    %dma_wait3A_284 = tpu.memref_slice %arg4[%add3A_280, %dma_wait3A_283] : memref<65536x256xf32, #tpu.memory_space<hbm>> -> memref<64x256xf32, #tpu.memory_space<hbm>>
    tpu.wait_dma2 semaphore(%arg17 : memref<!tpu.dma_semaphore, #tpu.memory_space<semaphore_mem>>) src(%arg9 : memref<64x256xf32, #tpu.memory_space<vmem>>) dst(%dma_wait3A_284 : memref<64x256xf32, #tpu.memory_space<hbm>>)
    %add3A_285 = arith.constant 2 : i32
    %add3A_286 = arith.addi %add3A_244, %add3A_285 : i32
    %mul3A_287 = arith.constant 64 : i32
    %mul3A_288 = arith.muli %add3A_286, %mul3A_287 : i32
    %dma_start3A_289 = tpu.memref_slice %arg7[%mul3A_288] : memref<768xi32, #tpu.memory_space<vmem>> -> memref<64xi32, #tpu.memory_space<vmem>>
    %dma_start3A_290 = arith.constant 0 : i32
    %dma_start3A_291 = arith.constant 0 : i32
    %dma_start3A_292 = tpu.memref_slice %arg2[%dma_start3A_290, %dma_start3A_291] : memref<16384x256xf32, #tpu.memory_space<hbm>> -> memref<16384x256xf32, #tpu.memory_space<hbm>>
    tpu.enqueue_indirect_dma source(%dma_start3A_292 : memref<16384x256xf32, #tpu.memory_space<hbm>>) target(%arg9 : memref<64x256xf32, #tpu.memory_space<vmem>>) offsets(%dma_start3A_289 : memref<64xi32, #tpu.memory_space<vmem>>) semaphore(%arg13 : memref<!tpu.dma_semaphore, #tpu.memory_space<semaphore_mem>>)
    %scan3A_293 = arith.constant 0 : i32
    %scan3A_294 = arith.constant 1 : i32
    %dma_wait3A_295 = arith.constant 512 : i32
    %dma_wait3A_296 = tpu.memref_slice %arg7[%dma_wait3A_295] : memref<768xi32, #tpu.memory_space<vmem>> -> memref<64xi32, #tpu.memory_space<vmem>>
    %dma_wait3A_297 = arith.constant 0 : i32
    %dma_wait3A_298 = arith.constant 0 : i32
    %dma_wait3A_299 = tpu.memref_slice %arg2[%dma_wait3A_297, %dma_wait3A_298] : memref<16384x256xf32, #tpu.memory_space<hbm>> -> memref<16384x256xf32, #tpu.memory_space<hbm>>
    tpu.wait_indirect_dma semaphore(%arg12 : memref<!tpu.dma_semaphore, #tpu.memory_space<semaphore_mem>>) src(%dma_wait3A_299 : memref<16384x256xf32, #tpu.memory_space<hbm>>) dst(%arg8 : memref<64x256xf32, #tpu.memory_space<vmem>>)
    %add3A_300 = arith.constant 512 : i32
    %add3A_301 = arith.addi %add3A_12, %add3A_300 : i32
    %dma_start3A_302 = arith.constant 0 : i32
    %dma_start3A_303 = tpu.memref_slice %arg4[%add3A_301, %dma_start3A_302] : memref<65536x256xf32, #tpu.memory_space<hbm>> -> memref<64x256xf32, #tpu.memory_space<hbm>>
    %dma_start3A_304 = arith.constant 0 : i32
    %dma_start3A_305 = tpu.memref_slice %arg4[%add3A_301, %dma_start3A_304] : memref<65536x256xf32, #tpu.memory_space<hbm>> -> memref<64x256xf32, #tpu.memory_space<hbm>>
    tpu.enqueue_dma source(%arg8 : memref<64x256xf32, #tpu.memory_space<vmem>>) target(%dma_start3A_305 : memref<64x256xf32, #tpu.memory_space<hbm>>) target_semaphore(%arg16 : memref<!tpu.dma_semaphore, #tpu.memory_space<semaphore_mem>>)
    %add3A_306 = arith.constant 384 : i32
    %add3A_307 = arith.addi %add3A_12, %add3A_306 : i32
    %dma_wait3A_308 = arith.constant 0 : i32
    %dma_wait3A_309 = tpu.memref_slice %arg4[%add3A_307, %dma_wait3A_308] : memref<65536x256xf32, #tpu.memory_space<hbm>> -> memref<64x256xf32, #tpu.memory_space<hbm>>
    %dma_wait3A_310 = arith.constant 0 : i32
    %dma_wait3A_311 = tpu.memref_slice %arg4[%add3A_307, %dma_wait3A_310] : memref<65536x256xf32, #tpu.memory_space<hbm>> -> memref<64x256xf32, #tpu.memory_space<hbm>>
    tpu.wait_dma2 semaphore(%arg18 : memref<!tpu.dma_semaphore, #tpu.memory_space<semaphore_mem>>) src(%arg10 : memref<64x256xf32, #tpu.memory_space<vmem>>) dst(%dma_wait3A_311 : memref<64x256xf32, #tpu.memory_space<hbm>>)
    %dma_start3A_312 = arith.constant 640 : i32
    %dma_start3A_313 = tpu.memref_slice %arg7[%dma_start3A_312] : memref<768xi32, #tpu.memory_space<vmem>> -> memref<64xi32, #tpu.memory_space<vmem>>
    %dma_start3A_314 = arith.constant 0 : i32
    %dma_start3A_315 = arith.constant 0 : i32
    %dma_start3A_316 = tpu.memref_slice %arg2[%dma_start3A_314, %dma_start3A_315] : memref<16384x256xf32, #tpu.memory_space<hbm>> -> memref<16384x256xf32, #tpu.memory_space<hbm>>
    tpu.enqueue_indirect_dma source(%dma_start3A_316 : memref<16384x256xf32, #tpu.memory_space<hbm>>) target(%arg10 : memref<64x256xf32, #tpu.memory_space<vmem>>) offsets(%dma_start3A_313 : memref<64xi32, #tpu.memory_space<vmem>>) semaphore(%arg14 : memref<!tpu.dma_semaphore, #tpu.memory_space<semaphore_mem>>)
    %dma_wait3A_317 = arith.constant 576 : i32
    %dma_wait3A_318 = tpu.memref_slice %arg7[%dma_wait3A_317] : memref<768xi32, #tpu.memory_space<vmem>> -> memref<64xi32, #tpu.memory_space<vmem>>
    %dma_wait3A_319 = arith.constant 0 : i32
    %dma_wait3A_320 = arith.constant 0 : i32
    %dma_wait3A_321 = tpu.memref_slice %arg2[%dma_wait3A_319, %dma_wait3A_320] : memref<16384x256xf32, #tpu.memory_space<hbm>> -> memref<16384x256xf32, #tpu.memory_space<hbm>>
    tpu.wait_indirect_dma semaphore(%arg13 : memref<!tpu.dma_semaphore, #tpu.memory_space<semaphore_mem>>) src(%dma_wait3A_321 : memref<16384x256xf32, #tpu.memory_space<hbm>>) dst(%arg9 : memref<64x256xf32, #tpu.memory_space<vmem>>)
    %add3A_322 = arith.constant 576 : i32
    %add3A_323 = arith.addi %add3A_12, %add3A_322 : i32
    %dma_start3A_324 = arith.constant 0 : i32
    %dma_start3A_325 = tpu.memref_slice %arg4[%add3A_323, %dma_start3A_324] : memref<65536x256xf32, #tpu.memory_space<hbm>> -> memref<64x256xf32, #tpu.memory_space<hbm>>
    %dma_start3A_326 = arith.constant 0 : i32
    %dma_start3A_327 = tpu.memref_slice %arg4[%add3A_323, %dma_start3A_326] : memref<65536x256xf32, #tpu.memory_space<hbm>> -> memref<64x256xf32, #tpu.memory_space<hbm>>
    tpu.enqueue_dma source(%arg9 : memref<64x256xf32, #tpu.memory_space<vmem>>) target(%dma_start3A_327 : memref<64x256xf32, #tpu.memory_space<hbm>>) target_semaphore(%arg17 : memref<!tpu.dma_semaphore, #tpu.memory_space<semaphore_mem>>)
    %add3A_328 = arith.constant 448 : i32
    %add3A_329 = arith.addi %add3A_12, %add3A_328 : i32
    %dma_wait3A_330 = arith.constant 0 : i32
    %dma_wait3A_331 = tpu.memref_slice %arg4[%add3A_329, %dma_wait3A_330] : memref<65536x256xf32, #tpu.memory_space<hbm>> -> memref<64x256xf32, #tpu.memory_space<hbm>>
    %dma_wait3A_332 = arith.constant 0 : i32
    %dma_wait3A_333 = tpu.memref_slice %arg4[%add3A_329, %dma_wait3A_332] : memref<65536x256xf32, #tpu.memory_space<hbm>> -> memref<64x256xf32, #tpu.memory_space<hbm>>
    tpu.wait_dma2 semaphore(%arg19 : memref<!tpu.dma_semaphore, #tpu.memory_space<semaphore_mem>>) src(%arg11 : memref<64x256xf32, #tpu.memory_space<vmem>>) dst(%dma_wait3A_333 : memref<64x256xf32, #tpu.memory_space<hbm>>)
    %dma_start3A_334 = arith.constant 704 : i32
    %dma_start3A_335 = tpu.memref_slice %arg7[%dma_start3A_334] : memref<768xi32, #tpu.memory_space<vmem>> -> memref<64xi32, #tpu.memory_space<vmem>>
    %dma_start3A_336 = arith.constant 0 : i32
    %dma_start3A_337 = arith.constant 0 : i32
    %dma_start3A_338 = tpu.memref_slice %arg2[%dma_start3A_336, %dma_start3A_337] : memref<16384x256xf32, #tpu.memory_space<hbm>> -> memref<16384x256xf32, #tpu.memory_space<hbm>>
    tpu.enqueue_indirect_dma source(%dma_start3A_338 : memref<16384x256xf32, #tpu.memory_space<hbm>>) target(%arg11 : memref<64x256xf32, #tpu.memory_space<vmem>>) offsets(%dma_start3A_335 : memref<64xi32, #tpu.memory_space<vmem>>) semaphore(%arg15 : memref<!tpu.dma_semaphore, #tpu.memory_space<semaphore_mem>>)
    %dma_wait3A_339 = arith.constant 640 : i32
    %dma_wait3A_340 = tpu.memref_slice %arg7[%dma_wait3A_339] : memref<768xi32, #tpu.memory_space<vmem>> -> memref<64xi32, #tpu.memory_space<vmem>>
    %dma_wait3A_341 = arith.constant 0 : i32
    %dma_wait3A_342 = arith.constant 0 : i32
    %dma_wait3A_343 = tpu.memref_slice %arg2[%dma_wait3A_341, %dma_wait3A_342] : memref<16384x256xf32, #tpu.memory_space<hbm>> -> memref<16384x256xf32, #tpu.memory_space<hbm>>
    tpu.wait_indirect_dma semaphore(%arg14 : memref<!tpu.dma_semaphore, #tpu.memory_space<semaphore_mem>>) src(%dma_wait3A_343 : memref<16384x256xf32, #tpu.memory_space<hbm>>) dst(%arg10 : memref<64x256xf32, #tpu.memory_space<vmem>>)
    %add3A_344 = arith.constant 640 : i32
    %add3A_345 = arith.addi %add3A_12, %add3A_344 : i32
    %dma_start3A_346 = arith.constant 0 : i32
    %dma_start3A_347 = tpu.memref_slice %arg4[%add3A_345, %dma_start3A_346] : memref<65536x256xf32, #tpu.memory_space<hbm>> -> memref<64x256xf32, #tpu.memory_space<hbm>>
    %dma_start3A_348 = arith.constant 0 : i32
    %dma_start3A_349 = tpu.memref_slice %arg4[%add3A_345, %dma_start3A_348] : memref<65536x256xf32, #tpu.memory_space<hbm>> -> memref<64x256xf32, #tpu.memory_space<hbm>>
    tpu.enqueue_dma source(%arg10 : memref<64x256xf32, #tpu.memory_space<vmem>>) target(%dma_start3A_349 : memref<64x256xf32, #tpu.memory_space<hbm>>) target_semaphore(%arg18 : memref<!tpu.dma_semaphore, #tpu.memory_space<semaphore_mem>>)
    %add3A_350 = arith.constant 512 : i32
    %add3A_351 = arith.addi %add3A_12, %add3A_350 : i32
    %dma_wait3A_352 = arith.constant 0 : i32
    %dma_wait3A_353 = tpu.memref_slice %arg4[%add3A_351, %dma_wait3A_352] : memref<65536x256xf32, #tpu.memory_space<hbm>> -> memref<64x256xf32, #tpu.memory_space<hbm>>
    %dma_wait3A_354 = arith.constant 0 : i32
    %dma_wait3A_355 = tpu.memref_slice %arg4[%add3A_351, %dma_wait3A_354] : memref<65536x256xf32, #tpu.memory_space<hbm>> -> memref<64x256xf32, #tpu.memory_space<hbm>>
    tpu.wait_dma2 semaphore(%arg16 : memref<!tpu.dma_semaphore, #tpu.memory_space<semaphore_mem>>) src(%arg8 : memref<64x256xf32, #tpu.memory_space<vmem>>) dst(%dma_wait3A_355 : memref<64x256xf32, #tpu.memory_space<hbm>>)
    %dma_wait3A_356 = arith.constant 704 : i32
    %dma_wait3A_357 = tpu.memref_slice %arg7[%dma_wait3A_356] : memref<768xi32, #tpu.memory_space<vmem>> -> memref<64xi32, #tpu.memory_space<vmem>>
    %dma_wait3A_358 = arith.constant 0 : i32
    %dma_wait3A_359 = arith.constant 0 : i32
    %dma_wait3A_360 = tpu.memref_slice %arg2[%dma_wait3A_358, %dma_wait3A_359] : memref<16384x256xf32, #tpu.memory_space<hbm>> -> memref<16384x256xf32, #tpu.memory_space<hbm>>
    tpu.wait_indirect_dma semaphore(%arg15 : memref<!tpu.dma_semaphore, #tpu.memory_space<semaphore_mem>>) src(%dma_wait3A_360 : memref<16384x256xf32, #tpu.memory_space<hbm>>) dst(%arg11 : memref<64x256xf32, #tpu.memory_space<vmem>>)
    %add3A_361 = arith.constant 704 : i32
    %add3A_362 = arith.addi %add3A_12, %add3A_361 : i32
    %dma_start3A_363 = arith.constant 0 : i32
    %dma_start3A_364 = tpu.memref_slice %arg4[%add3A_362, %dma_start3A_363] : memref<65536x256xf32, #tpu.memory_space<hbm>> -> memref<64x256xf32, #tpu.memory_space<hbm>>
    %dma_start3A_365 = arith.constant 0 : i32
    %dma_start3A_366 = tpu.memref_slice %arg4[%add3A_362, %dma_start3A_365] : memref<65536x256xf32, #tpu.memory_space<hbm>> -> memref<64x256xf32, #tpu.memory_space<hbm>>
    tpu.enqueue_dma source(%arg11 : memref<64x256xf32, #tpu.memory_space<vmem>>) target(%dma_start3A_366 : memref<64x256xf32, #tpu.memory_space<hbm>>) target_semaphore(%arg19 : memref<!tpu.dma_semaphore, #tpu.memory_space<semaphore_mem>>)
    %add3A_367 = arith.constant 576 : i32
    %add3A_368 = arith.addi %add3A_12, %add3A_367 : i32
    %dma_wait3A_369 = arith.constant 0 : i32
    %dma_wait3A_370 = tpu.memref_slice %arg4[%add3A_368, %dma_wait3A_369] : memref<65536x256xf32, #tpu.memory_space<hbm>> -> memref<64x256xf32, #tpu.memory_space<hbm>>
    %dma_wait3A_371 = arith.constant 0 : i32
    %dma_wait3A_372 = tpu.memref_slice %arg4[%add3A_368, %dma_wait3A_371] : memref<65536x256xf32, #tpu.memory_space<hbm>> -> memref<64x256xf32, #tpu.memory_space<hbm>>
    tpu.wait_dma2 semaphore(%arg17 : memref<!tpu.dma_semaphore, #tpu.memory_space<semaphore_mem>>) src(%arg9 : memref<64x256xf32, #tpu.memory_space<vmem>>) dst(%dma_wait3A_372 : memref<64x256xf32, #tpu.memory_space<hbm>>)
    %add3A_373 = arith.constant 640 : i32
    %add3A_374 = arith.addi %add3A_12, %add3A_373 : i32
    %dma_wait3A_375 = arith.constant 0 : i32
    %dma_wait3A_376 = tpu.memref_slice %arg4[%add3A_374, %dma_wait3A_375] : memref<65536x256xf32, #tpu.memory_space<hbm>> -> memref<64x256xf32, #tpu.memory_space<hbm>>
    %dma_wait3A_377 = arith.constant 0 : i32
    %dma_wait3A_378 = tpu.memref_slice %arg4[%add3A_374, %dma_wait3A_377] : memref<65536x256xf32, #tpu.memory_space<hbm>> -> memref<64x256xf32, #tpu.memory_space<hbm>>
    tpu.wait_dma2 semaphore(%arg18 : memref<!tpu.dma_semaphore, #tpu.memory_space<semaphore_mem>>) src(%arg10 : memref<64x256xf32, #tpu.memory_space<vmem>>) dst(%dma_wait3A_378 : memref<64x256xf32, #tpu.memory_space<hbm>>)
    %add3A_379 = arith.constant 704 : i32
    %add3A_380 = arith.addi %add3A_12, %add3A_379 : i32
    %dma_wait3A_381 = arith.constant 0 : i32
    %dma_wait3A_382 = tpu.memref_slice %arg4[%add3A_380, %dma_wait3A_381] : memref<65536x256xf32, #tpu.memory_space<hbm>> -> memref<64x256xf32, #tpu.memory_space<hbm>>
    %dma_wait3A_383 = arith.constant 0 : i32
    %dma_wait3A_384 = tpu.memref_slice %arg4[%add3A_380, %dma_wait3A_383] : memref<65536x256xf32, #tpu.memory_space<hbm>> -> memref<64x256xf32, #tpu.memory_space<hbm>>
    tpu.wait_dma2 semaphore(%arg19 : memref<!tpu.dma_semaphore, #tpu.memory_space<semaphore_mem>>) src(%arg11 : memref<64x256xf32, #tpu.memory_space<vmem>>) dst(%dma_wait3A_384 : memref<64x256xf32, #tpu.memory_space<hbm>>)
    return
  }
}

#map = affine_map<(d0, d1) -> (0, 0)>
module attributes {stable_mosaic.version = 14 : i64} {
  func.func @new_body(%arg0: i32, %arg1: i32, %arg2: memref<16384x256xf32, #tpu.memory_space<hbm>>, %arg3: memref<2560x16xi32, #tpu.memory_space<hbm>>, %arg4: memref<65536x256xf32, #tpu.memory_space<hbm>>, %arg5: memref<65536x256xf32, #tpu.memory_space<hbm>>, %arg6: memref<80x16xi32, #tpu.memory_space<vmem>>, %arg7: memref<1280xi32, #tpu.memory_space<vmem>>, %arg8: memref<64x256xf32, #tpu.memory_space<vmem>>, %arg9: memref<64x256xf32, #tpu.memory_space<vmem>>, %arg10: memref<64x256xf32, #tpu.memory_space<vmem>>, %arg11: memref<64x256xf32, #tpu.memory_space<vmem>>, %arg12: memref<!tpu.dma_semaphore, #tpu.memory_space<semaphore_mem>>, %arg13: memref<!tpu.dma_semaphore, #tpu.memory_space<semaphore_mem>>, %arg14: memref<!tpu.dma_semaphore, #tpu.memory_space<semaphore_mem>>, %arg15: memref<!tpu.dma_semaphore, #tpu.memory_space<semaphore_mem>>, %arg16: memref<!tpu.dma_semaphore, #tpu.memory_space<semaphore_mem>>, %arg17: memref<!tpu.dma_semaphore, #tpu.memory_space<semaphore_mem>>, %arg18: memref<!tpu.dma_semaphore, #tpu.memory_space<semaphore_mem>>, %arg19: memref<!tpu.dma_semaphore, #tpu.memory_space<semaphore_mem>>) attributes {dimension_semantics = [#tpu.dimension_semantics<core_parallel>, #tpu.dimension_semantics<subcore_parallel>], iteration_bounds = array<i64: 2, 16>, scalar_prefetch = 0 : i64, scratch_operands = 14 : i64, tpu.core_type = #tpu.core_type<sc_vector_subcore>, window_params = [{transform_indices = #map}, {transform_indices = #map}, {transform_indices = #map}, {transform_indices = #map}]} {
    %mul3A = arith.constant 2 : i32
    %mul3A_0 = arith.muli %arg1, %mul3A : i32
    %add3A = arith.addi %mul3A_0, %arg0 : i32
    %mul3A_1 = arith.constant 80 : i32
    %mul3A_2 = arith.muli %add3A, %mul3A_1 : i32
    "tpu.region"() ({
      %run_scoped3A = tpu.sem_alloc : memref<!tpu.dma_semaphore, #tpu.memory_space<semaphore_mem>>
      %dma_start3A_194 = arith.constant 0 : i32
      %dma_start3A_195 = tpu.memref_slice %arg3[%mul3A_2, %dma_start3A_194] : memref<2560x16xi32, #tpu.memory_space<hbm>> -> memref<80x16xi32, #tpu.memory_space<hbm>>
      %dma_start3A_196 = arith.constant 0 : i32
      %dma_start3A_197 = tpu.memref_slice %arg3[%mul3A_2, %dma_start3A_196] : memref<2560x16xi32, #tpu.memory_space<hbm>> -> memref<80x16xi32, #tpu.memory_space<hbm>>
      tpu.enqueue_dma source(%dma_start3A_197 : memref<80x16xi32, #tpu.memory_space<hbm>>) target(%arg6 : memref<80x16xi32, #tpu.memory_space<vmem>>) target_semaphore(%run_scoped3A : memref<!tpu.dma_semaphore, #tpu.memory_space<semaphore_mem>>)
      %dma_wait3A_198 = arith.constant 0 : i32
      %dma_wait3A_199 = tpu.memref_slice %arg3[%mul3A_2, %dma_wait3A_198] : memref<2560x16xi32, #tpu.memory_space<hbm>> -> memref<80x16xi32, #tpu.memory_space<hbm>>
      %dma_wait3A_200 = arith.constant 0 : i32
      %dma_wait3A_201 = tpu.memref_slice %arg3[%mul3A_2, %dma_wait3A_200] : memref<2560x16xi32, #tpu.memory_space<hbm>> -> memref<80x16xi32, #tpu.memory_space<hbm>>
      tpu.wait_dma2 semaphore(%run_scoped3A : memref<!tpu.dma_semaphore, #tpu.memory_space<semaphore_mem>>) src(%dma_wait3A_201 : memref<80x16xi32, #tpu.memory_space<hbm>>) dst(%arg6 : memref<80x16xi32, #tpu.memory_space<vmem>>)
      tpu.yield
    }) : () -> ()
    %scan3A = arith.constant 0 : i32
    %scan3A_3 = arith.constant 0 : i32
    %scan3A_4 = arith.constant 80 : i32
    %scan3A_5 = arith.addi %scan3A_3, %scan3A_4 : i32
    %scan3A_6 = arith.constant 1 : i32
    %scan3A_7 = scf.for %scan3A_194 = %scan3A_3 to %scan3A_5 step %scan3A_6 iter_args(%scan3A_195 = %scan3A) -> (i32)  : i32 {
      %get3A = arith.index_cast %scan3A_194 : i32 to index
      %get3A_196 = arith.constant 0 : index
      %get3A_197 = tpu.vector_load %arg6[%get3A, %get3A_196] {strides = array<i32>} : memref<80x16xi32, #tpu.memory_space<vmem>>, vector<1x16xi32>,
      %get3A_198 = vector.shape_cast %get3A_197 : vector<1x16xi32> to vector<16xi32>
      %mul3A_199 = arith.constant 16 : i32
      %mul3A_200 = arith.muli %scan3A_194, %mul3A_199 : i32
      %swap3A = arith.index_cast %mul3A_200 : i32 to index
      %swap3A_201 = tpu.vector_load %arg7[%swap3A] {strides = array<i32>} : memref<1280xi32, #tpu.memory_space<vmem>>, vector<16xi32>,
      %swap3A_202 = vector.shape_cast %swap3A_201 : vector<16xi32> to vector<16xi32>
      %swap3A_203 = vector.shape_cast %get3A_198 : vector<16xi32> to vector<16xi32>
      tpu.vector_store %arg7[%swap3A], %swap3A_203 {strides = array<i32>} : memref<1280xi32, #tpu.memory_space<vmem>>, vector<16xi32>,
      %scan3A_204 = arith.constant 0 : i32
      scf.yield %scan3A_204 : i32
    }
    %scan3A_8 = arith.constant 80 : i32
    %mul3A_9 = arith.constant 1280 : i32
    %mul3A_10 = arith.muli %add3A, %mul3A_9 : i32
    %add3A_11 = arith.constant 0 : i32
    %add3A_12 = arith.addi %add3A_11, %mul3A_10 : i32
    %dma_start3A = arith.constant 0 : i32
    %dma_start3A_13 = tpu.memref_slice %arg7[%dma_start3A] : memref<1280xi32, #tpu.memory_space<vmem>> -> memref<64xi32, #tpu.memory_space<vmem>>
    %dma_start3A_14 = arith.constant 0 : i32
    %dma_start3A_15 = arith.constant 0 : i32
    %dma_start3A_16 = tpu.memref_slice %arg2[%dma_start3A_14, %dma_start3A_15] : memref<16384x256xf32, #tpu.memory_space<hbm>> -> memref<16384x256xf32, #tpu.memory_space<hbm>>
    tpu.enqueue_indirect_dma source(%dma_start3A_16 : memref<16384x256xf32, #tpu.memory_space<hbm>>) target(%arg8 : memref<64x256xf32, #tpu.memory_space<vmem>>) offsets(%dma_start3A_13 : memref<64xi32, #tpu.memory_space<vmem>>) semaphore(%arg12 : memref<!tpu.dma_semaphore, #tpu.memory_space<semaphore_mem>>)
    %dma_start3A_17 = arith.constant 64 : i32
    %dma_start3A_18 = tpu.memref_slice %arg7[%dma_start3A_17] : memref<1280xi32, #tpu.memory_space<vmem>> -> memref<64xi32, #tpu.memory_space<vmem>>
    %dma_start3A_19 = arith.constant 0 : i32
    %dma_start3A_20 = arith.constant 0 : i32
    %dma_start3A_21 = tpu.memref_slice %arg2[%dma_start3A_19, %dma_start3A_20] : memref<16384x256xf32, #tpu.memory_space<hbm>> -> memref<16384x256xf32, #tpu.memory_space<hbm>>
    tpu.enqueue_indirect_dma source(%dma_start3A_21 : memref<16384x256xf32, #tpu.memory_space<hbm>>) target(%arg9 : memref<64x256xf32, #tpu.memory_space<vmem>>) offsets(%dma_start3A_18 : memref<64xi32, #tpu.memory_space<vmem>>) semaphore(%arg13 : memref<!tpu.dma_semaphore, #tpu.memory_space<semaphore_mem>>)
    %dma_wait3A = arith.constant 0 : i32
    %dma_wait3A_22 = tpu.memref_slice %arg7[%dma_wait3A] : memref<1280xi32, #tpu.memory_space<vmem>> -> memref<64xi32, #tpu.memory_space<vmem>>
    %dma_wait3A_23 = arith.constant 0 : i32
    %dma_wait3A_24 = arith.constant 0 : i32
    %dma_wait3A_25 = tpu.memref_slice %arg2[%dma_wait3A_23, %dma_wait3A_24] : memref<16384x256xf32, #tpu.memory_space<hbm>> -> memref<16384x256xf32, #tpu.memory_space<hbm>>
    tpu.wait_indirect_dma semaphore(%arg12 : memref<!tpu.dma_semaphore, #tpu.memory_space<semaphore_mem>>) src(%dma_wait3A_25 : memref<16384x256xf32, #tpu.memory_space<hbm>>) dst(%arg8 : memref<64x256xf32, #tpu.memory_space<vmem>>)
    %add3A_26 = arith.constant 0 : i32
    %add3A_27 = arith.addi %add3A_12, %add3A_26 : i32
    %dma_start3A_28 = arith.constant 0 : i32
    %dma_start3A_29 = tpu.memref_slice %arg4[%add3A_27, %dma_start3A_28] : memref<65536x256xf32, #tpu.memory_space<hbm>> -> memref<64x256xf32, #tpu.memory_space<hbm>>
    %dma_start3A_30 = arith.constant 0 : i32
    %dma_start3A_31 = tpu.memref_slice %arg4[%add3A_27, %dma_start3A_30] : memref<65536x256xf32, #tpu.memory_space<hbm>> -> memref<64x256xf32, #tpu.memory_space<hbm>>
    tpu.enqueue_dma source(%arg8 : memref<64x256xf32, #tpu.memory_space<vmem>>) target(%dma_start3A_31 : memref<64x256xf32, #tpu.memory_space<hbm>>) target_semaphore(%arg16 : memref<!tpu.dma_semaphore, #tpu.memory_space<semaphore_mem>>)
    %dma_start3A_32 = arith.constant 128 : i32
    %dma_start3A_33 = tpu.memref_slice %arg7[%dma_start3A_32] : memref<1280xi32, #tpu.memory_space<vmem>> -> memref<64xi32, #tpu.memory_space<vmem>>
    %dma_start3A_34 = arith.constant 0 : i32
    %dma_start3A_35 = arith.constant 0 : i32
    %dma_start3A_36 = tpu.memref_slice %arg2[%dma_start3A_34, %dma_start3A_35] : memref<16384x256xf32, #tpu.memory_space<hbm>> -> memref<16384x256xf32, #tpu.memory_space<hbm>>
    tpu.enqueue_indirect_dma source(%dma_start3A_36 : memref<16384x256xf32, #tpu.memory_space<hbm>>) target(%arg10 : memref<64x256xf32, #tpu.memory_space<vmem>>) offsets(%dma_start3A_33 : memref<64xi32, #tpu.memory_space<vmem>>) semaphore(%arg14 : memref<!tpu.dma_semaphore, #tpu.memory_space<semaphore_mem>>)
    %dma_wait3A_37 = arith.constant 64 : i32
    %dma_wait3A_38 = tpu.memref_slice %arg7[%dma_wait3A_37] : memref<1280xi32, #tpu.memory_space<vmem>> -> memref<64xi32, #tpu.memory_space<vmem>>
    %dma_wait3A_39 = arith.constant 0 : i32
    %dma_wait3A_40 = arith.constant 0 : i32
    %dma_wait3A_41 = tpu.memref_slice %arg2[%dma_wait3A_39, %dma_wait3A_40] : memref<16384x256xf32, #tpu.memory_space<hbm>> -> memref<16384x256xf32, #tpu.memory_space<hbm>>
    tpu.wait_indirect_dma semaphore(%arg13 : memref<!tpu.dma_semaphore, #tpu.memory_space<semaphore_mem>>) src(%dma_wait3A_41 : memref<16384x256xf32, #tpu.memory_space<hbm>>) dst(%arg9 : memref<64x256xf32, #tpu.memory_space<vmem>>)
    %add3A_42 = arith.constant 64 : i32
    %add3A_43 = arith.addi %add3A_12, %add3A_42 : i32
    %dma_start3A_44 = arith.constant 0 : i32
    %dma_start3A_45 = tpu.memref_slice %arg4[%add3A_43, %dma_start3A_44] : memref<65536x256xf32, #tpu.memory_space<hbm>> -> memref<64x256xf32, #tpu.memory_space<hbm>>
    %dma_start3A_46 = arith.constant 0 : i32
    %dma_start3A_47 = tpu.memref_slice %arg4[%add3A_43, %dma_start3A_46] : memref<65536x256xf32, #tpu.memory_space<hbm>> -> memref<64x256xf32, #tpu.memory_space<hbm>>
    tpu.enqueue_dma source(%arg9 : memref<64x256xf32, #tpu.memory_space<vmem>>) target(%dma_start3A_47 : memref<64x256xf32, #tpu.memory_space<hbm>>) target_semaphore(%arg17 : memref<!tpu.dma_semaphore, #tpu.memory_space<semaphore_mem>>)
    %dma_start3A_48 = arith.constant 192 : i32
    %dma_start3A_49 = tpu.memref_slice %arg7[%dma_start3A_48] : memref<1280xi32, #tpu.memory_space<vmem>> -> memref<64xi32, #tpu.memory_space<vmem>>
    %dma_start3A_50 = arith.constant 0 : i32
    %dma_start3A_51 = arith.constant 0 : i32
    %dma_start3A_52 = tpu.memref_slice %arg2[%dma_start3A_50, %dma_start3A_51] : memref<16384x256xf32, #tpu.memory_space<hbm>> -> memref<16384x256xf32, #tpu.memory_space<hbm>>
    tpu.enqueue_indirect_dma source(%dma_start3A_52 : memref<16384x256xf32, #tpu.memory_space<hbm>>) target(%arg11 : memref<64x256xf32, #tpu.memory_space<vmem>>) offsets(%dma_start3A_49 : memref<64xi32, #tpu.memory_space<vmem>>) semaphore(%arg15 : memref<!tpu.dma_semaphore, #tpu.memory_space<semaphore_mem>>)
    %dma_wait3A_53 = arith.constant 128 : i32
    %dma_wait3A_54 = tpu.memref_slice %arg7[%dma_wait3A_53] : memref<1280xi32, #tpu.memory_space<vmem>> -> memref<64xi32, #tpu.memory_space<vmem>>
    %dma_wait3A_55 = arith.constant 0 : i32
    %dma_wait3A_56 = arith.constant 0 : i32
    %dma_wait3A_57 = tpu.memref_slice %arg2[%dma_wait3A_55, %dma_wait3A_56] : memref<16384x256xf32, #tpu.memory_space<hbm>> -> memref<16384x256xf32, #tpu.memory_space<hbm>>
    tpu.wait_indirect_dma semaphore(%arg14 : memref<!tpu.dma_semaphore, #tpu.memory_space<semaphore_mem>>) src(%dma_wait3A_57 : memref<16384x256xf32, #tpu.memory_space<hbm>>) dst(%arg10 : memref<64x256xf32, #tpu.memory_space<vmem>>)
    %add3A_58 = arith.constant 128 : i32
    %add3A_59 = arith.addi %add3A_12, %add3A_58 : i32
    %dma_start3A_60 = arith.constant 0 : i32
    %dma_start3A_61 = tpu.memref_slice %arg4[%add3A_59, %dma_start3A_60] : memref<65536x256xf32, #tpu.memory_space<hbm>> -> memref<64x256xf32, #tpu.memory_space<hbm>>
    %dma_start3A_62 = arith.constant 0 : i32
    %dma_start3A_63 = tpu.memref_slice %arg4[%add3A_59, %dma_start3A_62] : memref<65536x256xf32, #tpu.memory_space<hbm>> -> memref<64x256xf32, #tpu.memory_space<hbm>>
    tpu.enqueue_dma source(%arg10 : memref<64x256xf32, #tpu.memory_space<vmem>>) target(%dma_start3A_63 : memref<64x256xf32, #tpu.memory_space<hbm>>) target_semaphore(%arg18 : memref<!tpu.dma_semaphore, #tpu.memory_space<semaphore_mem>>)
    %add3A_64 = arith.constant 0 : i32
    %add3A_65 = arith.addi %add3A_12, %add3A_64 : i32
    %dma_wait3A_66 = arith.constant 0 : i32
    %dma_wait3A_67 = tpu.memref_slice %arg4[%add3A_65, %dma_wait3A_66] : memref<65536x256xf32, #tpu.memory_space<hbm>> -> memref<64x256xf32, #tpu.memory_space<hbm>>
    %dma_wait3A_68 = arith.constant 0 : i32
    %dma_wait3A_69 = tpu.memref_slice %arg4[%add3A_65, %dma_wait3A_68] : memref<65536x256xf32, #tpu.memory_space<hbm>> -> memref<64x256xf32, #tpu.memory_space<hbm>>
    tpu.wait_dma2 semaphore(%arg16 : memref<!tpu.dma_semaphore, #tpu.memory_space<semaphore_mem>>) src(%arg8 : memref<64x256xf32, #tpu.memory_space<vmem>>) dst(%dma_wait3A_69 : memref<64x256xf32, #tpu.memory_space<hbm>>)
    %dma_start3A_70 = arith.constant 256 : i32
    %dma_start3A_71 = tpu.memref_slice %arg7[%dma_start3A_70] : memref<1280xi32, #tpu.memory_space<vmem>> -> memref<64xi32, #tpu.memory_space<vmem>>
    %dma_start3A_72 = arith.constant 0 : i32
    %dma_start3A_73 = arith.constant 0 : i32
    %dma_start3A_74 = tpu.memref_slice %arg2[%dma_start3A_72, %dma_start3A_73] : memref<16384x256xf32, #tpu.memory_space<hbm>> -> memref<16384x256xf32, #tpu.memory_space<hbm>>
    tpu.enqueue_indirect_dma source(%dma_start3A_74 : memref<16384x256xf32, #tpu.memory_space<hbm>>) target(%arg8 : memref<64x256xf32, #tpu.memory_space<vmem>>) offsets(%dma_start3A_71 : memref<64xi32, #tpu.memory_space<vmem>>) semaphore(%arg12 : memref<!tpu.dma_semaphore, #tpu.memory_space<semaphore_mem>>)
    %dma_wait3A_75 = arith.constant 192 : i32
    %dma_wait3A_76 = tpu.memref_slice %arg7[%dma_wait3A_75] : memref<1280xi32, #tpu.memory_space<vmem>> -> memref<64xi32, #tpu.memory_space<vmem>>
    %dma_wait3A_77 = arith.constant 0 : i32
    %dma_wait3A_78 = arith.constant 0 : i32
    %dma_wait3A_79 = tpu.memref_slice %arg2[%dma_wait3A_77, %dma_wait3A_78] : memref<16384x256xf32, #tpu.memory_space<hbm>> -> memref<16384x256xf32, #tpu.memory_space<hbm>>
    tpu.wait_indirect_dma semaphore(%arg15 : memref<!tpu.dma_semaphore, #tpu.memory_space<semaphore_mem>>) src(%dma_wait3A_79 : memref<16384x256xf32, #tpu.memory_space<hbm>>) dst(%arg11 : memref<64x256xf32, #tpu.memory_space<vmem>>)
    %add3A_80 = arith.constant 192 : i32
    %add3A_81 = arith.addi %add3A_12, %add3A_80 : i32
    %dma_start3A_82 = arith.constant 0 : i32
    %dma_start3A_83 = tpu.memref_slice %arg4[%add3A_81, %dma_start3A_82] : memref<65536x256xf32, #tpu.memory_space<hbm>> -> memref<64x256xf32, #tpu.memory_space<hbm>>
    %dma_start3A_84 = arith.constant 0 : i32
    %dma_start3A_85 = tpu.memref_slice %arg4[%add3A_81, %dma_start3A_84] : memref<65536x256xf32, #tpu.memory_space<hbm>> -> memref<64x256xf32, #tpu.memory_space<hbm>>
    tpu.enqueue_dma source(%arg11 : memref<64x256xf32, #tpu.memory_space<vmem>>) target(%dma_start3A_85 : memref<64x256xf32, #tpu.memory_space<hbm>>) target_semaphore(%arg19 : memref<!tpu.dma_semaphore, #tpu.memory_space<semaphore_mem>>)
    %add3A_86 = arith.constant 64 : i32
    %add3A_87 = arith.addi %add3A_12, %add3A_86 : i32
    %dma_wait3A_88 = arith.constant 0 : i32
    %dma_wait3A_89 = tpu.memref_slice %arg4[%add3A_87, %dma_wait3A_88] : memref<65536x256xf32, #tpu.memory_space<hbm>> -> memref<64x256xf32, #tpu.memory_space<hbm>>
    %dma_wait3A_90 = arith.constant 0 : i32
    %dma_wait3A_91 = tpu.memref_slice %arg4[%add3A_87, %dma_wait3A_90] : memref<65536x256xf32, #tpu.memory_space<hbm>> -> memref<64x256xf32, #tpu.memory_space<hbm>>
    tpu.wait_dma2 semaphore(%arg17 : memref<!tpu.dma_semaphore, #tpu.memory_space<semaphore_mem>>) src(%arg9 : memref<64x256xf32, #tpu.memory_space<vmem>>) dst(%dma_wait3A_91 : memref<64x256xf32, #tpu.memory_space<hbm>>)
    %dma_start3A_92 = arith.constant 320 : i32
    %dma_start3A_93 = tpu.memref_slice %arg7[%dma_start3A_92] : memref<1280xi32, #tpu.memory_space<vmem>> -> memref<64xi32, #tpu.memory_space<vmem>>
    %dma_start3A_94 = arith.constant 0 : i32
    %dma_start3A_95 = arith.constant 0 : i32
    %dma_start3A_96 = tpu.memref_slice %arg2[%dma_start3A_94, %dma_start3A_95] : memref<16384x256xf32, #tpu.memory_space<hbm>> -> memref<16384x256xf32, #tpu.memory_space<hbm>>
    tpu.enqueue_indirect_dma source(%dma_start3A_96 : memref<16384x256xf32, #tpu.memory_space<hbm>>) target(%arg9 : memref<64x256xf32, #tpu.memory_space<vmem>>) offsets(%dma_start3A_93 : memref<64xi32, #tpu.memory_space<vmem>>) semaphore(%arg13 : memref<!tpu.dma_semaphore, #tpu.memory_space<semaphore_mem>>)
    %scan3A_97 = arith.constant 0 : i32
    %scan3A_98 = arith.constant 1 : i32
    %scan3A_99 = arith.constant 3 : i32
    %scan3A_100 = arith.addi %scan3A_98, %scan3A_99 : i32
    %scan3A_101 = arith.constant 1 : i32
    %scan3A_102 = scf.for %scan3A_194 = %scan3A_98 to %scan3A_100 step %scan3A_101 iter_args(%scan3A_195 = %scan3A_97) -> (i32)  : i32 {
      %mul3A_196 = arith.constant 4 : i32
      %mul3A_197 = arith.muli %mul3A_196, %scan3A_194 : i32
      %add3A_198 = arith.constant 0 : i32
      %add3A_199 = arith.addi %mul3A_197, %add3A_198 : i32
      %add3A_200 = arith.constant 0 : i32
      %add3A_201 = arith.addi %mul3A_197, %add3A_200 : i32
      %jit3A = arith.constant 4 : i32
      %eq3A = arith.constant 0 : i32
      %eq3A_202 = arith.cmpi eq, %jit3A, %eq3A : i32
      %jit3A_203 = arith.constant 1 : i32
      %select_n3A = arith.select %eq3A_202, %jit3A_203, %jit3A : i32
      %rem3A = arith.remsi %add3A_201, %select_n3A : i32
      %ne3A = arith.constant 0 : i32
      %ne3A_204 = arith.cmpi ne, %rem3A, %ne3A : i32
      %lt3A = arith.constant 0 : i32
      %lt3A_205 = arith.cmpi slt, %rem3A, %lt3A : i32
      %lt3A_206 = arith.constant 0 : i32
      %lt3A_207 = arith.cmpi slt, %select_n3A, %lt3A_206 : i32
      %ne3A_208 = arith.xori %lt3A_205, %lt3A_207 : i1
      %and3A = arith.andi %ne3A_208, %ne3A_204 : i1
      %add3A_209 = arith.addi %rem3A, %select_n3A : i32
      %select_n3A_210 = arith.select %and3A, %add3A_209, %rem3A : i32
      %mul3A_211 = arith.constant 64 : i32
      %mul3A_212 = arith.muli %add3A_199, %mul3A_211 : i32
      %dma_wait3A_213 = tpu.memref_slice %arg7[%mul3A_212] : memref<1280xi32, #tpu.memory_space<vmem>> -> memref<64xi32, #tpu.memory_space<vmem>>
      %dma_wait3A_214 = arith.constant 0 : i32
      %dma_wait3A_215 = arith.constant 0 : i32
      %dma_wait3A_216 = tpu.memref_slice %arg2[%dma_wait3A_214, %dma_wait3A_215] : memref<16384x256xf32, #tpu.memory_space<hbm>> -> memref<16384x256xf32, #tpu.memory_space<hbm>>
      tpu.wait_indirect_dma semaphore(%arg12 : memref<!tpu.dma_semaphore, #tpu.memory_space<semaphore_mem>>) src(%dma_wait3A_216 : memref<16384x256xf32, #tpu.memory_space<hbm>>) dst(%arg8 : memref<64x256xf32, #tpu.memory_space<vmem>>)
      %mul3A_217 = arith.constant 64 : i32
      %mul3A_218 = arith.muli %add3A_199, %mul3A_217 : i32
      %add3A_219 = arith.addi %add3A_12, %mul3A_218 : i32
      %dma_start3A_220 = arith.constant 0 : i32
      %dma_start3A_221 = tpu.memref_slice %arg4[%add3A_219, %dma_start3A_220] : memref<65536x256xf32, #tpu.memory_space<hbm>> -> memref<64x256xf32, #tpu.memory_space<hbm>>
      %dma_start3A_222 = arith.constant 0 : i32
      %dma_start3A_223 = tpu.memref_slice %arg4[%add3A_219, %dma_start3A_222] : memref<65536x256xf32, #tpu.memory_space<hbm>> -> memref<64x256xf32, #tpu.memory_space<hbm>>
      tpu.enqueue_dma source(%arg8 : memref<64x256xf32, #tpu.memory_space<vmem>>) target(%dma_start3A_223 : memref<64x256xf32, #tpu.memory_space<hbm>>) target_semaphore(%arg16 : memref<!tpu.dma_semaphore, #tpu.memory_space<semaphore_mem>>)
      %sub3A = arith.constant 2 : i32
      %sub3A_224 = arith.subi %add3A_199, %sub3A : i32
      %mul3A_225 = arith.constant 64 : i32
      %mul3A_226 = arith.muli %sub3A_224, %mul3A_225 : i32
      %add3A_227 = arith.addi %add3A_12, %mul3A_226 : i32
      %dma_wait3A_228 = arith.constant 0 : i32
      %dma_wait3A_229 = tpu.memref_slice %arg4[%add3A_227, %dma_wait3A_228] : memref<65536x256xf32, #tpu.memory_space<hbm>> -> memref<64x256xf32, #tpu.memory_space<hbm>>
      %dma_wait3A_230 = arith.constant 0 : i32
      %dma_wait3A_231 = tpu.memref_slice %arg4[%add3A_227, %dma_wait3A_230] : memref<65536x256xf32, #tpu.memory_space<hbm>> -> memref<64x256xf32, #tpu.memory_space<hbm>>
      tpu.wait_dma2 semaphore(%arg18 : memref<!tpu.dma_semaphore, #tpu.memory_space<semaphore_mem>>) src(%arg10 : memref<64x256xf32, #tpu.memory_space<vmem>>) dst(%dma_wait3A_231 : memref<64x256xf32, #tpu.memory_space<hbm>>)
      %add3A_232 = arith.constant 2 : i32
      %add3A_233 = arith.addi %add3A_199, %add3A_232 : i32
      %mul3A_234 = arith.constant 64 : i32
      %mul3A_235 = arith.muli %add3A_233, %mul3A_234 : i32
      %dma_start3A_236 = tpu.memref_slice %arg7[%mul3A_235] : memref<1280xi32, #tpu.memory_space<vmem>> -> memref<64xi32, #tpu.memory_space<vmem>>
      %dma_start3A_237 = arith.constant 0 : i32
      %dma_start3A_238 = arith.constant 0 : i32
      %dma_start3A_239 = tpu.memref_slice %arg2[%dma_start3A_237, %dma_start3A_238] : memref<16384x256xf32, #tpu.memory_space<hbm>> -> memref<16384x256xf32, #tpu.memory_space<hbm>>
      tpu.enqueue_indirect_dma source(%dma_start3A_239 : memref<16384x256xf32, #tpu.memory_space<hbm>>) target(%arg10 : memref<64x256xf32, #tpu.memory_space<vmem>>) offsets(%dma_start3A_236 : memref<64xi32, #tpu.memory_space<vmem>>) semaphore(%arg14 : memref<!tpu.dma_semaphore, #tpu.memory_space<semaphore_mem>>)
      %add3A_240 = arith.constant 1 : i32
      %add3A_241 = arith.addi %mul3A_197, %add3A_240 : i32
      %add3A_242 = arith.constant 1 : i32
      %add3A_243 = arith.addi %mul3A_197, %add3A_242 : i32
      %jit3A_244 = arith.constant 4 : i32
      %eq3A_245 = arith.constant 0 : i32
      %eq3A_246 = arith.cmpi eq, %jit3A_244, %eq3A_245 : i32
      %jit3A_247 = arith.constant 1 : i32
      %select_n3A_248 = arith.select %eq3A_246, %jit3A_247, %jit3A_244 : i32
      %rem3A_249 = arith.remsi %add3A_243, %select_n3A_248 : i32
      %ne3A_250 = arith.constant 0 : i32
      %ne3A_251 = arith.cmpi ne, %rem3A_249, %ne3A_250 : i32
      %lt3A_252 = arith.constant 0 : i32
      %lt3A_253 = arith.cmpi slt, %rem3A_249, %lt3A_252 : i32
      %lt3A_254 = arith.constant 0 : i32
      %lt3A_255 = arith.cmpi slt, %select_n3A_248, %lt3A_254 : i32
      %ne3A_256 = arith.xori %lt3A_253, %lt3A_255 : i1
      %and3A_257 = arith.andi %ne3A_256, %ne3A_251 : i1
      %add3A_258 = arith.addi %rem3A_249, %select_n3A_248 : i32
      %select_n3A_259 = arith.select %and3A_257, %add3A_258, %rem3A_249 : i32
      %mul3A_260 = arith.constant 64 : i32
      %mul3A_261 = arith.muli %add3A_241, %mul3A_260 : i32
      %dma_wait3A_262 = tpu.memref_slice %arg7[%mul3A_261] : memref<1280xi32, #tpu.memory_space<vmem>> -> memref<64xi32, #tpu.memory_space<vmem>>
      %dma_wait3A_263 = arith.constant 0 : i32
      %dma_wait3A_264 = arith.constant 0 : i32
      %dma_wait3A_265 = tpu.memref_slice %arg2[%dma_wait3A_263, %dma_wait3A_264] : memref<16384x256xf32, #tpu.memory_space<hbm>> -> memref<16384x256xf32, #tpu.memory_space<hbm>>
      tpu.wait_indirect_dma semaphore(%arg13 : memref<!tpu.dma_semaphore, #tpu.memory_space<semaphore_mem>>) src(%dma_wait3A_265 : memref<16384x256xf32, #tpu.memory_space<hbm>>) dst(%arg9 : memref<64x256xf32, #tpu.memory_space<vmem>>)
      %mul3A_266 = arith.constant 64 : i32
      %mul3A_267 = arith.muli %add3A_241, %mul3A_266 : i32
      %add3A_268 = arith.addi %add3A_12, %mul3A_267 : i32
      %dma_start3A_269 = arith.constant 0 : i32
      %dma_start3A_270 = tpu.memref_slice %arg4[%add3A_268, %dma_start3A_269] : memref<65536x256xf32, #tpu.memory_space<hbm>> -> memref<64x256xf32, #tpu.memory_space<hbm>>
      %dma_start3A_271 = arith.constant 0 : i32
      %dma_start3A_272 = tpu.memref_slice %arg4[%add3A_268, %dma_start3A_271] : memref<65536x256xf32, #tpu.memory_space<hbm>> -> memref<64x256xf32, #tpu.memory_space<hbm>>
      tpu.enqueue_dma source(%arg9 : memref<64x256xf32, #tpu.memory_space<vmem>>) target(%dma_start3A_272 : memref<64x256xf32, #tpu.memory_space<hbm>>) target_semaphore(%arg17 : memref<!tpu.dma_semaphore, #tpu.memory_space<semaphore_mem>>)
      %sub3A_273 = arith.constant 2 : i32
      %sub3A_274 = arith.subi %add3A_241, %sub3A_273 : i32
      %mul3A_275 = arith.constant 64 : i32
      %mul3A_276 = arith.muli %sub3A_274, %mul3A_275 : i32
      %add3A_277 = arith.addi %add3A_12, %mul3A_276 : i32
      %dma_wait3A_278 = arith.constant 0 : i32
      %dma_wait3A_279 = tpu.memref_slice %arg4[%add3A_277, %dma_wait3A_278] : memref<65536x256xf32, #tpu.memory_space<hbm>> -> memref<64x256xf32, #tpu.memory_space<hbm>>
      %dma_wait3A_280 = arith.constant 0 : i32
      %dma_wait3A_281 = tpu.memref_slice %arg4[%add3A_277, %dma_wait3A_280] : memref<65536x256xf32, #tpu.memory_space<hbm>> -> memref<64x256xf32, #tpu.memory_space<hbm>>
      tpu.wait_dma2 semaphore(%arg19 : memref<!tpu.dma_semaphore, #tpu.memory_space<semaphore_mem>>) src(%arg11 : memref<64x256xf32, #tpu.memory_space<vmem>>) dst(%dma_wait3A_281 : memref<64x256xf32, #tpu.memory_space<hbm>>)
      %add3A_282 = arith.constant 2 : i32
      %add3A_283 = arith.addi %add3A_241, %add3A_282 : i32
      %mul3A_284 = arith.constant 64 : i32
      %mul3A_285 = arith.muli %add3A_283, %mul3A_284 : i32
      %dma_start3A_286 = tpu.memref_slice %arg7[%mul3A_285] : memref<1280xi32, #tpu.memory_space<vmem>> -> memref<64xi32, #tpu.memory_space<vmem>>
      %dma_start3A_287 = arith.constant 0 : i32
      %dma_start3A_288 = arith.constant 0 : i32
      %dma_start3A_289 = tpu.memref_slice %arg2[%dma_start3A_287, %dma_start3A_288] : memref<16384x256xf32, #tpu.memory_space<hbm>> -> memref<16384x256xf32, #tpu.memory_space<hbm>>
      tpu.enqueue_indirect_dma source(%dma_start3A_289 : memref<16384x256xf32, #tpu.memory_space<hbm>>) target(%arg11 : memref<64x256xf32, #tpu.memory_space<vmem>>) offsets(%dma_start3A_286 : memref<64xi32, #tpu.memory_space<vmem>>) semaphore(%arg15 : memref<!tpu.dma_semaphore, #tpu.memory_space<semaphore_mem>>)
      %add3A_290 = arith.constant 2 : i32
      %add3A_291 = arith.addi %mul3A_197, %add3A_290 : i32
      %add3A_292 = arith.constant 2 : i32
      %add3A_293 = arith.addi %mul3A_197, %add3A_292 : i32
      %jit3A_294 = arith.constant 4 : i32
      %eq3A_295 = arith.constant 0 : i32
      %eq3A_296 = arith.cmpi eq, %jit3A_294, %eq3A_295 : i32
      %jit3A_297 = arith.constant 1 : i32
      %select_n3A_298 = arith.select %eq3A_296, %jit3A_297, %jit3A_294 : i32
      %rem3A_299 = arith.remsi %add3A_293, %select_n3A_298 : i32
      %ne3A_300 = arith.constant 0 : i32
      %ne3A_301 = arith.cmpi ne, %rem3A_299, %ne3A_300 : i32
      %lt3A_302 = arith.constant 0 : i32
      %lt3A_303 = arith.cmpi slt, %rem3A_299, %lt3A_302 : i32
      %lt3A_304 = arith.constant 0 : i32
      %lt3A_305 = arith.cmpi slt, %select_n3A_298, %lt3A_304 : i32
      %ne3A_306 = arith.xori %lt3A_303, %lt3A_305 : i1
      %and3A_307 = arith.andi %ne3A_306, %ne3A_301 : i1
      %add3A_308 = arith.addi %rem3A_299, %select_n3A_298 : i32
      %select_n3A_309 = arith.select %and3A_307, %add3A_308, %rem3A_299 : i32
      %mul3A_310 = arith.constant 64 : i32
      %mul3A_311 = arith.muli %add3A_291, %mul3A_310 : i32
      %dma_wait3A_312 = tpu.memref_slice %arg7[%mul3A_311] : memref<1280xi32, #tpu.memory_space<vmem>> -> memref<64xi32, #tpu.memory_space<vmem>>
      %dma_wait3A_313 = arith.constant 0 : i32
      %dma_wait3A_314 = arith.constant 0 : i32
      %dma_wait3A_315 = tpu.memref_slice %arg2[%dma_wait3A_313, %dma_wait3A_314] : memref<16384x256xf32, #tpu.memory_space<hbm>> -> memref<16384x256xf32, #tpu.memory_space<hbm>>
      tpu.wait_indirect_dma semaphore(%arg14 : memref<!tpu.dma_semaphore, #tpu.memory_space<semaphore_mem>>) src(%dma_wait3A_315 : memref<16384x256xf32, #tpu.memory_space<hbm>>) dst(%arg10 : memref<64x256xf32, #tpu.memory_space<vmem>>)
      %mul3A_316 = arith.constant 64 : i32
      %mul3A_317 = arith.muli %add3A_291, %mul3A_316 : i32
      %add3A_318 = arith.addi %add3A_12, %mul3A_317 : i32
      %dma_start3A_319 = arith.constant 0 : i32
      %dma_start3A_320 = tpu.memref_slice %arg4[%add3A_318, %dma_start3A_319] : memref<65536x256xf32, #tpu.memory_space<hbm>> -> memref<64x256xf32, #tpu.memory_space<hbm>>
      %dma_start3A_321 = arith.constant 0 : i32
      %dma_start3A_322 = tpu.memref_slice %arg4[%add3A_318, %dma_start3A_321] : memref<65536x256xf32, #tpu.memory_space<hbm>> -> memref<64x256xf32, #tpu.memory_space<hbm>>
      tpu.enqueue_dma source(%arg10 : memref<64x256xf32, #tpu.memory_space<vmem>>) target(%dma_start3A_322 : memref<64x256xf32, #tpu.memory_space<hbm>>) target_semaphore(%arg18 : memref<!tpu.dma_semaphore, #tpu.memory_space<semaphore_mem>>)
      %sub3A_323 = arith.constant 2 : i32
      %sub3A_324 = arith.subi %add3A_291, %sub3A_323 : i32
      %mul3A_325 = arith.constant 64 : i32
      %mul3A_326 = arith.muli %sub3A_324, %mul3A_325 : i32
      %add3A_327 = arith.addi %add3A_12, %mul3A_326 : i32
      %dma_wait3A_328 = arith.constant 0 : i32
      %dma_wait3A_329 = tpu.memref_slice %arg4[%add3A_327, %dma_wait3A_328] : memref<65536x256xf32, #tpu.memory_space<hbm>> -> memref<64x256xf32, #tpu.memory_space<hbm>>
      %dma_wait3A_330 = arith.constant 0 : i32
      %dma_wait3A_331 = tpu.memref_slice %arg4[%add3A_327, %dma_wait3A_330] : memref<65536x256xf32, #tpu.memory_space<hbm>> -> memref<64x256xf32, #tpu.memory_space<hbm>>
      tpu.wait_dma2 semaphore(%arg16 : memref<!tpu.dma_semaphore, #tpu.memory_space<semaphore_mem>>) src(%arg8 : memref<64x256xf32, #tpu.memory_space<vmem>>) dst(%dma_wait3A_331 : memref<64x256xf32, #tpu.memory_space<hbm>>)
      %add3A_332 = arith.constant 2 : i32
      %add3A_333 = arith.addi %add3A_291, %add3A_332 : i32
      %mul3A_334 = arith.constant 64 : i32
      %mul3A_335 = arith.muli %add3A_333, %mul3A_334 : i32
      %dma_start3A_336 = tpu.memref_slice %arg7[%mul3A_335] : memref<1280xi32, #tpu.memory_space<vmem>> -> memref<64xi32, #tpu.memory_space<vmem>>
      %dma_start3A_337 = arith.constant 0 : i32
      %dma_start3A_338 = arith.constant 0 : i32
      %dma_start3A_339 = tpu.memref_slice %arg2[%dma_start3A_337, %dma_start3A_338] : memref<16384x256xf32, #tpu.memory_space<hbm>> -> memref<16384x256xf32, #tpu.memory_space<hbm>>
      tpu.enqueue_indirect_dma source(%dma_start3A_339 : memref<16384x256xf32, #tpu.memory_space<hbm>>) target(%arg8 : memref<64x256xf32, #tpu.memory_space<vmem>>) offsets(%dma_start3A_336 : memref<64xi32, #tpu.memory_space<vmem>>) semaphore(%arg12 : memref<!tpu.dma_semaphore, #tpu.memory_space<semaphore_mem>>)
      %add3A_340 = arith.constant 3 : i32
      %add3A_341 = arith.addi %mul3A_197, %add3A_340 : i32
      %add3A_342 = arith.constant 3 : i32
      %add3A_343 = arith.addi %mul3A_197, %add3A_342 : i32
      %jit3A_344 = arith.constant 4 : i32
      %eq3A_345 = arith.constant 0 : i32
      %eq3A_346 = arith.cmpi eq, %jit3A_344, %eq3A_345 : i32
      %jit3A_347 = arith.constant 1 : i32
      %select_n3A_348 = arith.select %eq3A_346, %jit3A_347, %jit3A_344 : i32
      %rem3A_349 = arith.remsi %add3A_343, %select_n3A_348 : i32
      %ne3A_350 = arith.constant 0 : i32
      %ne3A_351 = arith.cmpi ne, %rem3A_349, %ne3A_350 : i32
      %lt3A_352 = arith.constant 0 : i32
      %lt3A_353 = arith.cmpi slt, %rem3A_349, %lt3A_352 : i32
      %lt3A_354 = arith.constant 0 : i32
      %lt3A_355 = arith.cmpi slt, %select_n3A_348, %lt3A_354 : i32
      %ne3A_356 = arith.xori %lt3A_353, %lt3A_355 : i1
      %and3A_357 = arith.andi %ne3A_356, %ne3A_351 : i1
      %add3A_358 = arith.addi %rem3A_349, %select_n3A_348 : i32
      %select_n3A_359 = arith.select %and3A_357, %add3A_358, %rem3A_349 : i32
      %mul3A_360 = arith.constant 64 : i32
      %mul3A_361 = arith.muli %add3A_341, %mul3A_360 : i32
      %dma_wait3A_362 = tpu.memref_slice %arg7[%mul3A_361] : memref<1280xi32, #tpu.memory_space<vmem>> -> memref<64xi32, #tpu.memory_space<vmem>>
      %dma_wait3A_363 = arith.constant 0 : i32
      %dma_wait3A_364 = arith.constant 0 : i32
      %dma_wait3A_365 = tpu.memref_slice %arg2[%dma_wait3A_363, %dma_wait3A_364] : memref<16384x256xf32, #tpu.memory_space<hbm>> -> memref<16384x256xf32, #tpu.memory_space<hbm>>
      tpu.wait_indirect_dma semaphore(%arg15 : memref<!tpu.dma_semaphore, #tpu.memory_space<semaphore_mem>>) src(%dma_wait3A_365 : memref<16384x256xf32, #tpu.memory_space<hbm>>) dst(%arg11 : memref<64x256xf32, #tpu.memory_space<vmem>>)
      %mul3A_366 = arith.constant 64 : i32
      %mul3A_367 = arith.muli %add3A_341, %mul3A_366 : i32
      %add3A_368 = arith.addi %add3A_12, %mul3A_367 : i32
      %dma_start3A_369 = arith.constant 0 : i32
      %dma_start3A_370 = tpu.memref_slice %arg4[%add3A_368, %dma_start3A_369] : memref<65536x256xf32, #tpu.memory_space<hbm>> -> memref<64x256xf32, #tpu.memory_space<hbm>>
      %dma_start3A_371 = arith.constant 0 : i32
      %dma_start3A_372 = tpu.memref_slice %arg4[%add3A_368, %dma_start3A_371] : memref<65536x256xf32, #tpu.memory_space<hbm>> -> memref<64x256xf32, #tpu.memory_space<hbm>>
      tpu.enqueue_dma source(%arg11 : memref<64x256xf32, #tpu.memory_space<vmem>>) target(%dma_start3A_372 : memref<64x256xf32, #tpu.memory_space<hbm>>) target_semaphore(%arg19 : memref<!tpu.dma_semaphore, #tpu.memory_space<semaphore_mem>>)
      %sub3A_373 = arith.constant 2 : i32
      %sub3A_374 = arith.subi %add3A_341, %sub3A_373 : i32
      %mul3A_375 = arith.constant 64 : i32
      %mul3A_376 = arith.muli %sub3A_374, %mul3A_375 : i32
      %add3A_377 = arith.addi %add3A_12, %mul3A_376 : i32
      %dma_wait3A_378 = arith.constant 0 : i32
      %dma_wait3A_379 = tpu.memref_slice %arg4[%add3A_377, %dma_wait3A_378] : memref<65536x256xf32, #tpu.memory_space<hbm>> -> memref<64x256xf32, #tpu.memory_space<hbm>>
      %dma_wait3A_380 = arith.constant 0 : i32
      %dma_wait3A_381 = tpu.memref_slice %arg4[%add3A_377, %dma_wait3A_380] : memref<65536x256xf32, #tpu.memory_space<hbm>> -> memref<64x256xf32, #tpu.memory_space<hbm>>
      tpu.wait_dma2 semaphore(%arg17 : memref<!tpu.dma_semaphore, #tpu.memory_space<semaphore_mem>>) src(%arg9 : memref<64x256xf32, #tpu.memory_space<vmem>>) dst(%dma_wait3A_381 : memref<64x256xf32, #tpu.memory_space<hbm>>)
      %add3A_382 = arith.constant 2 : i32
      %add3A_383 = arith.addi %add3A_341, %add3A_382 : i32
      %mul3A_384 = arith.constant 64 : i32
      %mul3A_385 = arith.muli %add3A_383, %mul3A_384 : i32
      %dma_start3A_386 = tpu.memref_slice %arg7[%mul3A_385] : memref<1280xi32, #tpu.memory_space<vmem>> -> memref<64xi32, #tpu.memory_space<vmem>>
      %dma_start3A_387 = arith.constant 0 : i32
      %dma_start3A_388 = arith.constant 0 : i32
      %dma_start3A_389 = tpu.memref_slice %arg2[%dma_start3A_387, %dma_start3A_388] : memref<16384x256xf32, #tpu.memory_space<hbm>> -> memref<16384x256xf32, #tpu.memory_space<hbm>>
      tpu.enqueue_indirect_dma source(%dma_start3A_389 : memref<16384x256xf32, #tpu.memory_space<hbm>>) target(%arg9 : memref<64x256xf32, #tpu.memory_space<vmem>>) offsets(%dma_start3A_386 : memref<64xi32, #tpu.memory_space<vmem>>) semaphore(%arg13 : memref<!tpu.dma_semaphore, #tpu.memory_space<semaphore_mem>>)
      %scan3A_390 = arith.constant 0 : i32
      scf.yield %scan3A_390 : i32
    }
    %scan3A_103 = arith.constant 3 : i32
    %dma_wait3A_104 = arith.constant 1024 : i32
    %dma_wait3A_105 = tpu.memref_slice %arg7[%dma_wait3A_104] : memref<1280xi32, #tpu.memory_space<vmem>> -> memref<64xi32, #tpu.memory_space<vmem>>
    %dma_wait3A_106 = arith.constant 0 : i32
    %dma_wait3A_107 = arith.constant 0 : i32
    %dma_wait3A_108 = tpu.memref_slice %arg2[%dma_wait3A_106, %dma_wait3A_107] : memref<16384x256xf32, #tpu.memory_space<hbm>> -> memref<16384x256xf32, #tpu.memory_space<hbm>>
    tpu.wait_indirect_dma semaphore(%arg12 : memref<!tpu.dma_semaphore, #tpu.memory_space<semaphore_mem>>) src(%dma_wait3A_108 : memref<16384x256xf32, #tpu.memory_space<hbm>>) dst(%arg8 : memref<64x256xf32, #tpu.memory_space<vmem>>)
    %add3A_109 = arith.constant 1024 : i32
    %add3A_110 = arith.addi %add3A_12, %add3A_109 : i32
    %dma_start3A_111 = arith.constant 0 : i32
    %dma_start3A_112 = tpu.memref_slice %arg4[%add3A_110, %dma_start3A_111] : memref<65536x256xf32, #tpu.memory_space<hbm>> -> memref<64x256xf32, #tpu.memory_space<hbm>>
    %dma_start3A_113 = arith.constant 0 : i32
    %dma_start3A_114 = tpu.memref_slice %arg4[%add3A_110, %dma_start3A_113] : memref<65536x256xf32, #tpu.memory_space<hbm>> -> memref<64x256xf32, #tpu.memory_space<hbm>>
    tpu.enqueue_dma source(%arg8 : memref<64x256xf32, #tpu.memory_space<vmem>>) target(%dma_start3A_114 : memref<64x256xf32, #tpu.memory_space<hbm>>) target_semaphore(%arg16 : memref<!tpu.dma_semaphore, #tpu.memory_space<semaphore_mem>>)
    %add3A_115 = arith.constant 896 : i32
    %add3A_116 = arith.addi %add3A_12, %add3A_115 : i32
    %dma_wait3A_117 = arith.constant 0 : i32
    %dma_wait3A_118 = tpu.memref_slice %arg4[%add3A_116, %dma_wait3A_117] : memref<65536x256xf32, #tpu.memory_space<hbm>> -> memref<64x256xf32, #tpu.memory_space<hbm>>
    %dma_wait3A_119 = arith.constant 0 : i32
    %dma_wait3A_120 = tpu.memref_slice %arg4[%add3A_116, %dma_wait3A_119] : memref<65536x256xf32, #tpu.memory_space<hbm>> -> memref<64x256xf32, #tpu.memory_space<hbm>>
    tpu.wait_dma2 semaphore(%arg18 : memref<!tpu.dma_semaphore, #tpu.memory_space<semaphore_mem>>) src(%arg10 : memref<64x256xf32, #tpu.memory_space<vmem>>) dst(%dma_wait3A_120 : memref<64x256xf32, #tpu.memory_space<hbm>>)
    %dma_start3A_121 = arith.constant 1152 : i32
    %dma_start3A_122 = tpu.memref_slice %arg7[%dma_start3A_121] : memref<1280xi32, #tpu.memory_space<vmem>> -> memref<64xi32, #tpu.memory_space<vmem>>
    %dma_start3A_123 = arith.constant 0 : i32
    %dma_start3A_124 = arith.constant 0 : i32
    %dma_start3A_125 = tpu.memref_slice %arg2[%dma_start3A_123, %dma_start3A_124] : memref<16384x256xf32, #tpu.memory_space<hbm>> -> memref<16384x256xf32, #tpu.memory_space<hbm>>
    tpu.enqueue_indirect_dma source(%dma_start3A_125 : memref<16384x256xf32, #tpu.memory_space<hbm>>) target(%arg10 : memref<64x256xf32, #tpu.memory_space<vmem>>) offsets(%dma_start3A_122 : memref<64xi32, #tpu.memory_space<vmem>>) semaphore(%arg14 : memref<!tpu.dma_semaphore, #tpu.memory_space<semaphore_mem>>)
    %dma_wait3A_126 = arith.constant 1088 : i32
    %dma_wait3A_127 = tpu.memref_slice %arg7[%dma_wait3A_126] : memref<1280xi32, #tpu.memory_space<vmem>> -> memref<64xi32, #tpu.memory_space<vmem>>
    %dma_wait3A_128 = arith.constant 0 : i32
    %dma_wait3A_129 = arith.constant 0 : i32
    %dma_wait3A_130 = tpu.memref_slice %arg2[%dma_wait3A_128, %dma_wait3A_129] : memref<16384x256xf32, #tpu.memory_space<hbm>> -> memref<16384x256xf32, #tpu.memory_space<hbm>>
    tpu.wait_indirect_dma semaphore(%arg13 : memref<!tpu.dma_semaphore, #tpu.memory_space<semaphore_mem>>) src(%dma_wait3A_130 : memref<16384x256xf32, #tpu.memory_space<hbm>>) dst(%arg9 : memref<64x256xf32, #tpu.memory_space<vmem>>)
    %add3A_131 = arith.constant 1088 : i32
    %add3A_132 = arith.addi %add3A_12, %add3A_131 : i32
    %dma_start3A_133 = arith.constant 0 : i32
    %dma_start3A_134 = tpu.memref_slice %arg4[%add3A_132, %dma_start3A_133] : memref<65536x256xf32, #tpu.memory_space<hbm>> -> memref<64x256xf32, #tpu.memory_space<hbm>>
    %dma_start3A_135 = arith.constant 0 : i32
    %dma_start3A_136 = tpu.memref_slice %arg4[%add3A_132, %dma_start3A_135] : memref<65536x256xf32, #tpu.memory_space<hbm>> -> memref<64x256xf32, #tpu.memory_space<hbm>>
    tpu.enqueue_dma source(%arg9 : memref<64x256xf32, #tpu.memory_space<vmem>>) target(%dma_start3A_136 : memref<64x256xf32, #tpu.memory_space<hbm>>) target_semaphore(%arg17 : memref<!tpu.dma_semaphore, #tpu.memory_space<semaphore_mem>>)
    %add3A_137 = arith.constant 960 : i32
    %add3A_138 = arith.addi %add3A_12, %add3A_137 : i32
    %dma_wait3A_139 = arith.constant 0 : i32
    %dma_wait3A_140 = tpu.memref_slice %arg4[%add3A_138, %dma_wait3A_139] : memref<65536x256xf32, #tpu.memory_space<hbm>> -> memref<64x256xf32, #tpu.memory_space<hbm>>
    %dma_wait3A_141 = arith.constant 0 : i32
    %dma_wait3A_142 = tpu.memref_slice %arg4[%add3A_138, %dma_wait3A_141] : memref<65536x256xf32, #tpu.memory_space<hbm>> -> memref<64x256xf32, #tpu.memory_space<hbm>>
    tpu.wait_dma2 semaphore(%arg19 : memref<!tpu.dma_semaphore, #tpu.memory_space<semaphore_mem>>) src(%arg11 : memref<64x256xf32, #tpu.memory_space<vmem>>) dst(%dma_wait3A_142 : memref<64x256xf32, #tpu.memory_space<hbm>>)
    %dma_start3A_143 = arith.constant 1216 : i32
    %dma_start3A_144 = tpu.memref_slice %arg7[%dma_start3A_143] : memref<1280xi32, #tpu.memory_space<vmem>> -> memref<64xi32, #tpu.memory_space<vmem>>
    %dma_start3A_145 = arith.constant 0 : i32
    %dma_start3A_146 = arith.constant 0 : i32
    %dma_start3A_147 = tpu.memref_slice %arg2[%dma_start3A_145, %dma_start3A_146] : memref<16384x256xf32, #tpu.memory_space<hbm>> -> memref<16384x256xf32, #tpu.memory_space<hbm>>
    tpu.enqueue_indirect_dma source(%dma_start3A_147 : memref<16384x256xf32, #tpu.memory_space<hbm>>) target(%arg11 : memref<64x256xf32, #tpu.memory_space<vmem>>) offsets(%dma_start3A_144 : memref<64xi32, #tpu.memory_space<vmem>>) semaphore(%arg15 : memref<!tpu.dma_semaphore, #tpu.memory_space<semaphore_mem>>)
    %dma_wait3A_148 = arith.constant 1152 : i32
    %dma_wait3A_149 = tpu.memref_slice %arg7[%dma_wait3A_148] : memref<1280xi32, #tpu.memory_space<vmem>> -> memref<64xi32, #tpu.memory_space<vmem>>
    %dma_wait3A_150 = arith.constant 0 : i32
    %dma_wait3A_151 = arith.constant 0 : i32
    %dma_wait3A_152 = tpu.memref_slice %arg2[%dma_wait3A_150, %dma_wait3A_151] : memref<16384x256xf32, #tpu.memory_space<hbm>> -> memref<16384x256xf32, #tpu.memory_space<hbm>>
    tpu.wait_indirect_dma semaphore(%arg14 : memref<!tpu.dma_semaphore, #tpu.memory_space<semaphore_mem>>) src(%dma_wait3A_152 : memref<16384x256xf32, #tpu.memory_space<hbm>>) dst(%arg10 : memref<64x256xf32, #tpu.memory_space<vmem>>)
    %add3A_153 = arith.constant 1152 : i32
    %add3A_154 = arith.addi %add3A_12, %add3A_153 : i32
    %dma_start3A_155 = arith.constant 0 : i32
    %dma_start3A_156 = tpu.memref_slice %arg4[%add3A_154, %dma_start3A_155] : memref<65536x256xf32, #tpu.memory_space<hbm>> -> memref<64x256xf32, #tpu.memory_space<hbm>>
    %dma_start3A_157 = arith.constant 0 : i32
    %dma_start3A_158 = tpu.memref_slice %arg4[%add3A_154, %dma_start3A_157] : memref<65536x256xf32, #tpu.memory_space<hbm>> -> memref<64x256xf32, #tpu.memory_space<hbm>>
    tpu.enqueue_dma source(%arg10 : memref<64x256xf32, #tpu.memory_space<vmem>>) target(%dma_start3A_158 : memref<64x256xf32, #tpu.memory_space<hbm>>) target_semaphore(%arg18 : memref<!tpu.dma_semaphore, #tpu.memory_space<semaphore_mem>>)
    %add3A_159 = arith.constant 1024 : i32
    %add3A_160 = arith.addi %add3A_12, %add3A_159 : i32
    %dma_wait3A_161 = arith.constant 0 : i32
    %dma_wait3A_162 = tpu.memref_slice %arg4[%add3A_160, %dma_wait3A_161] : memref<65536x256xf32, #tpu.memory_space<hbm>> -> memref<64x256xf32, #tpu.memory_space<hbm>>
    %dma_wait3A_163 = arith.constant 0 : i32
    %dma_wait3A_164 = tpu.memref_slice %arg4[%add3A_160, %dma_wait3A_163] : memref<65536x256xf32, #tpu.memory_space<hbm>> -> memref<64x256xf32, #tpu.memory_space<hbm>>
    tpu.wait_dma2 semaphore(%arg16 : memref<!tpu.dma_semaphore, #tpu.memory_space<semaphore_mem>>) src(%arg8 : memref<64x256xf32, #tpu.memory_space<vmem>>) dst(%dma_wait3A_164 : memref<64x256xf32, #tpu.memory_space<hbm>>)
    %dma_wait3A_165 = arith.constant 1216 : i32
    %dma_wait3A_166 = tpu.memref_slice %arg7[%dma_wait3A_165] : memref<1280xi32, #tpu.memory_space<vmem>> -> memref<64xi32, #tpu.memory_space<vmem>>
    %dma_wait3A_167 = arith.constant 0 : i32
    %dma_wait3A_168 = arith.constant 0 : i32
    %dma_wait3A_169 = tpu.memref_slice %arg2[%dma_wait3A_167, %dma_wait3A_168] : memref<16384x256xf32, #tpu.memory_space<hbm>> -> memref<16384x256xf32, #tpu.memory_space<hbm>>
    tpu.wait_indirect_dma semaphore(%arg15 : memref<!tpu.dma_semaphore, #tpu.memory_space<semaphore_mem>>) src(%dma_wait3A_169 : memref<16384x256xf32, #tpu.memory_space<hbm>>) dst(%arg11 : memref<64x256xf32, #tpu.memory_space<vmem>>)
    %add3A_170 = arith.constant 1216 : i32
    %add3A_171 = arith.addi %add3A_12, %add3A_170 : i32
    %dma_start3A_172 = arith.constant 0 : i32
    %dma_start3A_173 = tpu.memref_slice %arg4[%add3A_171, %dma_start3A_172] : memref<65536x256xf32, #tpu.memory_space<hbm>> -> memref<64x256xf32, #tpu.memory_space<hbm>>
    %dma_start3A_174 = arith.constant 0 : i32
    %dma_start3A_175 = tpu.memref_slice %arg4[%add3A_171, %dma_start3A_174] : memref<65536x256xf32, #tpu.memory_space<hbm>> -> memref<64x256xf32, #tpu.memory_space<hbm>>
    tpu.enqueue_dma source(%arg11 : memref<64x256xf32, #tpu.memory_space<vmem>>) target(%dma_start3A_175 : memref<64x256xf32, #tpu.memory_space<hbm>>) target_semaphore(%arg19 : memref<!tpu.dma_semaphore, #tpu.memory_space<semaphore_mem>>)
    %add3A_176 = arith.constant 1088 : i32
    %add3A_177 = arith.addi %add3A_12, %add3A_176 : i32
    %dma_wait3A_178 = arith.constant 0 : i32
    %dma_wait3A_179 = tpu.memref_slice %arg4[%add3A_177, %dma_wait3A_178] : memref<65536x256xf32, #tpu.memory_space<hbm>> -> memref<64x256xf32, #tpu.memory_space<hbm>>
    %dma_wait3A_180 = arith.constant 0 : i32
    %dma_wait3A_181 = tpu.memref_slice %arg4[%add3A_177, %dma_wait3A_180] : memref<65536x256xf32, #tpu.memory_space<hbm>> -> memref<64x256xf32, #tpu.memory_space<hbm>>
    tpu.wait_dma2 semaphore(%arg17 : memref<!tpu.dma_semaphore, #tpu.memory_space<semaphore_mem>>) src(%arg9 : memref<64x256xf32, #tpu.memory_space<vmem>>) dst(%dma_wait3A_181 : memref<64x256xf32, #tpu.memory_space<hbm>>)
    %add3A_182 = arith.constant 1152 : i32
    %add3A_183 = arith.addi %add3A_12, %add3A_182 : i32
    %dma_wait3A_184 = arith.constant 0 : i32
    %dma_wait3A_185 = tpu.memref_slice %arg4[%add3A_183, %dma_wait3A_184] : memref<65536x256xf32, #tpu.memory_space<hbm>> -> memref<64x256xf32, #tpu.memory_space<hbm>>
    %dma_wait3A_186 = arith.constant 0 : i32
    %dma_wait3A_187 = tpu.memref_slice %arg4[%add3A_183, %dma_wait3A_186] : memref<65536x256xf32, #tpu.memory_space<hbm>> -> memref<64x256xf32, #tpu.memory_space<hbm>>
    tpu.wait_dma2 semaphore(%arg18 : memref<!tpu.dma_semaphore, #tpu.memory_space<semaphore_mem>>) src(%arg10 : memref<64x256xf32, #tpu.memory_space<vmem>>) dst(%dma_wait3A_187 : memref<64x256xf32, #tpu.memory_space<hbm>>)
    %add3A_188 = arith.constant 1216 : i32
    %add3A_189 = arith.addi %add3A_12, %add3A_188 : i32
    %dma_wait3A_190 = arith.constant 0 : i32
    %dma_wait3A_191 = tpu.memref_slice %arg4[%add3A_189, %dma_wait3A_190] : memref<65536x256xf32, #tpu.memory_space<hbm>> -> memref<64x256xf32, #tpu.memory_space<hbm>>
    %dma_wait3A_192 = arith.constant 0 : i32
    %dma_wait3A_193 = tpu.memref_slice %arg4[%add3A_189, %dma_wait3A_192] : memref<65536x256xf32, #tpu.memory_space<hbm>> -> memref<64x256xf32, #tpu.memory_space<hbm>>
    tpu.wait_dma2 semaphore(%arg19 : memref<!tpu.dma_semaphore, #tpu.memory_space<semaphore_mem>>) src(%arg11 : memref<64x256xf32, #tpu.memory_space<vmem>>) dst(%dma_wait3A_193 : memref<64x256xf32, #tpu.memory_space<hbm>>)
    return
  }
}

module attributes {stable_mosaic.version = 14 : i64} {
  func.func @_mm_argmax_kernel(%arg0: i32, %arg1: memref<512x16x256xf32, #tpu.memory_space<vmem>>, %arg2: memref<16x1024x256xf32, #tpu.memory_space<vmem>>, %arg3: memref<512x16xi32, #tpu.memory_space<vmem>>) attributes {dimension_semantics = [#tpu.dimension_semantics<arbitrary>], iteration_bounds = array<i64: 5>, scalar_prefetch = 0 : i64, scratch_operands = 0 : i64, tpu.core_type = #tpu.core_type<tc>, window_params = [{transform_indices = @transform_0, window_bounds = array<i64: 512, 16, 256>}, {pipeline_mode = #tpu.pipeline_mode<synchronous>, transform_indices = @transform_1, window_bounds = array<i64: 16, 1024, 256>}, {transform_indices = @transform_2, window_bounds = array<i64: 512, 16>}]} {
    %get3A = arith.constant 0 : index
    %get3A_0 = arith.constant 0 : index
    %get3A_1 = arith.constant 0 : index
    %get3A_2 = vector.load %arg1[%get3A, %get3A_0, %get3A_1] : memref<512x16x256xf32, #tpu.memory_space<vmem>>, vector<512x1x256xf32>
    %get3A_3 = vector.shape_cast %get3A_2 : vector<512x1x256xf32> to vector<512x256xf32>
    %get3A_4 = arith.constant 0 : index
    %get3A_5 = arith.constant 0 : index
    %get3A_6 = arith.constant 0 : index
    %get3A_7 = vector.load %arg2[%get3A_4, %get3A_5, %get3A_6] : memref<16x1024x256xf32, #tpu.memory_space<vmem>>, vector<1x1024x256xf32>
    %get3A_8 = vector.shape_cast %get3A_7 : vector<1x1024x256xf32> to vector<1024x256xf32>
    %dot_general3A = arith.constant dense<0.000000e+00> : vector<512x1024xf32>
    %dot_general3A_9 = tpu.matmul %get3A_3, %get3A_8, %dot_general3A {dimension_numbers = #tpu.dot_dimension_numbers<[1], [1], [0], [0], [0, 0, 1, 0], [], []>, transpose_lhs_hint = false} : vector<512x256xf32>, vector<1024x256xf32>, vector<512x1024xf32> -> vector<512x1024xf32>
    %argmax3A = tpu.reduce_index %dot_general3A_9 {axis = 1 : i32, kind = #tpu.reduction_kind<arg_max>} : vector<512x1024xf32> -> vector<512xi32>
    %add3A = arith.constant 0 : i32
    %add3A_10 = vector.broadcast %add3A : i32 to vector<512xi32>
    %add3A_11 = arith.addi %argmax3A, %add3A_10 : vector<512xi32>
    %broadcast_in_dim3A = vector.shape_cast %add3A_11 : vector<512xi32> to vector<512x1xi32>
    %get3A_12 = arith.constant 0 : index
    %get3A_13 = arith.constant 1 : index
    %get3A_14 = arith.constant 0 : index
    %get3A_15 = vector.load %arg1[%get3A_12, %get3A_13, %get3A_14] : memref<512x16x256xf32, #tpu.memory_space<vmem>>, vector<512x1x256xf32>
    %get3A_16 = vector.shape_cast %get3A_15 : vector<512x1x256xf32> to vector<512x256xf32>
    %get3A_17 = arith.constant 1 : index
    %get3A_18 = arith.constant 0 : index
    %get3A_19 = arith.constant 0 : index
    %get3A_20 = vector.load %arg2[%get3A_17, %get3A_18, %get3A_19] : memref<16x1024x256xf32, #tpu.memory_space<vmem>>, vector<1x1024x256xf32>
    %get3A_21 = vector.shape_cast %get3A_20 : vector<1x1024x256xf32> to vector<1024x256xf32>
    %dot_general3A_22 = arith.constant dense<0.000000e+00> : vector<512x1024xf32>
    %dot_general3A_23 = tpu.matmul %get3A_16, %get3A_21, %dot_general3A_22 {dimension_numbers = #tpu.dot_dimension_numbers<[1], [1], [0], [0], [0, 0, 1, 0], [], []>, transpose_lhs_hint = false} : vector<512x256xf32>, vector<1024x256xf32>, vector<512x1024xf32> -> vector<512x1024xf32>
    %argmax3A_24 = tpu.reduce_index %dot_general3A_23 {axis = 1 : i32, kind = #tpu.reduction_kind<arg_max>} : vector<512x1024xf32> -> vector<512xi32>
    %add3A_25 = arith.constant 1024 : i32
    %add3A_26 = vector.broadcast %add3A_25 : i32 to vector<512xi32>
    %add3A_27 = arith.addi %argmax3A_24, %add3A_26 : vector<512xi32>
    %broadcast_in_dim3A_28 = vector.shape_cast %add3A_27 : vector<512xi32> to vector<512x1xi32>
    %get3A_29 = arith.constant 0 : index
    %get3A_30 = arith.constant 2 : index
    %get3A_31 = arith.constant 0 : index
    %get3A_32 = vector.load %arg1[%get3A_29, %get3A_30, %get3A_31] : memref<512x16x256xf32, #tpu.memory_space<vmem>>, vector<512x1x256xf32>
    %get3A_33 = vector.shape_cast %get3A_32 : vector<512x1x256xf32> to vector<512x256xf32>
    %get3A_34 = arith.constant 2 : index
    %get3A_35 = arith.constant 0 : index
    %get3A_36 = arith.constant 0 : index
    %get3A_37 = vector.load %arg2[%get3A_34, %get3A_35, %get3A_36] : memref<16x1024x256xf32, #tpu.memory_space<vmem>>, vector<1x1024x256xf32>
    %get3A_38 = vector.shape_cast %get3A_37 : vector<1x1024x256xf32> to vector<1024x256xf32>
    %dot_general3A_39 = arith.constant dense<0.000000e+00> : vector<512x1024xf32>
    %dot_general3A_40 = tpu.matmul %get3A_33, %get3A_38, %dot_general3A_39 {dimension_numbers = #tpu.dot_dimension_numbers<[1], [1], [0], [0], [0, 0, 1, 0], [], []>, transpose_lhs_hint = false} : vector<512x256xf32>, vector<1024x256xf32>, vector<512x1024xf32> -> vector<512x1024xf32>
    %argmax3A_41 = tpu.reduce_index %dot_general3A_40 {axis = 1 : i32, kind = #tpu.reduction_kind<arg_max>} : vector<512x1024xf32> -> vector<512xi32>
    %add3A_42 = arith.constant 2048 : i32
    %add3A_43 = vector.broadcast %add3A_42 : i32 to vector<512xi32>
    %add3A_44 = arith.addi %argmax3A_41, %add3A_43 : vector<512xi32>
    %broadcast_in_dim3A_45 = vector.shape_cast %add3A_44 : vector<512xi32> to vector<512x1xi32>
    %get3A_46 = arith.constant 0 : index
    %get3A_47 = arith.constant 3 : index
    %get3A_48 = arith.constant 0 : index
    %get3A_49 = vector.load %arg1[%get3A_46, %get3A_47, %get3A_48] : memref<512x16x256xf32, #tpu.memory_space<vmem>>, vector<512x1x256xf32>
    %get3A_50 = vector.shape_cast %get3A_49 : vector<512x1x256xf32> to vector<512x256xf32>
    %get3A_51 = arith.constant 3 : index
    %get3A_52 = arith.constant 0 : index
    %get3A_53 = arith.constant 0 : index
    %get3A_54 = vector.load %arg2[%get3A_51, %get3A_52, %get3A_53] : memref<16x1024x256xf32, #tpu.memory_space<vmem>>, vector<1x1024x256xf32>
    %get3A_55 = vector.shape_cast %get3A_54 : vector<1x1024x256xf32> to vector<1024x256xf32>
    %dot_general3A_56 = arith.constant dense<0.000000e+00> : vector<512x1024xf32>
    %dot_general3A_57 = tpu.matmul %get3A_50, %get3A_55, %dot_general3A_56 {dimension_numbers = #tpu.dot_dimension_numbers<[1], [1], [0], [0], [0, 0, 1, 0], [], []>, transpose_lhs_hint = false} : vector<512x256xf32>, vector<1024x256xf32>, vector<512x1024xf32> -> vector<512x1024xf32>
    %argmax3A_58 = tpu.reduce_index %dot_general3A_57 {axis = 1 : i32, kind = #tpu.reduction_kind<arg_max>} : vector<512x1024xf32> -> vector<512xi32>
    %add3A_59 = arith.constant 3072 : i32
    %add3A_60 = vector.broadcast %add3A_59 : i32 to vector<512xi32>
    %add3A_61 = arith.addi %argmax3A_58, %add3A_60 : vector<512xi32>
    %broadcast_in_dim3A_62 = vector.shape_cast %add3A_61 : vector<512xi32> to vector<512x1xi32>
    %get3A_63 = arith.constant 0 : index
    %get3A_64 = arith.constant 4 : index
    %get3A_65 = arith.constant 0 : index
    %get3A_66 = vector.load %arg1[%get3A_63, %get3A_64, %get3A_65] : memref<512x16x256xf32, #tpu.memory_space<vmem>>, vector<512x1x256xf32>
    %get3A_67 = vector.shape_cast %get3A_66 : vector<512x1x256xf32> to vector<512x256xf32>
    %get3A_68 = arith.constant 4 : index
    %get3A_69 = arith.constant 0 : index
    %get3A_70 = arith.constant 0 : index
    %get3A_71 = vector.load %arg2[%get3A_68, %get3A_69, %get3A_70] : memref<16x1024x256xf32, #tpu.memory_space<vmem>>, vector<1x1024x256xf32>
    %get3A_72 = vector.shape_cast %get3A_71 : vector<1x1024x256xf32> to vector<1024x256xf32>
    %dot_general3A_73 = arith.constant dense<0.000000e+00> : vector<512x1024xf32>
    %dot_general3A_74 = tpu.matmul %get3A_67, %get3A_72, %dot_general3A_73 {dimension_numbers = #tpu.dot_dimension_numbers<[1], [1], [0], [0], [0, 0, 1, 0], [], []>, transpose_lhs_hint = false} : vector<512x256xf32>, vector<1024x256xf32>, vector<512x1024xf32> -> vector<512x1024xf32>
    %argmax3A_75 = tpu.reduce_index %dot_general3A_74 {axis = 1 : i32, kind = #tpu.reduction_kind<arg_max>} : vector<512x1024xf32> -> vector<512xi32>
    %add3A_76 = arith.constant 4096 : i32
    %add3A_77 = vector.broadcast %add3A_76 : i32 to vector<512xi32>
    %add3A_78 = arith.addi %argmax3A_75, %add3A_77 : vector<512xi32>
    %broadcast_in_dim3A_79 = vector.shape_cast %add3A_78 : vector<512xi32> to vector<512x1xi32>
    %get3A_80 = arith.constant 0 : index
    %get3A_81 = arith.constant 5 : index
    %get3A_82 = arith.constant 0 : index
    %get3A_83 = vector.load %arg1[%get3A_80, %get3A_81, %get3A_82] : memref<512x16x256xf32, #tpu.memory_space<vmem>>, vector<512x1x256xf32>
    %get3A_84 = vector.shape_cast %get3A_83 : vector<512x1x256xf32> to vector<512x256xf32>
    %get3A_85 = arith.constant 5 : index
    %get3A_86 = arith.constant 0 : index
    %get3A_87 = arith.constant 0 : index
    %get3A_88 = vector.load %arg2[%get3A_85, %get3A_86, %get3A_87] : memref<16x1024x256xf32, #tpu.memory_space<vmem>>, vector<1x1024x256xf32>
    %get3A_89 = vector.shape_cast %get3A_88 : vector<1x1024x256xf32> to vector<1024x256xf32>
    %dot_general3A_90 = arith.constant dense<0.000000e+00> : vector<512x1024xf32>
    %dot_general3A_91 = tpu.matmul %get3A_84, %get3A_89, %dot_general3A_90 {dimension_numbers = #tpu.dot_dimension_numbers<[1], [1], [0], [0], [0, 0, 1, 0], [], []>, transpose_lhs_hint = false} : vector<512x256xf32>, vector<1024x256xf32>, vector<512x1024xf32> -> vector<512x1024xf32>
    %argmax3A_92 = tpu.reduce_index %dot_general3A_91 {axis = 1 : i32, kind = #tpu.reduction_kind<arg_max>} : vector<512x1024xf32> -> vector<512xi32>
    %add3A_93 = arith.constant 5120 : i32
    %add3A_94 = vector.broadcast %add3A_93 : i32 to vector<512xi32>
    %add3A_95 = arith.addi %argmax3A_92, %add3A_94 : vector<512xi32>
    %broadcast_in_dim3A_96 = vector.shape_cast %add3A_95 : vector<512xi32> to vector<512x1xi32>
    %get3A_97 = arith.constant 0 : index
    %get3A_98 = arith.constant 6 : index
    %get3A_99 = arith.constant 0 : index
    %get3A_100 = vector.load %arg1[%get3A_97, %get3A_98, %get3A_99] : memref<512x16x256xf32, #tpu.memory_space<vmem>>, vector<512x1x256xf32>
    %get3A_101 = vector.shape_cast %get3A_100 : vector<512x1x256xf32> to vector<512x256xf32>
    %get3A_102 = arith.constant 6 : index
    %get3A_103 = arith.constant 0 : index
    %get3A_104 = arith.constant 0 : index
    %get3A_105 = vector.load %arg2[%get3A_102, %get3A_103, %get3A_104] : memref<16x1024x256xf32, #tpu.memory_space<vmem>>, vector<1x1024x256xf32>
    %get3A_106 = vector.shape_cast %get3A_105 : vector<1x1024x256xf32> to vector<1024x256xf32>
    %dot_general3A_107 = arith.constant dense<0.000000e+00> : vector<512x1024xf32>
    %dot_general3A_108 = tpu.matmul %get3A_101, %get3A_106, %dot_general3A_107 {dimension_numbers = #tpu.dot_dimension_numbers<[1], [1], [0], [0], [0, 0, 1, 0], [], []>, transpose_lhs_hint = false} : vector<512x256xf32>, vector<1024x256xf32>, vector<512x1024xf32> -> vector<512x1024xf32>
    %argmax3A_109 = tpu.reduce_index %dot_general3A_108 {axis = 1 : i32, kind = #tpu.reduction_kind<arg_max>} : vector<512x1024xf32> -> vector<512xi32>
    %add3A_110 = arith.constant 6144 : i32
    %add3A_111 = vector.broadcast %add3A_110 : i32 to vector<512xi32>
    %add3A_112 = arith.addi %argmax3A_109, %add3A_111 : vector<512xi32>
    %broadcast_in_dim3A_113 = vector.shape_cast %add3A_112 : vector<512xi32> to vector<512x1xi32>
    %get3A_114 = arith.constant 0 : index
    %get3A_115 = arith.constant 7 : index
    %get3A_116 = arith.constant 0 : index
    %get3A_117 = vector.load %arg1[%get3A_114, %get3A_115, %get3A_116] : memref<512x16x256xf32, #tpu.memory_space<vmem>>, vector<512x1x256xf32>
    %get3A_118 = vector.shape_cast %get3A_117 : vector<512x1x256xf32> to vector<512x256xf32>
    %get3A_119 = arith.constant 7 : index
    %get3A_120 = arith.constant 0 : index
    %get3A_121 = arith.constant 0 : index
    %get3A_122 = vector.load %arg2[%get3A_119, %get3A_120, %get3A_121] : memref<16x1024x256xf32, #tpu.memory_space<vmem>>, vector<1x1024x256xf32>
    %get3A_123 = vector.shape_cast %get3A_122 : vector<1x1024x256xf32> to vector<1024x256xf32>
    %dot_general3A_124 = arith.constant dense<0.000000e+00> : vector<512x1024xf32>
    %dot_general3A_125 = tpu.matmul %get3A_118, %get3A_123, %dot_general3A_124 {dimension_numbers = #tpu.dot_dimension_numbers<[1], [1], [0], [0], [0, 0, 1, 0], [], []>, transpose_lhs_hint = false} : vector<512x256xf32>, vector<1024x256xf32>, vector<512x1024xf32> -> vector<512x1024xf32>
    %argmax3A_126 = tpu.reduce_index %dot_general3A_125 {axis = 1 : i32, kind = #tpu.reduction_kind<arg_max>} : vector<512x1024xf32> -> vector<512xi32>
    %add3A_127 = arith.constant 7168 : i32
    %add3A_128 = vector.broadcast %add3A_127 : i32 to vector<512xi32>
    %add3A_129 = arith.addi %argmax3A_126, %add3A_128 : vector<512xi32>
    %broadcast_in_dim3A_130 = vector.shape_cast %add3A_129 : vector<512xi32> to vector<512x1xi32>
    %get3A_131 = arith.constant 0 : index
    %get3A_132 = arith.constant 8 : index
    %get3A_133 = arith.constant 0 : index
    %get3A_134 = vector.load %arg1[%get3A_131, %get3A_132, %get3A_133] : memref<512x16x256xf32, #tpu.memory_space<vmem>>, vector<512x1x256xf32>
    %get3A_135 = vector.shape_cast %get3A_134 : vector<512x1x256xf32> to vector<512x256xf32>
    %get3A_136 = arith.constant 8 : index
    %get3A_137 = arith.constant 0 : index
    %get3A_138 = arith.constant 0 : index
    %get3A_139 = vector.load %arg2[%get3A_136, %get3A_137, %get3A_138] : memref<16x1024x256xf32, #tpu.memory_space<vmem>>, vector<1x1024x256xf32>
    %get3A_140 = vector.shape_cast %get3A_139 : vector<1x1024x256xf32> to vector<1024x256xf32>
    %dot_general3A_141 = arith.constant dense<0.000000e+00> : vector<512x1024xf32>
    %dot_general3A_142 = tpu.matmul %get3A_135, %get3A_140, %dot_general3A_141 {dimension_numbers = #tpu.dot_dimension_numbers<[1], [1], [0], [0], [0, 0, 1, 0], [], []>, transpose_lhs_hint = false} : vector<512x256xf32>, vector<1024x256xf32>, vector<512x1024xf32> -> vector<512x1024xf32>
    %argmax3A_143 = tpu.reduce_index %dot_general3A_142 {axis = 1 : i32, kind = #tpu.reduction_kind<arg_max>} : vector<512x1024xf32> -> vector<512xi32>
    %add3A_144 = arith.constant 8192 : i32
    %add3A_145 = vector.broadcast %add3A_144 : i32 to vector<512xi32>
    %add3A_146 = arith.addi %argmax3A_143, %add3A_145 : vector<512xi32>
    %broadcast_in_dim3A_147 = vector.shape_cast %add3A_146 : vector<512xi32> to vector<512x1xi32>
    %get3A_148 = arith.constant 0 : index
    %get3A_149 = arith.constant 9 : index
    %get3A_150 = arith.constant 0 : index
    %get3A_151 = vector.load %arg1[%get3A_148, %get3A_149, %get3A_150] : memref<512x16x256xf32, #tpu.memory_space<vmem>>, vector<512x1x256xf32>
    %get3A_152 = vector.shape_cast %get3A_151 : vector<512x1x256xf32> to vector<512x256xf32>
    %get3A_153 = arith.constant 9 : index
    %get3A_154 = arith.constant 0 : index
    %get3A_155 = arith.constant 0 : index
    %get3A_156 = vector.load %arg2[%get3A_153, %get3A_154, %get3A_155] : memref<16x1024x256xf32, #tpu.memory_space<vmem>>, vector<1x1024x256xf32>
    %get3A_157 = vector.shape_cast %get3A_156 : vector<1x1024x256xf32> to vector<1024x256xf32>
    %dot_general3A_158 = arith.constant dense<0.000000e+00> : vector<512x1024xf32>
    %dot_general3A_159 = tpu.matmul %get3A_152, %get3A_157, %dot_general3A_158 {dimension_numbers = #tpu.dot_dimension_numbers<[1], [1], [0], [0], [0, 0, 1, 0], [], []>, transpose_lhs_hint = false} : vector<512x256xf32>, vector<1024x256xf32>, vector<512x1024xf32> -> vector<512x1024xf32>
    %argmax3A_160 = tpu.reduce_index %dot_general3A_159 {axis = 1 : i32, kind = #tpu.reduction_kind<arg_max>} : vector<512x1024xf32> -> vector<512xi32>
    %add3A_161 = arith.constant 9216 : i32
    %add3A_162 = vector.broadcast %add3A_161 : i32 to vector<512xi32>
    %add3A_163 = arith.addi %argmax3A_160, %add3A_162 : vector<512xi32>
    %broadcast_in_dim3A_164 = vector.shape_cast %add3A_163 : vector<512xi32> to vector<512x1xi32>
    %get3A_165 = arith.constant 0 : index
    %get3A_166 = arith.constant 10 : index
    %get3A_167 = arith.constant 0 : index
    %get3A_168 = vector.load %arg1[%get3A_165, %get3A_166, %get3A_167] : memref<512x16x256xf32, #tpu.memory_space<vmem>>, vector<512x1x256xf32>
    %get3A_169 = vector.shape_cast %get3A_168 : vector<512x1x256xf32> to vector<512x256xf32>
    %get3A_170 = arith.constant 10 : index
    %get3A_171 = arith.constant 0 : index
    %get3A_172 = arith.constant 0 : index
    %get3A_173 = vector.load %arg2[%get3A_170, %get3A_171, %get3A_172] : memref<16x1024x256xf32, #tpu.memory_space<vmem>>, vector<1x1024x256xf32>
    %get3A_174 = vector.shape_cast %get3A_173 : vector<1x1024x256xf32> to vector<1024x256xf32>
    %dot_general3A_175 = arith.constant dense<0.000000e+00> : vector<512x1024xf32>
    %dot_general3A_176 = tpu.matmul %get3A_169, %get3A_174, %dot_general3A_175 {dimension_numbers = #tpu.dot_dimension_numbers<[1], [1], [0], [0], [0, 0, 1, 0], [], []>, transpose_lhs_hint = false} : vector<512x256xf32>, vector<1024x256xf32>, vector<512x1024xf32> -> vector<512x1024xf32>
    %argmax3A_177 = tpu.reduce_index %dot_general3A_176 {axis = 1 : i32, kind = #tpu.reduction_kind<arg_max>} : vector<512x1024xf32> -> vector<512xi32>
    %add3A_178 = arith.constant 10240 : i32
    %add3A_179 = vector.broadcast %add3A_178 : i32 to vector<512xi32>
    %add3A_180 = arith.addi %argmax3A_177, %add3A_179 : vector<512xi32>
    %broadcast_in_dim3A_181 = vector.shape_cast %add3A_180 : vector<512xi32> to vector<512x1xi32>
    %get3A_182 = arith.constant 0 : index
    %get3A_183 = arith.constant 11 : index
    %get3A_184 = arith.constant 0 : index
    %get3A_185 = vector.load %arg1[%get3A_182, %get3A_183, %get3A_184] : memref<512x16x256xf32, #tpu.memory_space<vmem>>, vector<512x1x256xf32>
    %get3A_186 = vector.shape_cast %get3A_185 : vector<512x1x256xf32> to vector<512x256xf32>
    %get3A_187 = arith.constant 11 : index
    %get3A_188 = arith.constant 0 : index
    %get3A_189 = arith.constant 0 : index
    %get3A_190 = vector.load %arg2[%get3A_187, %get3A_188, %get3A_189] : memref<16x1024x256xf32, #tpu.memory_space<vmem>>, vector<1x1024x256xf32>
    %get3A_191 = vector.shape_cast %get3A_190 : vector<1x1024x256xf32> to vector<1024x256xf32>
    %dot_general3A_192 = arith.constant dense<0.000000e+00> : vector<512x1024xf32>
    %dot_general3A_193 = tpu.matmul %get3A_186, %get3A_191, %dot_general3A_192 {dimension_numbers = #tpu.dot_dimension_numbers<[1], [1], [0], [0], [0, 0, 1, 0], [], []>, transpose_lhs_hint = false} : vector<512x256xf32>, vector<1024x256xf32>, vector<512x1024xf32> -> vector<512x1024xf32>
    %argmax3A_194 = tpu.reduce_index %dot_general3A_193 {axis = 1 : i32, kind = #tpu.reduction_kind<arg_max>} : vector<512x1024xf32> -> vector<512xi32>
    %add3A_195 = arith.constant 11264 : i32
    %add3A_196 = vector.broadcast %add3A_195 : i32 to vector<512xi32>
    %add3A_197 = arith.addi %argmax3A_194, %add3A_196 : vector<512xi32>
    %broadcast_in_dim3A_198 = vector.shape_cast %add3A_197 : vector<512xi32> to vector<512x1xi32>
    %get3A_199 = arith.constant 0 : index
    %get3A_200 = arith.constant 12 : index
    %get3A_201 = arith.constant 0 : index
    %get3A_202 = vector.load %arg1[%get3A_199, %get3A_200, %get3A_201] : memref<512x16x256xf32, #tpu.memory_space<vmem>>, vector<512x1x256xf32>
    %get3A_203 = vector.shape_cast %get3A_202 : vector<512x1x256xf32> to vector<512x256xf32>
    %get3A_204 = arith.constant 12 : index
    %get3A_205 = arith.constant 0 : index
    %get3A_206 = arith.constant 0 : index
    %get3A_207 = vector.load %arg2[%get3A_204, %get3A_205, %get3A_206] : memref<16x1024x256xf32, #tpu.memory_space<vmem>>, vector<1x1024x256xf32>
    %get3A_208 = vector.shape_cast %get3A_207 : vector<1x1024x256xf32> to vector<1024x256xf32>
    %dot_general3A_209 = arith.constant dense<0.000000e+00> : vector<512x1024xf32>
    %dot_general3A_210 = tpu.matmul %get3A_203, %get3A_208, %dot_general3A_209 {dimension_numbers = #tpu.dot_dimension_numbers<[1], [1], [0], [0], [0, 0, 1, 0], [], []>, transpose_lhs_hint = false} : vector<512x256xf32>, vector<1024x256xf32>, vector<512x1024xf32> -> vector<512x1024xf32>
    %argmax3A_211 = tpu.reduce_index %dot_general3A_210 {axis = 1 : i32, kind = #tpu.reduction_kind<arg_max>} : vector<512x1024xf32> -> vector<512xi32>
    %add3A_212 = arith.constant 12288 : i32
    %add3A_213 = vector.broadcast %add3A_212 : i32 to vector<512xi32>
    %add3A_214 = arith.addi %argmax3A_211, %add3A_213 : vector<512xi32>
    %broadcast_in_dim3A_215 = vector.shape_cast %add3A_214 : vector<512xi32> to vector<512x1xi32>
    %get3A_216 = arith.constant 0 : index
    %get3A_217 = arith.constant 13 : index
    %get3A_218 = arith.constant 0 : index
    %get3A_219 = vector.load %arg1[%get3A_216, %get3A_217, %get3A_218] : memref<512x16x256xf32, #tpu.memory_space<vmem>>, vector<512x1x256xf32>
    %get3A_220 = vector.shape_cast %get3A_219 : vector<512x1x256xf32> to vector<512x256xf32>
    %get3A_221 = arith.constant 13 : index
    %get3A_222 = arith.constant 0 : index
    %get3A_223 = arith.constant 0 : index
    %get3A_224 = vector.load %arg2[%get3A_221, %get3A_222, %get3A_223] : memref<16x1024x256xf32, #tpu.memory_space<vmem>>, vector<1x1024x256xf32>
    %get3A_225 = vector.shape_cast %get3A_224 : vector<1x1024x256xf32> to vector<1024x256xf32>
    %dot_general3A_226 = arith.constant dense<0.000000e+00> : vector<512x1024xf32>
    %dot_general3A_227 = tpu.matmul %get3A_220, %get3A_225, %dot_general3A_226 {dimension_numbers = #tpu.dot_dimension_numbers<[1], [1], [0], [0], [0, 0, 1, 0], [], []>, transpose_lhs_hint = false} : vector<512x256xf32>, vector<1024x256xf32>, vector<512x1024xf32> -> vector<512x1024xf32>
    %argmax3A_228 = tpu.reduce_index %dot_general3A_227 {axis = 1 : i32, kind = #tpu.reduction_kind<arg_max>} : vector<512x1024xf32> -> vector<512xi32>
    %add3A_229 = arith.constant 13312 : i32
    %add3A_230 = vector.broadcast %add3A_229 : i32 to vector<512xi32>
    %add3A_231 = arith.addi %argmax3A_228, %add3A_230 : vector<512xi32>
    %broadcast_in_dim3A_232 = vector.shape_cast %add3A_231 : vector<512xi32> to vector<512x1xi32>
    %get3A_233 = arith.constant 0 : index
    %get3A_234 = arith.constant 14 : index
    %get3A_235 = arith.constant 0 : index
    %get3A_236 = vector.load %arg1[%get3A_233, %get3A_234, %get3A_235] : memref<512x16x256xf32, #tpu.memory_space<vmem>>, vector<512x1x256xf32>
    %get3A_237 = vector.shape_cast %get3A_236 : vector<512x1x256xf32> to vector<512x256xf32>
    %get3A_238 = arith.constant 14 : index
    %get3A_239 = arith.constant 0 : index
    %get3A_240 = arith.constant 0 : index
    %get3A_241 = vector.load %arg2[%get3A_238, %get3A_239, %get3A_240] : memref<16x1024x256xf32, #tpu.memory_space<vmem>>, vector<1x1024x256xf32>
    %get3A_242 = vector.shape_cast %get3A_241 : vector<1x1024x256xf32> to vector<1024x256xf32>
    %dot_general3A_243 = arith.constant dense<0.000000e+00> : vector<512x1024xf32>
    %dot_general3A_244 = tpu.matmul %get3A_237, %get3A_242, %dot_general3A_243 {dimension_numbers = #tpu.dot_dimension_numbers<[1], [1], [0], [0], [0, 0, 1, 0], [], []>, transpose_lhs_hint = false} : vector<512x256xf32>, vector<1024x256xf32>, vector<512x1024xf32> -> vector<512x1024xf32>
    %argmax3A_245 = tpu.reduce_index %dot_general3A_244 {axis = 1 : i32, kind = #tpu.reduction_kind<arg_max>} : vector<512x1024xf32> -> vector<512xi32>
    %add3A_246 = arith.constant 14336 : i32
    %add3A_247 = vector.broadcast %add3A_246 : i32 to vector<512xi32>
    %add3A_248 = arith.addi %argmax3A_245, %add3A_247 : vector<512xi32>
    %broadcast_in_dim3A_249 = vector.shape_cast %add3A_248 : vector<512xi32> to vector<512x1xi32>
    %get3A_250 = arith.constant 0 : index
    %get3A_251 = arith.constant 15 : index
    %get3A_252 = arith.constant 0 : index
    %get3A_253 = vector.load %arg1[%get3A_250, %get3A_251, %get3A_252] : memref<512x16x256xf32, #tpu.memory_space<vmem>>, vector<512x1x256xf32>
    %get3A_254 = vector.shape_cast %get3A_253 : vector<512x1x256xf32> to vector<512x256xf32>
    %get3A_255 = arith.constant 15 : index
    %get3A_256 = arith.constant 0 : index
    %get3A_257 = arith.constant 0 : index
    %get3A_258 = vector.load %arg2[%get3A_255, %get3A_256, %get3A_257] : memref<16x1024x256xf32, #tpu.memory_space<vmem>>, vector<1x1024x256xf32>
    %get3A_259 = vector.shape_cast %get3A_258 : vector<1x1024x256xf32> to vector<1024x256xf32>
    %dot_general3A_260 = arith.constant dense<0.000000e+00> : vector<512x1024xf32>
    %dot_general3A_261 = tpu.matmul %get3A_254, %get3A_259, %dot_general3A_260 {dimension_numbers = #tpu.dot_dimension_numbers<[1], [1], [0], [0], [0, 0, 1, 0], [], []>, transpose_lhs_hint = false} : vector<512x256xf32>, vector<1024x256xf32>, vector<512x1024xf32> -> vector<512x1024xf32>
    %argmax3A_262 = tpu.reduce_index %dot_general3A_261 {axis = 1 : i32, kind = #tpu.reduction_kind<arg_max>} : vector<512x1024xf32> -> vector<512xi32>
    %add3A_263 = arith.constant 15360 : i32
    %add3A_264 = vector.broadcast %add3A_263 : i32 to vector<512xi32>
    %add3A_265 = arith.addi %argmax3A_262, %add3A_264 : vector<512xi32>
    %broadcast_in_dim3A_266 = vector.shape_cast %add3A_265 : vector<512xi32> to vector<512x1xi32>
    %concatenate3A = tpu.concatenate %broadcast_in_dim3A, %broadcast_in_dim3A_28, %broadcast_in_dim3A_45, %broadcast_in_dim3A_62, %broadcast_in_dim3A_79, %broadcast_in_dim3A_96, %broadcast_in_dim3A_113, %broadcast_in_dim3A_130, %broadcast_in_dim3A_147, %broadcast_in_dim3A_164, %broadcast_in_dim3A_181, %broadcast_in_dim3A_198, %broadcast_in_dim3A_215, %broadcast_in_dim3A_232, %broadcast_in_dim3A_249, %broadcast_in_dim3A_266 in 1 : vector<512x1xi32>, vector<512x1xi32>, vector<512x1xi32>, vector<512x1xi32>, vector<512x1xi32>, vector<512x1xi32>, vector<512x1xi32>, vector<512x1xi32>, vector<512x1xi32>, vector<512x1xi32>, vector<512x1xi32>, vector<512x1xi32>, vector<512x1xi32>, vector<512x1xi32>, vector<512x1xi32>, vector<512x1xi32> -> vector<512x16xi32>
    %swap3A = arith.constant 0 : index
    %swap3A_267 = arith.constant 0 : index
    %swap3A_268 = vector.load %arg3[%swap3A, %swap3A_267] : memref<512x16xi32, #tpu.memory_space<vmem>>, vector<512x16xi32>
    tpu.vector_store %arg3[%swap3A, %swap3A_267], %concatenate3A {strides = array<i32>} : memref<512x16xi32, #tpu.memory_space<vmem>>, vector<512x16xi32>,
    return
  }
  func.func @transform_0(%arg0: i32) -> (i32, i32, i32) {
    %add3A = arith.constant 0 : i32
    %add3A_0 = arith.addi %arg0, %add3A : i32
    %c0_i32 = arith.constant 0 : i32
    %c0_i32_1 = arith.constant 0 : i32
    %c0_i32_2 = arith.constant 0 : i32
    return %add3A_0, %c0_i32, %c0_i32_1 : i32, i32, i32
  }
  func.func @transform_1(%arg0: i32) -> (i32, i32, i32) {
    %c0_i32 = arith.constant 0 : i32
    %c0_i32_0 = arith.constant 0 : i32
    %c0_i32_1 = arith.constant 0 : i32
    %c0_i32_2 = arith.constant 0 : i32
    return %c0_i32, %c0_i32_0, %c0_i32_1 : i32, i32, i32
  }
  func.func @transform_2(%arg0: i32) -> (i32, i32) {
    %c0_i32 = arith.constant 0 : i32
    %c0_i32_0 = arith.constant 0 : i32
    return %arg0, %c0_i32 : i32, i32
  }
}

module attributes {stable_mosaic.version = 14 : i64} {
  func.func @_mm_argmax_kernel(%arg0: i32, %arg1: memref<512x16x256xf32, #tpu.memory_space<vmem>>, %arg2: memref<16x1024x256xf32, #tpu.memory_space<vmem>>, %arg3: memref<512x16xi32, #tpu.memory_space<vmem>>) attributes {dimension_semantics = [#tpu.dimension_semantics<arbitrary>], iteration_bounds = array<i64: 3>, scalar_prefetch = 0 : i64, scratch_operands = 0 : i64, tpu.core_type = #tpu.core_type<tc>, window_params = [{transform_indices = @transform_0, window_bounds = array<i64: 512, 16, 256>}, {pipeline_mode = #tpu.pipeline_mode<synchronous>, transform_indices = @transform_1, window_bounds = array<i64: 16, 1024, 256>}, {transform_indices = @transform_2, window_bounds = array<i64: 512, 16>}]} {
    %get3A = arith.constant 0 : index
    %get3A_0 = arith.constant 0 : index
    %get3A_1 = arith.constant 0 : index
    %get3A_2 = vector.load %arg1[%get3A, %get3A_0, %get3A_1] : memref<512x16x256xf32, #tpu.memory_space<vmem>>, vector<512x1x256xf32>
    %get3A_3 = vector.shape_cast %get3A_2 : vector<512x1x256xf32> to vector<512x256xf32>
    %get3A_4 = arith.constant 0 : index
    %get3A_5 = arith.constant 0 : index
    %get3A_6 = arith.constant 0 : index
    %get3A_7 = vector.load %arg2[%get3A_4, %get3A_5, %get3A_6] : memref<16x1024x256xf32, #tpu.memory_space<vmem>>, vector<1x1024x256xf32>
    %get3A_8 = vector.shape_cast %get3A_7 : vector<1x1024x256xf32> to vector<1024x256xf32>
    %dot_general3A = arith.constant dense<0.000000e+00> : vector<512x1024xf32>
    %dot_general3A_9 = tpu.matmul %get3A_3, %get3A_8, %dot_general3A {dimension_numbers = #tpu.dot_dimension_numbers<[1], [1], [0], [0], [0, 0, 1, 0], [], []>, transpose_lhs_hint = false} : vector<512x256xf32>, vector<1024x256xf32>, vector<512x1024xf32> -> vector<512x1024xf32>
    %argmax3A = tpu.reduce_index %dot_general3A_9 {axis = 1 : i32, kind = #tpu.reduction_kind<arg_max>} : vector<512x1024xf32> -> vector<512xi32>
    %add3A = arith.constant 0 : i32
    %add3A_10 = vector.broadcast %add3A : i32 to vector<512xi32>
    %add3A_11 = arith.addi %argmax3A, %add3A_10 : vector<512xi32>
    %broadcast_in_dim3A = vector.shape_cast %add3A_11 : vector<512xi32> to vector<512x1xi32>
    %get3A_12 = arith.constant 0 : index
    %get3A_13 = arith.constant 1 : index
    %get3A_14 = arith.constant 0 : index
    %get3A_15 = vector.load %arg1[%get3A_12, %get3A_13, %get3A_14] : memref<512x16x256xf32, #tpu.memory_space<vmem>>, vector<512x1x256xf32>
    %get3A_16 = vector.shape_cast %get3A_15 : vector<512x1x256xf32> to vector<512x256xf32>
    %get3A_17 = arith.constant 1 : index
    %get3A_18 = arith.constant 0 : index
    %get3A_19 = arith.constant 0 : index
    %get3A_20 = vector.load %arg2[%get3A_17, %get3A_18, %get3A_19] : memref<16x1024x256xf32, #tpu.memory_space<vmem>>, vector<1x1024x256xf32>
    %get3A_21 = vector.shape_cast %get3A_20 : vector<1x1024x256xf32> to vector<1024x256xf32>
    %dot_general3A_22 = arith.constant dense<0.000000e+00> : vector<512x1024xf32>
    %dot_general3A_23 = tpu.matmul %get3A_16, %get3A_21, %dot_general3A_22 {dimension_numbers = #tpu.dot_dimension_numbers<[1], [1], [0], [0], [0, 0, 1, 0], [], []>, transpose_lhs_hint = false} : vector<512x256xf32>, vector<1024x256xf32>, vector<512x1024xf32> -> vector<512x1024xf32>
    %argmax3A_24 = tpu.reduce_index %dot_general3A_23 {axis = 1 : i32, kind = #tpu.reduction_kind<arg_max>} : vector<512x1024xf32> -> vector<512xi32>
    %add3A_25 = arith.constant 1024 : i32
    %add3A_26 = vector.broadcast %add3A_25 : i32 to vector<512xi32>
    %add3A_27 = arith.addi %argmax3A_24, %add3A_26 : vector<512xi32>
    %broadcast_in_dim3A_28 = vector.shape_cast %add3A_27 : vector<512xi32> to vector<512x1xi32>
    %get3A_29 = arith.constant 0 : index
    %get3A_30 = arith.constant 2 : index
    %get3A_31 = arith.constant 0 : index
    %get3A_32 = vector.load %arg1[%get3A_29, %get3A_30, %get3A_31] : memref<512x16x256xf32, #tpu.memory_space<vmem>>, vector<512x1x256xf32>
    %get3A_33 = vector.shape_cast %get3A_32 : vector<512x1x256xf32> to vector<512x256xf32>
    %get3A_34 = arith.constant 2 : index
    %get3A_35 = arith.constant 0 : index
    %get3A_36 = arith.constant 0 : index
    %get3A_37 = vector.load %arg2[%get3A_34, %get3A_35, %get3A_36] : memref<16x1024x256xf32, #tpu.memory_space<vmem>>, vector<1x1024x256xf32>
    %get3A_38 = vector.shape_cast %get3A_37 : vector<1x1024x256xf32> to vector<1024x256xf32>
    %dot_general3A_39 = arith.constant dense<0.000000e+00> : vector<512x1024xf32>
    %dot_general3A_40 = tpu.matmul %get3A_33, %get3A_38, %dot_general3A_39 {dimension_numbers = #tpu.dot_dimension_numbers<[1], [1], [0], [0], [0, 0, 1, 0], [], []>, transpose_lhs_hint = false} : vector<512x256xf32>, vector<1024x256xf32>, vector<512x1024xf32> -> vector<512x1024xf32>
    %argmax3A_41 = tpu.reduce_index %dot_general3A_40 {axis = 1 : i32, kind = #tpu.reduction_kind<arg_max>} : vector<512x1024xf32> -> vector<512xi32>
    %add3A_42 = arith.constant 2048 : i32
    %add3A_43 = vector.broadcast %add3A_42 : i32 to vector<512xi32>
    %add3A_44 = arith.addi %argmax3A_41, %add3A_43 : vector<512xi32>
    %broadcast_in_dim3A_45 = vector.shape_cast %add3A_44 : vector<512xi32> to vector<512x1xi32>
    %get3A_46 = arith.constant 0 : index
    %get3A_47 = arith.constant 3 : index
    %get3A_48 = arith.constant 0 : index
    %get3A_49 = vector.load %arg1[%get3A_46, %get3A_47, %get3A_48] : memref<512x16x256xf32, #tpu.memory_space<vmem>>, vector<512x1x256xf32>
    %get3A_50 = vector.shape_cast %get3A_49 : vector<512x1x256xf32> to vector<512x256xf32>
    %get3A_51 = arith.constant 3 : index
    %get3A_52 = arith.constant 0 : index
    %get3A_53 = arith.constant 0 : index
    %get3A_54 = vector.load %arg2[%get3A_51, %get3A_52, %get3A_53] : memref<16x1024x256xf32, #tpu.memory_space<vmem>>, vector<1x1024x256xf32>
    %get3A_55 = vector.shape_cast %get3A_54 : vector<1x1024x256xf32> to vector<1024x256xf32>
    %dot_general3A_56 = arith.constant dense<0.000000e+00> : vector<512x1024xf32>
    %dot_general3A_57 = tpu.matmul %get3A_50, %get3A_55, %dot_general3A_56 {dimension_numbers = #tpu.dot_dimension_numbers<[1], [1], [0], [0], [0, 0, 1, 0], [], []>, transpose_lhs_hint = false} : vector<512x256xf32>, vector<1024x256xf32>, vector<512x1024xf32> -> vector<512x1024xf32>
    %argmax3A_58 = tpu.reduce_index %dot_general3A_57 {axis = 1 : i32, kind = #tpu.reduction_kind<arg_max>} : vector<512x1024xf32> -> vector<512xi32>
    %add3A_59 = arith.constant 3072 : i32
    %add3A_60 = vector.broadcast %add3A_59 : i32 to vector<512xi32>
    %add3A_61 = arith.addi %argmax3A_58, %add3A_60 : vector<512xi32>
    %broadcast_in_dim3A_62 = vector.shape_cast %add3A_61 : vector<512xi32> to vector<512x1xi32>
    %get3A_63 = arith.constant 0 : index
    %get3A_64 = arith.constant 4 : index
    %get3A_65 = arith.constant 0 : index
    %get3A_66 = vector.load %arg1[%get3A_63, %get3A_64, %get3A_65] : memref<512x16x256xf32, #tpu.memory_space<vmem>>, vector<512x1x256xf32>
    %get3A_67 = vector.shape_cast %get3A_66 : vector<512x1x256xf32> to vector<512x256xf32>
    %get3A_68 = arith.constant 4 : index
    %get3A_69 = arith.constant 0 : index
    %get3A_70 = arith.constant 0 : index
    %get3A_71 = vector.load %arg2[%get3A_68, %get3A_69, %get3A_70] : memref<16x1024x256xf32, #tpu.memory_space<vmem>>, vector<1x1024x256xf32>
    %get3A_72 = vector.shape_cast %get3A_71 : vector<1x1024x256xf32> to vector<1024x256xf32>
    %dot_general3A_73 = arith.constant dense<0.000000e+00> : vector<512x1024xf32>
    %dot_general3A_74 = tpu.matmul %get3A_67, %get3A_72, %dot_general3A_73 {dimension_numbers = #tpu.dot_dimension_numbers<[1], [1], [0], [0], [0, 0, 1, 0], [], []>, transpose_lhs_hint = false} : vector<512x256xf32>, vector<1024x256xf32>, vector<512x1024xf32> -> vector<512x1024xf32>
    %argmax3A_75 = tpu.reduce_index %dot_general3A_74 {axis = 1 : i32, kind = #tpu.reduction_kind<arg_max>} : vector<512x1024xf32> -> vector<512xi32>
    %add3A_76 = arith.constant 4096 : i32
    %add3A_77 = vector.broadcast %add3A_76 : i32 to vector<512xi32>
    %add3A_78 = arith.addi %argmax3A_75, %add3A_77 : vector<512xi32>
    %broadcast_in_dim3A_79 = vector.shape_cast %add3A_78 : vector<512xi32> to vector<512x1xi32>
    %get3A_80 = arith.constant 0 : index
    %get3A_81 = arith.constant 5 : index
    %get3A_82 = arith.constant 0 : index
    %get3A_83 = vector.load %arg1[%get3A_80, %get3A_81, %get3A_82] : memref<512x16x256xf32, #tpu.memory_space<vmem>>, vector<512x1x256xf32>
    %get3A_84 = vector.shape_cast %get3A_83 : vector<512x1x256xf32> to vector<512x256xf32>
    %get3A_85 = arith.constant 5 : index
    %get3A_86 = arith.constant 0 : index
    %get3A_87 = arith.constant 0 : index
    %get3A_88 = vector.load %arg2[%get3A_85, %get3A_86, %get3A_87] : memref<16x1024x256xf32, #tpu.memory_space<vmem>>, vector<1x1024x256xf32>
    %get3A_89 = vector.shape_cast %get3A_88 : vector<1x1024x256xf32> to vector<1024x256xf32>
    %dot_general3A_90 = arith.constant dense<0.000000e+00> : vector<512x1024xf32>
    %dot_general3A_91 = tpu.matmul %get3A_84, %get3A_89, %dot_general3A_90 {dimension_numbers = #tpu.dot_dimension_numbers<[1], [1], [0], [0], [0, 0, 1, 0], [], []>, transpose_lhs_hint = false} : vector<512x256xf32>, vector<1024x256xf32>, vector<512x1024xf32> -> vector<512x1024xf32>
    %argmax3A_92 = tpu.reduce_index %dot_general3A_91 {axis = 1 : i32, kind = #tpu.reduction_kind<arg_max>} : vector<512x1024xf32> -> vector<512xi32>
    %add3A_93 = arith.constant 5120 : i32
    %add3A_94 = vector.broadcast %add3A_93 : i32 to vector<512xi32>
    %add3A_95 = arith.addi %argmax3A_92, %add3A_94 : vector<512xi32>
    %broadcast_in_dim3A_96 = vector.shape_cast %add3A_95 : vector<512xi32> to vector<512x1xi32>
    %get3A_97 = arith.constant 0 : index
    %get3A_98 = arith.constant 6 : index
    %get3A_99 = arith.constant 0 : index
    %get3A_100 = vector.load %arg1[%get3A_97, %get3A_98, %get3A_99] : memref<512x16x256xf32, #tpu.memory_space<vmem>>, vector<512x1x256xf32>
    %get3A_101 = vector.shape_cast %get3A_100 : vector<512x1x256xf32> to vector<512x256xf32>
    %get3A_102 = arith.constant 6 : index
    %get3A_103 = arith.constant 0 : index
    %get3A_104 = arith.constant 0 : index
    %get3A_105 = vector.load %arg2[%get3A_102, %get3A_103, %get3A_104] : memref<16x1024x256xf32, #tpu.memory_space<vmem>>, vector<1x1024x256xf32>
    %get3A_106 = vector.shape_cast %get3A_105 : vector<1x1024x256xf32> to vector<1024x256xf32>
    %dot_general3A_107 = arith.constant dense<0.000000e+00> : vector<512x1024xf32>
    %dot_general3A_108 = tpu.matmul %get3A_101, %get3A_106, %dot_general3A_107 {dimension_numbers = #tpu.dot_dimension_numbers<[1], [1], [0], [0], [0, 0, 1, 0], [], []>, transpose_lhs_hint = false} : vector<512x256xf32>, vector<1024x256xf32>, vector<512x1024xf32> -> vector<512x1024xf32>
    %argmax3A_109 = tpu.reduce_index %dot_general3A_108 {axis = 1 : i32, kind = #tpu.reduction_kind<arg_max>} : vector<512x1024xf32> -> vector<512xi32>
    %add3A_110 = arith.constant 6144 : i32
    %add3A_111 = vector.broadcast %add3A_110 : i32 to vector<512xi32>
    %add3A_112 = arith.addi %argmax3A_109, %add3A_111 : vector<512xi32>
    %broadcast_in_dim3A_113 = vector.shape_cast %add3A_112 : vector<512xi32> to vector<512x1xi32>
    %get3A_114 = arith.constant 0 : index
    %get3A_115 = arith.constant 7 : index
    %get3A_116 = arith.constant 0 : index
    %get3A_117 = vector.load %arg1[%get3A_114, %get3A_115, %get3A_116] : memref<512x16x256xf32, #tpu.memory_space<vmem>>, vector<512x1x256xf32>
    %get3A_118 = vector.shape_cast %get3A_117 : vector<512x1x256xf32> to vector<512x256xf32>
    %get3A_119 = arith.constant 7 : index
    %get3A_120 = arith.constant 0 : index
    %get3A_121 = arith.constant 0 : index
    %get3A_122 = vector.load %arg2[%get3A_119, %get3A_120, %get3A_121] : memref<16x1024x256xf32, #tpu.memory_space<vmem>>, vector<1x1024x256xf32>
    %get3A_123 = vector.shape_cast %get3A_122 : vector<1x1024x256xf32> to vector<1024x256xf32>
    %dot_general3A_124 = arith.constant dense<0.000000e+00> : vector<512x1024xf32>
    %dot_general3A_125 = tpu.matmul %get3A_118, %get3A_123, %dot_general3A_124 {dimension_numbers = #tpu.dot_dimension_numbers<[1], [1], [0], [0], [0, 0, 1, 0], [], []>, transpose_lhs_hint = false} : vector<512x256xf32>, vector<1024x256xf32>, vector<512x1024xf32> -> vector<512x1024xf32>
    %argmax3A_126 = tpu.reduce_index %dot_general3A_125 {axis = 1 : i32, kind = #tpu.reduction_kind<arg_max>} : vector<512x1024xf32> -> vector<512xi32>
    %add3A_127 = arith.constant 7168 : i32
    %add3A_128 = vector.broadcast %add3A_127 : i32 to vector<512xi32>
    %add3A_129 = arith.addi %argmax3A_126, %add3A_128 : vector<512xi32>
    %broadcast_in_dim3A_130 = vector.shape_cast %add3A_129 : vector<512xi32> to vector<512x1xi32>
    %get3A_131 = arith.constant 0 : index
    %get3A_132 = arith.constant 8 : index
    %get3A_133 = arith.constant 0 : index
    %get3A_134 = vector.load %arg1[%get3A_131, %get3A_132, %get3A_133] : memref<512x16x256xf32, #tpu.memory_space<vmem>>, vector<512x1x256xf32>
    %get3A_135 = vector.shape_cast %get3A_134 : vector<512x1x256xf32> to vector<512x256xf32>
    %get3A_136 = arith.constant 8 : index
    %get3A_137 = arith.constant 0 : index
    %get3A_138 = arith.constant 0 : index
    %get3A_139 = vector.load %arg2[%get3A_136, %get3A_137, %get3A_138] : memref<16x1024x256xf32, #tpu.memory_space<vmem>>, vector<1x1024x256xf32>
    %get3A_140 = vector.shape_cast %get3A_139 : vector<1x1024x256xf32> to vector<1024x256xf32>
    %dot_general3A_141 = arith.constant dense<0.000000e+00> : vector<512x1024xf32>
    %dot_general3A_142 = tpu.matmul %get3A_135, %get3A_140, %dot_general3A_141 {dimension_numbers = #tpu.dot_dimension_numbers<[1], [1], [0], [0], [0, 0, 1, 0], [], []>, transpose_lhs_hint = false} : vector<512x256xf32>, vector<1024x256xf32>, vector<512x1024xf32> -> vector<512x1024xf32>
    %argmax3A_143 = tpu.reduce_index %dot_general3A_142 {axis = 1 : i32, kind = #tpu.reduction_kind<arg_max>} : vector<512x1024xf32> -> vector<512xi32>
    %add3A_144 = arith.constant 8192 : i32
    %add3A_145 = vector.broadcast %add3A_144 : i32 to vector<512xi32>
    %add3A_146 = arith.addi %argmax3A_143, %add3A_145 : vector<512xi32>
    %broadcast_in_dim3A_147 = vector.shape_cast %add3A_146 : vector<512xi32> to vector<512x1xi32>
    %get3A_148 = arith.constant 0 : index
    %get3A_149 = arith.constant 9 : index
    %get3A_150 = arith.constant 0 : index
    %get3A_151 = vector.load %arg1[%get3A_148, %get3A_149, %get3A_150] : memref<512x16x256xf32, #tpu.memory_space<vmem>>, vector<512x1x256xf32>
    %get3A_152 = vector.shape_cast %get3A_151 : vector<512x1x256xf32> to vector<512x256xf32>
    %get3A_153 = arith.constant 9 : index
    %get3A_154 = arith.constant 0 : index
    %get3A_155 = arith.constant 0 : index
    %get3A_156 = vector.load %arg2[%get3A_153, %get3A_154, %get3A_155] : memref<16x1024x256xf32, #tpu.memory_space<vmem>>, vector<1x1024x256xf32>
    %get3A_157 = vector.shape_cast %get3A_156 : vector<1x1024x256xf32> to vector<1024x256xf32>
    %dot_general3A_158 = arith.constant dense<0.000000e+00> : vector<512x1024xf32>
    %dot_general3A_159 = tpu.matmul %get3A_152, %get3A_157, %dot_general3A_158 {dimension_numbers = #tpu.dot_dimension_numbers<[1], [1], [0], [0], [0, 0, 1, 0], [], []>, transpose_lhs_hint = false} : vector<512x256xf32>, vector<1024x256xf32>, vector<512x1024xf32> -> vector<512x1024xf32>
    %argmax3A_160 = tpu.reduce_index %dot_general3A_159 {axis = 1 : i32, kind = #tpu.reduction_kind<arg_max>} : vector<512x1024xf32> -> vector<512xi32>
    %add3A_161 = arith.constant 9216 : i32
    %add3A_162 = vector.broadcast %add3A_161 : i32 to vector<512xi32>
    %add3A_163 = arith.addi %argmax3A_160, %add3A_162 : vector<512xi32>
    %broadcast_in_dim3A_164 = vector.shape_cast %add3A_163 : vector<512xi32> to vector<512x1xi32>
    %get3A_165 = arith.constant 0 : index
    %get3A_166 = arith.constant 10 : index
    %get3A_167 = arith.constant 0 : index
    %get3A_168 = vector.load %arg1[%get3A_165, %get3A_166, %get3A_167] : memref<512x16x256xf32, #tpu.memory_space<vmem>>, vector<512x1x256xf32>
    %get3A_169 = vector.shape_cast %get3A_168 : vector<512x1x256xf32> to vector<512x256xf32>
    %get3A_170 = arith.constant 10 : index
    %get3A_171 = arith.constant 0 : index
    %get3A_172 = arith.constant 0 : index
    %get3A_173 = vector.load %arg2[%get3A_170, %get3A_171, %get3A_172] : memref<16x1024x256xf32, #tpu.memory_space<vmem>>, vector<1x1024x256xf32>
    %get3A_174 = vector.shape_cast %get3A_173 : vector<1x1024x256xf32> to vector<1024x256xf32>
    %dot_general3A_175 = arith.constant dense<0.000000e+00> : vector<512x1024xf32>
    %dot_general3A_176 = tpu.matmul %get3A_169, %get3A_174, %dot_general3A_175 {dimension_numbers = #tpu.dot_dimension_numbers<[1], [1], [0], [0], [0, 0, 1, 0], [], []>, transpose_lhs_hint = false} : vector<512x256xf32>, vector<1024x256xf32>, vector<512x1024xf32> -> vector<512x1024xf32>
    %argmax3A_177 = tpu.reduce_index %dot_general3A_176 {axis = 1 : i32, kind = #tpu.reduction_kind<arg_max>} : vector<512x1024xf32> -> vector<512xi32>
    %add3A_178 = arith.constant 10240 : i32
    %add3A_179 = vector.broadcast %add3A_178 : i32 to vector<512xi32>
    %add3A_180 = arith.addi %argmax3A_177, %add3A_179 : vector<512xi32>
    %broadcast_in_dim3A_181 = vector.shape_cast %add3A_180 : vector<512xi32> to vector<512x1xi32>
    %get3A_182 = arith.constant 0 : index
    %get3A_183 = arith.constant 11 : index
    %get3A_184 = arith.constant 0 : index
    %get3A_185 = vector.load %arg1[%get3A_182, %get3A_183, %get3A_184] : memref<512x16x256xf32, #tpu.memory_space<vmem>>, vector<512x1x256xf32>
    %get3A_186 = vector.shape_cast %get3A_185 : vector<512x1x256xf32> to vector<512x256xf32>
    %get3A_187 = arith.constant 11 : index
    %get3A_188 = arith.constant 0 : index
    %get3A_189 = arith.constant 0 : index
    %get3A_190 = vector.load %arg2[%get3A_187, %get3A_188, %get3A_189] : memref<16x1024x256xf32, #tpu.memory_space<vmem>>, vector<1x1024x256xf32>
    %get3A_191 = vector.shape_cast %get3A_190 : vector<1x1024x256xf32> to vector<1024x256xf32>
    %dot_general3A_192 = arith.constant dense<0.000000e+00> : vector<512x1024xf32>
    %dot_general3A_193 = tpu.matmul %get3A_186, %get3A_191, %dot_general3A_192 {dimension_numbers = #tpu.dot_dimension_numbers<[1], [1], [0], [0], [0, 0, 1, 0], [], []>, transpose_lhs_hint = false} : vector<512x256xf32>, vector<1024x256xf32>, vector<512x1024xf32> -> vector<512x1024xf32>
    %argmax3A_194 = tpu.reduce_index %dot_general3A_193 {axis = 1 : i32, kind = #tpu.reduction_kind<arg_max>} : vector<512x1024xf32> -> vector<512xi32>
    %add3A_195 = arith.constant 11264 : i32
    %add3A_196 = vector.broadcast %add3A_195 : i32 to vector<512xi32>
    %add3A_197 = arith.addi %argmax3A_194, %add3A_196 : vector<512xi32>
    %broadcast_in_dim3A_198 = vector.shape_cast %add3A_197 : vector<512xi32> to vector<512x1xi32>
    %get3A_199 = arith.constant 0 : index
    %get3A_200 = arith.constant 12 : index
    %get3A_201 = arith.constant 0 : index
    %get3A_202 = vector.load %arg1[%get3A_199, %get3A_200, %get3A_201] : memref<512x16x256xf32, #tpu.memory_space<vmem>>, vector<512x1x256xf32>
    %get3A_203 = vector.shape_cast %get3A_202 : vector<512x1x256xf32> to vector<512x256xf32>
    %get3A_204 = arith.constant 12 : index
    %get3A_205 = arith.constant 0 : index
    %get3A_206 = arith.constant 0 : index
    %get3A_207 = vector.load %arg2[%get3A_204, %get3A_205, %get3A_206] : memref<16x1024x256xf32, #tpu.memory_space<vmem>>, vector<1x1024x256xf32>
    %get3A_208 = vector.shape_cast %get3A_207 : vector<1x1024x256xf32> to vector<1024x256xf32>
    %dot_general3A_209 = arith.constant dense<0.000000e+00> : vector<512x1024xf32>
    %dot_general3A_210 = tpu.matmul %get3A_203, %get3A_208, %dot_general3A_209 {dimension_numbers = #tpu.dot_dimension_numbers<[1], [1], [0], [0], [0, 0, 1, 0], [], []>, transpose_lhs_hint = false} : vector<512x256xf32>, vector<1024x256xf32>, vector<512x1024xf32> -> vector<512x1024xf32>
    %argmax3A_211 = tpu.reduce_index %dot_general3A_210 {axis = 1 : i32, kind = #tpu.reduction_kind<arg_max>} : vector<512x1024xf32> -> vector<512xi32>
    %add3A_212 = arith.constant 12288 : i32
    %add3A_213 = vector.broadcast %add3A_212 : i32 to vector<512xi32>
    %add3A_214 = arith.addi %argmax3A_211, %add3A_213 : vector<512xi32>
    %broadcast_in_dim3A_215 = vector.shape_cast %add3A_214 : vector<512xi32> to vector<512x1xi32>
    %get3A_216 = arith.constant 0 : index
    %get3A_217 = arith.constant 13 : index
    %get3A_218 = arith.constant 0 : index
    %get3A_219 = vector.load %arg1[%get3A_216, %get3A_217, %get3A_218] : memref<512x16x256xf32, #tpu.memory_space<vmem>>, vector<512x1x256xf32>
    %get3A_220 = vector.shape_cast %get3A_219 : vector<512x1x256xf32> to vector<512x256xf32>
    %get3A_221 = arith.constant 13 : index
    %get3A_222 = arith.constant 0 : index
    %get3A_223 = arith.constant 0 : index
    %get3A_224 = vector.load %arg2[%get3A_221, %get3A_222, %get3A_223] : memref<16x1024x256xf32, #tpu.memory_space<vmem>>, vector<1x1024x256xf32>
    %get3A_225 = vector.shape_cast %get3A_224 : vector<1x1024x256xf32> to vector<1024x256xf32>
    %dot_general3A_226 = arith.constant dense<0.000000e+00> : vector<512x1024xf32>
    %dot_general3A_227 = tpu.matmul %get3A_220, %get3A_225, %dot_general3A_226 {dimension_numbers = #tpu.dot_dimension_numbers<[1], [1], [0], [0], [0, 0, 1, 0], [], []>, transpose_lhs_hint = false} : vector<512x256xf32>, vector<1024x256xf32>, vector<512x1024xf32> -> vector<512x1024xf32>
    %argmax3A_228 = tpu.reduce_index %dot_general3A_227 {axis = 1 : i32, kind = #tpu.reduction_kind<arg_max>} : vector<512x1024xf32> -> vector<512xi32>
    %add3A_229 = arith.constant 13312 : i32
    %add3A_230 = vector.broadcast %add3A_229 : i32 to vector<512xi32>
    %add3A_231 = arith.addi %argmax3A_228, %add3A_230 : vector<512xi32>
    %broadcast_in_dim3A_232 = vector.shape_cast %add3A_231 : vector<512xi32> to vector<512x1xi32>
    %get3A_233 = arith.constant 0 : index
    %get3A_234 = arith.constant 14 : index
    %get3A_235 = arith.constant 0 : index
    %get3A_236 = vector.load %arg1[%get3A_233, %get3A_234, %get3A_235] : memref<512x16x256xf32, #tpu.memory_space<vmem>>, vector<512x1x256xf32>
    %get3A_237 = vector.shape_cast %get3A_236 : vector<512x1x256xf32> to vector<512x256xf32>
    %get3A_238 = arith.constant 14 : index
    %get3A_239 = arith.constant 0 : index
    %get3A_240 = arith.constant 0 : index
    %get3A_241 = vector.load %arg2[%get3A_238, %get3A_239, %get3A_240] : memref<16x1024x256xf32, #tpu.memory_space<vmem>>, vector<1x1024x256xf32>
    %get3A_242 = vector.shape_cast %get3A_241 : vector<1x1024x256xf32> to vector<1024x256xf32>
    %dot_general3A_243 = arith.constant dense<0.000000e+00> : vector<512x1024xf32>
    %dot_general3A_244 = tpu.matmul %get3A_237, %get3A_242, %dot_general3A_243 {dimension_numbers = #tpu.dot_dimension_numbers<[1], [1], [0], [0], [0, 0, 1, 0], [], []>, transpose_lhs_hint = false} : vector<512x256xf32>, vector<1024x256xf32>, vector<512x1024xf32> -> vector<512x1024xf32>
    %argmax3A_245 = tpu.reduce_index %dot_general3A_244 {axis = 1 : i32, kind = #tpu.reduction_kind<arg_max>} : vector<512x1024xf32> -> vector<512xi32>
    %add3A_246 = arith.constant 14336 : i32
    %add3A_247 = vector.broadcast %add3A_246 : i32 to vector<512xi32>
    %add3A_248 = arith.addi %argmax3A_245, %add3A_247 : vector<512xi32>
    %broadcast_in_dim3A_249 = vector.shape_cast %add3A_248 : vector<512xi32> to vector<512x1xi32>
    %get3A_250 = arith.constant 0 : index
    %get3A_251 = arith.constant 15 : index
    %get3A_252 = arith.constant 0 : index
    %get3A_253 = vector.load %arg1[%get3A_250, %get3A_251, %get3A_252] : memref<512x16x256xf32, #tpu.memory_space<vmem>>, vector<512x1x256xf32>
    %get3A_254 = vector.shape_cast %get3A_253 : vector<512x1x256xf32> to vector<512x256xf32>
    %get3A_255 = arith.constant 15 : index
    %get3A_256 = arith.constant 0 : index
    %get3A_257 = arith.constant 0 : index
    %get3A_258 = vector.load %arg2[%get3A_255, %get3A_256, %get3A_257] : memref<16x1024x256xf32, #tpu.memory_space<vmem>>, vector<1x1024x256xf32>
    %get3A_259 = vector.shape_cast %get3A_258 : vector<1x1024x256xf32> to vector<1024x256xf32>
    %dot_general3A_260 = arith.constant dense<0.000000e+00> : vector<512x1024xf32>
    %dot_general3A_261 = tpu.matmul %get3A_254, %get3A_259, %dot_general3A_260 {dimension_numbers = #tpu.dot_dimension_numbers<[1], [1], [0], [0], [0, 0, 1, 0], [], []>, transpose_lhs_hint = false} : vector<512x256xf32>, vector<1024x256xf32>, vector<512x1024xf32> -> vector<512x1024xf32>
    %argmax3A_262 = tpu.reduce_index %dot_general3A_261 {axis = 1 : i32, kind = #tpu.reduction_kind<arg_max>} : vector<512x1024xf32> -> vector<512xi32>
    %add3A_263 = arith.constant 15360 : i32
    %add3A_264 = vector.broadcast %add3A_263 : i32 to vector<512xi32>
    %add3A_265 = arith.addi %argmax3A_262, %add3A_264 : vector<512xi32>
    %broadcast_in_dim3A_266 = vector.shape_cast %add3A_265 : vector<512xi32> to vector<512x1xi32>
    %concatenate3A = tpu.concatenate %broadcast_in_dim3A, %broadcast_in_dim3A_28, %broadcast_in_dim3A_45, %broadcast_in_dim3A_62, %broadcast_in_dim3A_79, %broadcast_in_dim3A_96, %broadcast_in_dim3A_113, %broadcast_in_dim3A_130, %broadcast_in_dim3A_147, %broadcast_in_dim3A_164, %broadcast_in_dim3A_181, %broadcast_in_dim3A_198, %broadcast_in_dim3A_215, %broadcast_in_dim3A_232, %broadcast_in_dim3A_249, %broadcast_in_dim3A_266 in 1 : vector<512x1xi32>, vector<512x1xi32>, vector<512x1xi32>, vector<512x1xi32>, vector<512x1xi32>, vector<512x1xi32>, vector<512x1xi32>, vector<512x1xi32>, vector<512x1xi32>, vector<512x1xi32>, vector<512x1xi32>, vector<512x1xi32>, vector<512x1xi32>, vector<512x1xi32>, vector<512x1xi32>, vector<512x1xi32> -> vector<512x16xi32>
    %swap3A = arith.constant 0 : index
    %swap3A_267 = arith.constant 0 : index
    %swap3A_268 = vector.load %arg3[%swap3A, %swap3A_267] : memref<512x16xi32, #tpu.memory_space<vmem>>, vector<512x16xi32>
    tpu.vector_store %arg3[%swap3A, %swap3A_267], %concatenate3A {strides = array<i32>} : memref<512x16xi32, #tpu.memory_space<vmem>>, vector<512x16xi32>,
    return
  }
  func.func @transform_0(%arg0: i32) -> (i32, i32, i32) {
    %add3A = arith.constant 5 : i32
    %add3A_0 = arith.addi %arg0, %add3A : i32
    %c0_i32 = arith.constant 0 : i32
    %c0_i32_1 = arith.constant 0 : i32
    %c0_i32_2 = arith.constant 0 : i32
    return %add3A_0, %c0_i32, %c0_i32_1 : i32, i32, i32
  }
  func.func @transform_1(%arg0: i32) -> (i32, i32, i32) {
    %c0_i32 = arith.constant 0 : i32
    %c0_i32_0 = arith.constant 0 : i32
    %c0_i32_1 = arith.constant 0 : i32
    %c0_i32_2 = arith.constant 0 : i32
    return %c0_i32, %c0_i32_0, %c0_i32_1 : i32, i32, i32
  }
  func.func @transform_2(%arg0: i32) -> (i32, i32) {
    %c0_i32 = arith.constant 0 : i32
    %c0_i32_0 = arith.constant 0 : i32
    return %arg0, %c0_i32 : i32, i32
  }
}

</mosaic_0001>

<sc_bundles>
// kernel: kernel.6.cloned.1.call-start
scs
__scs_entry_jumppad:
0x0: {  	(pc) =	sbr.rel $0x88, $3  }
0x1: {  	(tag) =	ssettag $0x0;
	lr =	simm.s32 $0x1  }
0x2: {  	[smem:$0x3F9F] =	sst lr;
	_ =	strace $0xD0000000  }
0x3: {  	_ = 	snop  }
0x4: {  	_ = 	snop  }
0x5: {  	_ = 	snop  }
0x6: {  	_ = 	snop  }
0x7: {  	_ = 	snop  }
__scs_overlays_trampoline_lowered:
0x8: {  	[smem:$0x3FAE] =	sst s0  }
0x9: {  	[smem:$0x3FAF] =	sst s1  }
0xa: {  	[smem:$0x3FB0] =	sst s2  }
0xb: {  	[smem:$0x3FB1] =	sst s3  }
0xc: {  	[smem:$0x3FB2] =	sst s4  }
0xd: {  	[smem:$0x3FB3] =	sst s5  }
0xe: {  	[smem:$0x3FB4] =	sst s6  }
0xf: {  	[smem:$0x3FB5] =	sst s7  }
0x10: {  	[smem:$0x3FB6] =	sst s8  }
0x11: {  	[smem:$0x3FB7] =	sst s9;
	s0 =	simm.s32 @!p0 $0x0  }
0x12: {  	s1 =	sld [smem:$0x3F9D];
	s0 =	simm.s32 @p0 $0x1  }
0x13: {  	[smem:$0x3FB8] =	sst s0;
	s0 =	simm.s32 @!p1 $0x0  }
0x14: {  	s2 =	sld [smem:$0x3F9C];
	s0 =	simm.s32 @p1 $0x1  }
0x15: {  	[smem:$0x3FB9] =	sst s0;
	s0 =	simm.s32 @!p2 $0x0  }
0x16: {  	s3 =	sld [smem:$0x3FDB];
	s0 =	simm.s32 @p2 $0x1  }
0x17: {  	s4 =	simm.s32 $0x1BF5;
	[smem:$0x3FBB] =	sst s0  }
0x18: {  	s0 =	sld [smem:$0x3F9E];
	_ =	swait.ge [sflag:s4], $0x0  }
0x19: {  	s7 =	sld [smem:$0x3F9F]  }
0x1a: {  	s8 =	sadd.s32 $0xFFFFE003, lr  }
0x1b: {  	s9 =	sadd.s32 $0xFFFFFEF7, lr;
	s5 =	simm.s32 $0xFFFFFFFF;
	p2 =	slt.u32 s8, $0xFFFFF086  }
0x1c: {  	p1 =	slt.u32 s9, $0xF7A;
	s5 =	simm.s32 @!p2 $0x0  }
0x1d: {  	s5 =	simm.s32 @p1 $0x1;
	p0 =	seq.s32 s7, s2  }
0x1e: {  	s7 =	smul.u32 @!p0 $0xF7A, s2;
	p2 =	seq.s32 @!p0 s5, $0x0  }
0x1f: {  	s9 =	smul.u32 $0xF7A, s1;
	s8 =	simm.s32 @!p0 $0x1BF5;
	p2 =	por !p2, p0  }
0x20: {  	[sflag:s8] =	ssyncset.s32 @!p0 $0xFFFFF086;
	s6 =	sadd.s32 @!p0 s3, s7;
	s7 =	simm.s32 @!p0 $0x108  }
0x21: {  	s3 =	sadd.s32 s3, s9;
	s6 =	sadd.s32 @!p0 $0x88, s6;
	s7 =	simm.s32 @p2 $0x1082  }
0x22: {  	[simem:s7], [sflag:s8] =	dma.local @!p0 [hbm:s6], $0xF7A  }
0x23: {  	s9 =	sor.u32 $0xD0000000, s2;
	s6 =	simm.s32 $0x108;
	_ =	swait.ge @!p0 [sflag:s8], $0x0  }
0x24: {  	s3 =	sadd.s32 $0x88, s3;
	s6 =	simm.s32 @!p1 $0x1082;
	[sflag:s4] =	ssyncset.s32 $0xFFFFF086  }
0x25: {  	[simem:s6], [sflag:s4] =	dma.local [hbm:s3], $0xF7A  }
0x26: {  	[smem:$0x3F9F] =	sst s1;
	(tag) =	ssettag s2;
	_ =	strace s9  }
0x27: {  	s1 =	sld [smem:$0x3FAF]  }
0x28: {  	s2 =	sld [smem:$0x3FB0]  }
0x29: {  	s4 =	sld [smem:$0x3FB2]  }
0x2a: {  	p0 =	seq.s32 s5, $0x0;
	s5 =	sld [smem:$0x3FB3]  }
0x2b: {  	s6 =	sld [smem:$0x3FB4]  }
0x2c: {  	s7 =	sld [smem:$0x3FB5]  }
0x2d: {  	s3 =	simm.s32 $0x108;
	s8 =	sld [smem:$0x3FB6]  }
0x2e: {  	s3 =	simm.s32 @!p0 $0x1082;
	s9 =	sld [smem:$0x3FB7]  }
0x2f: {  	lr =	sadd.s32 s0, s3;
	s0 =	sld [smem:$0x3FAE]  }
0x30: {  	s3 =	sld [smem:$0x3FB1]  }
0x31: {  	[smem:$0x3FBA] =	sst s10  }
0x32: {  	s10 =	sld [smem:$0x3FB8];
	_ =	sdelay $0x3  }
0x33: {  	p0 =	seq.s32 s10, $0x1;
	s10 =	sld [smem:$0x3FBA];
	_ =	sdelay $0x3  }
0x34: {  	[smem:$0x3FBA] =	sst s10  }
0x35: {  	s10 =	sld [smem:$0x3FB9];
	_ =	sdelay $0x3  }
0x36: {  	p1 =	seq.s32 s10, $0x1;
	s10 =	sld [smem:$0x3FBA];
	_ =	sdelay $0x3  }
0x37: {  	[smem:$0x3FBA] =	sst s10  }
0x38: {  	s10 =	sld [smem:$0x3FBB]  }
0x39: {  	_ = 	snop;
	(pc) =	sbr.ind lr, $3  }
0x3a: {  	_ = 	snop  }
0x3b: {  	_ = 	snop  }
0x3c: {  	p2 =	seq.s32 s10, $0x1;
	s10 =	sld [smem:$0x3FBA]  }
0x3d: {  	_ =	shalt  }
0x3e: {  	_ =	shalt  }
0x3f: {  	_ =	shalt  }
0x40: {  	_ =	shalt  }
0x41: {  	_ =	shalt  }
0x42: {  	_ =	shalt  }
0x43: {  	_ =	shalt  }
0x44: {  	_ =	shalt  }
0x45: {  	_ =	shalt  }
0x46: {  	_ =	shalt  }
0x47: {  	_ =	shalt  }
0x48: {  	_ =	shalt  }
0x49: {  	_ =	shalt  }
0x4a: {  	_ =	shalt  }
0x4b: {  	_ =	shalt  }
0x4c: {  	_ =	shalt  }
0x4d: {  	_ =	shalt  }
0x4e: {  	_ =	shalt  }
0x4f: {  	_ =	shalt  }
0x50: {  	_ =	shalt  }
0x51: {  	_ =	shalt  }
0x52: {  	_ =	shalt  }
0x53: {  	_ =	shalt  }
0x54: {  	_ =	shalt  }
0x55: {  	_ =	shalt  }
0x56: {  	_ =	shalt  }
0x57: {  	_ =	shalt  }
0x58: {  	_ =	shalt  }
0x59: {  	_ =	shalt  }
0x5a: {  	_ =	shalt  }
0x5b: {  	_ =	shalt  }
0x5c: {  	_ =	shalt  }
0x5d: {  	_ =	shalt  }
0x5e: {  	_ =	shalt  }
0x5f: {  	_ =	shalt  }
0x60: {  	_ =	shalt  }
0x61: {  	_ =	shalt  }
0x62: {  	_ =	shalt  }
0x63: {  	_ =	shalt  }
0x64: {  	_ =	shalt  }
0x65: {  	_ =	shalt  }
0x66: {  	_ =	shalt  }
0x67: {  	_ =	shalt  }
0x68: {  	_ =	shalt  }
0x69: {  	_ =	shalt  }
0x6a: {  	_ =	shalt  }
0x6b: {  	_ =	shalt  }
0x6c: {  	_ =	shalt  }
0x6d: {  	_ =	shalt  }
0x6e: {  	_ =	shalt  }
0x6f: {  	_ =	shalt  }
0x70: {  	_ =	shalt  }
0x71: {  	_ =	shalt  }
0x72: {  	_ =	shalt  }
0x73: {  	_ =	shalt  }
0x74: {  	_ =	shalt  }
0x75: {  	_ =	shalt  }
0x76: {  	_ =	shalt  }
0x77: {  	_ =	shalt  }
0x78: {  	_ =	shalt  }
0x79: {  	_ =	shalt  }
0x7a: {  	_ =	shalt  }
0x7b: {  	_ =	shalt  }
0x7c: {  	_ =	shalt  }
0x7d: {  	_ =	shalt  }
0x7e: {  	_ =	shalt  }
0x7f: {  	_ =	shalt  }
0x80: {  	_ =	shalt  }
0x81: {  	_ =	shalt  }
0x82: {  	_ =	shalt  }
0x83: {  	_ =	shalt  }
0x84: {  	_ =	shalt  }
0x85: {  	_ =	shalt  }
0x86: {  	_ =	shalt  }
0x87: {  	_ =	shalt  }
.Lfunc_end0:
.L_simem_size_0:
called_computation_lowered:
.L_overlay_start_0:
0x88: {  	s2 =	sld [smem:$0x3FD9]  }
0x89: {  	s3 =	sld [smem:$0x3FFE];
	_ =	sdelay $0x1  }
0x8a: {  	s1 =	srdreg.scid  }
0x8b: {  	s0 =	sand.u32 $0x1, s1  }
0x8c: {  	s14 =	sshll.u32 s0, $0xA;
	s2 =	sadd.s32 s3, s2  }
0x8d: {  	s2 =	sadd.s32 s2, s14  }
0x8e: {  	[smem:$0x3FC6] =	sst s2  }
0x8f: {  	_ = 	snop  }
0x90: {  	s2 =	sld [smem:$0x3FD0];
	_ =	sdelay $0x2  }
0x91: {  	s4 =	simm.s32 $0xA;
	s5 =	simm.s32 $0x10;
	s15 =	sld [smem:$0x3FC8]  }
0x92: {  	[smem:s5], [sflag:s4] =	dma.local [hbm:s2], $0x1  }
0x93: {  	_ =	swait.eq [sflag:s4], $0x1  }
0x94: {  	[sflag:s4] =	ssyncset.done $0x0  }
0x95: {  	[sflag:s4] =	ssyncadd.s32 $0xFFFFFFFF  }
0x96: {  	s16 =	sld [smem:$0x11];
	(tm) =	ssettm $0x1  }
0x97: {  	s17 =	sld [smem:$0x3FFB];
	_ =	sdelay $0x3  }
0x98: {  	_ =	strace s17  }
0x99: {  	s4 =	sld [smem:$0x3FFC];
	_ =	sdelay $0x3  }
0x9a: {  	_ =	strace s4  }
0x9b: {  	s4 =	sld [smem:$0x3FFD];
	_ =	sdelay $0x3  }
0x9c: {  	_ =	strace s4  }
0x9d: {  	_ =	strace $0x8FFFFFFF  }
0x9e: {  	s18 =	sld [smem:$0x3FDB];
	_ =	sdelay $0x1  }
0x9f: {  	s19 =	simm.s32 $_scs_section_size  }
0xa0: {  	s6 =	simm.s32 $_size__tile_overlayer_lowered;
	s7 =	simm.s32 $_tile_overlayer_lowered  }
0xa1: {  	s22 =	simm.s32 $0x1BFF;
	s21 =	sshll.u32 s7, $0x1;
	s4 =	sadd.s32 s19, s18  }
0xa2: {  	s8 =	simm.s32 $0x0;
	s20 =	sshll.u32 s6, $0x1;
	s6 =	sadd.s32 s21, s4  }
0xa3: {  	[timem:s8], [sflag:s22] =	dma.local [hbm:s6], s20  }
0xa4: {  	_ =	swait.ge [sflag:s22], s20  }
0xa5: {  	s5 =	ssub.s32 $0x0, s20;
	[sflag:s22] =	ssyncset.done $0x0  }
0xa6: {  	[sflag:s22] =	ssyncadd.s32 s5;
	_ =	sdelay $0x1  }
0xa7: {  	s23 =	simm.s32 $0x1B8B  }
0xa8: {  	_ =	swait.ge [sflag:s23], $0x1  }
0xa9: {  	[sflag:s23] =	ssyncset.done $0x0  }
0xaa: {  	s25 =	simm.s32 $0x1B8E;
	s24 =	sld [smem:$0x3FFE];
	[sflag:s23] =	ssyncadd.s32 $0xFFFFFFFF  }
0xab: {  	s26 =	simm.s32 $execute0_lowered;
	[smem:$0x3FD2] =	sst s25  }
0xac: {  	s6 =	sshll.u32 s26, $0x1;
	_ =	strace $0x80000046;
	[dreg:$0x1] =	wrdreg $0xFFFFFFFF  }
0xad: {  	s28 =	simm.s32 $_size_execute0_lowered;
	s4 =	sadd.s32 s4, s6;
	[dreg:$0x0] =	wrdreg $0x0  }
0xae: {  	s6 =	sshll.u32 s28, $0x1;
	[dreg:$0x2] =	wrdreg s4  }
0xaf: {  	[dreg:$0x3] =	wrdreg s6  }
0xb0: {  	[dreg:$0x4] =	wrdreg $0xC0  }
0xb1: {  	_ =	task [dreg:s8], $0x5FFFF  }
0xb2: {  	[dreg:$0x1] =	wrdreg $0xFFFFFFFF  }
0xb3: {  	[dreg:$0x0] =	wrdreg $0x60  }
0xb4: {  	[dreg:$0x2] =	wrdreg s15  }
0xb5: {  	[dreg:$0x3] =	wrdreg s24  }
0xb6: {  	[dreg:$0x4] =	wrdreg s16  }
0xb7: {  	[dreg:$0x5] =	wrdreg $0x9  }
0xb8: {  	_ =	task.clear_ibuf [dreg:s8], $0x6FFFF;
	_ =	strace $0x90000046  }
0xb9: {  	s29 =	simm.s32 $0x9;
	_ =	strace $0x80000048  }
0xba: {  	_ =	swait.ge [sflag:s29], $0x1  }
0xbb: {  	[sflag:s29] =	ssyncadd.s32 $0xFFFFFFFF  }
0xbc: {  	_ =	strace $0x90000048  }
0xbd: {  	_ =	sfence  }
0xbe: {  	s30 =	sld [smem:$0x0];
	_ =	sdelay $0x2  }
0xbf: {  	s31 =	sshll.u32 s1, $0xD;
	s1 =	sshrl.u32 s1, $0x2  }
0xc0: {  	s3 =	sand.u32 $0x4000, s31;
	s1 =	sadd.s32 s1, s30  }
0xc1: {  	s0 =	sor.u32 s3, s0;
	s1 =	sshll.u32 s1, $0x11  }
0xc2: {  	s0 =	sor.u32 s1, s0  }
0xc3: {  	s0 =	sadd.s32 $0x8F2B, s0  }
0xc4: {  	[sflag:s0] =	ssyncadd.remote.s32 $0x1  }
0xc5: {  	_ =	sfence.sel $0xFFFF  }
0xc6: {  	[dreg:$0x0] =	wrdreg $0xFFFFFFFF;
	(pc) =	sbr.abs _section_cstart, $3  }
0xc7: {  	[dreg:$0x1] =	wrdreg $0xFFFFFFFF  }
0xc8: {  	_ =	task.clear_ibuf [dreg:s8], $0x2FFFF;
	_ =	strace $0x9FFFFFFF  }
0xc9: {  	(tm) =	ssettm $0x7FFFFFFF  }
tec
execute0_lowered:
.L_overlay_start_1:
0x0: {  	(tag) =	ssettag $0x1  }
0x1: {  	s1 =	rddreg [dreg:$0x0]  }
0x2: {  	s0 =	rddreg [dreg:$0x1];
	s2 =	srdreg.scid  }
0x3: {  	s9 =	stileid.u32;
	s10 =	rddreg [dreg:$0x2]  }
0x4: {  	s4 =	simm.s32 $0x0;
	s17 =	simm.s32 $0x2D00;
	s15 =	simm.s32 $0x2  }
0x5: {  	s28 =	simm.s32 $0x6;
	s29 =	simm.s32 $0x7;
	s19 =	smul.u32 $0xA0000, s9  }
0x6: {  	s30 =	simm.s32 $0x8;
	s2 =	sand.u32 $0x1, s2;
	s23 =	smul.u32 $0x14000, s9  }
0x7: {  	s13 =	simm.s32 $0x4500;
	s3 =	sshll.u32 s9, $0x1;
	s21 =	smul.u32 $0x50000, s2  }
0x8: {  	s3 =	sor.u32 s2, s3;
	s6 =	ssub.s32 $0x2, s2;
	s2 =	smul.u32 $0xA000, s2  }
0x9: {  	s14 =	simm.s32 $0x4D00;
	s16 =	simm.s32 $0x5500;
	s5 =	smul.u32 $0x500, s3  }
0xa: {  	[smem:$0x7FF] =	sst s4;
	s9 =	smov.u32 s10;
	s8 =	smul.u32 $0xA000, s3  }
0xb: {  	_ =	strace $0x80000047;
	s7 =	sshrl.u32 s6, $0x1;
	s3 =	smul.u32 $0x50000, s3  }
0xc: {  	s18 =	ssub.s32 s6, s7;
	s7 =	sadd.s32 s23, s10;
	s6 =	simm.s32 $0xED00  }
0xd: {  	s23 =	simm.s32 $0x3;
	s0 =	sadd.s32 s5, s0;
	s8 =	sadd.s32 s10, s8  }
0xe: {  	s3 =	sshrl.u32 s3, $0x3;
	s31 =	smax.u32 s18, $0x1;
	[dreg:$0x6] =	wrdreg s8  }
0xf: {  	s2 =	sadd.s32 s2, s7;
	s5 =	simm.s32 $0x1;
	[dreg:$0xe] =	wrdreg s31  }
0x10: {  	s7 =	simm.s32 $0xAD00;
	s0 =	sadd.s32 $0x1400, s0;
	[dreg:$0x4] =	wrdreg s2  }
0x11: {  	s18 =	simm.s32 $0xB500;
	s20 =	sadd.s32 $0x800, s8;
	[dreg:$0x5] =	wrdreg s0  }
0x12: {  	s22 =	sadd.s32 $0x1000, s8;
	s3 =	sadd.s32 s10, s3;
	[dreg:$0x7] =	wrdreg s20  }
0x13: {  	s8 =	sadd.s32 $0x1800, s8;
	s10 =	simm.s32 $0x3500;
	[dreg:$0x8] =	wrdreg s22  }
0x14: {  	s2 =	simm.s32 $0x0;
	[dreg:$0x9] =	wrdreg s8;
	s24 =	sadd.s32 $0x8000, s3  }
0x15: {  	s25 =	sadd.s32 $0x8800, s3;
	s26 =	sadd.s32 $0x9000, s3;
	[dreg:$0xa] =	wrdreg s24  }
0x16: {  	s3 =	sadd.s32 $0x9800, s3;
	s0 =	sadd.s32 s21, s19;
	[dreg:$0xb] =	wrdreg s25  }
0x17: {  	s19 =	simm.s32 $0xBD00;
	s20 =	simm.s32 $0xC500;
	[dreg:$0xc] =	wrdreg s26  }
0x18: {  	v2 =	vlaneseq.u32;
	s21 =	simm.s32 $0xCD00;
	s22 =	simm.s32 $0xD500;
	[dreg:$0xd] =	wrdreg s3  }
0x19: {  	vm0 =	vmmov $0xffff;
	v1 =	vshrl.u32 v2, $0x3;
	s0 =	sadd.s32 $0x10000, s0;
	s25 =	simm.s32 $0x6D00;
	s24 =	simm.s32 $0x5  }
0x1a: {  	v0 =	vand.u32 $0x7, v2;
	v2 =	vor.u32 $0x8, v2;
	v1 =	vmul.u32 $0x8, v1;
	s26 =	simm.s32 $0x4;
	s3 =	simm.s32 $0x3D00;
	[dreg:$0xf] =	wrdreg s0  }
.LBB2_1:
0x1b: {  	[dreg:$0x10] =	wrdreg s2  }
0x1c: {  	s0 =	rddreg [dreg:$0x5];
	s31 =	simm.s32 $0x9  }
0x1d: {  	[tilespmem:s4], [sflag:$0x9] =	stream.linear.gather [hbm4b:s0+s4], $0x2800, $0x38;
	[tilespmem:$0x12D00] =	vst v63  }
0x1e: {  	_ =	swait.ge [sflag:s31], $0x2800  }
0x1f: {  	[sflag:s31] =	ssyncset.done $0x0  }
0x20: {  	[sflag:s31] =	ssyncadd.s32 $0xFFFFD800  }
0x21: {  	v3 =	vld [tilespmem:s4+$0x0];
	_ =	sdelay $0x2  }
0x22: {  	s8 =	simm.s32 $0x0;
	s2 =	simm.s32 $0x0;
	s0 =	simm.s32 $0x40  }
.LBB2_2:
0x23: {  	p0 =	sne.s32 s0, $0x13C0  }
0x24: {  	[tilespmem:s8+$0x2800] =	vst v3;
	s2 =	sadd.s32 $0x80, s2;
	s8 =	smov.u32 s0;
	s0 =	sadd.s32 $0x40, s0  }
.Ltmp0:
0x25: {  	v3 =	vld [tilespmem:s2+$0x0];
	(pc) =	sbr.rel @p0 .LBB2_2-.Ltmp0, $2  }
0x26: {  	_ =	sdelay $0x2  }
0x27: {  	s8 =	sshra.s32 s8, $0x2  }
0x28: {  	[tilespmem:s8+$0x2800] =	vst v3  }
0x29: {  	v3 =	vld [tilespmem:$0x2800];
	_ =	sdelay $0x4  }
0x2a: {  	v4 =	vshll.u32 v3, $0x1  }
0x2b: {  	v3 =	vand.u32 $0x7, v3;
	v4 =	vand.u32 $0xFFFFFFF0, v4  }
0x2c: {  	v3 =	vor.u32 v3, v4  }
0x2d: {  	v4 =	vperm.xlane v3, v0;
	_ =	sdelay $0x1  }
0x2e: {  	v3 =	vperm.xlane v3, v2;
	v4 =	vadd.s32 v1, v4;
	_ =	sdelay $0x1  }
0x2f: {  	v3 =	vadd.s32 v1, v3;
	_ =	sdelay $0x1  }
0x30: {  	s31 =	simm.s32 $0x0  }
0x31: {  	[tilespmem:s17], [sflag:$0x1] =	stream.indirect_vreg.gather [hbm4b:s1+s31], $0x80, v4, vm0, $0xb8;
	[tilespmem:$0x12D00] =	vst v63  }
0x32: {  	_ = 	snop  }
0x33: {  	[tilespmem:s10], [sflag:$0x1] =	stream.indirect_vreg.gather [hbm4b:s1+s31], $0x80, v3, vm0, $0xb8;
	[tilespmem:$0x12D00] =	vst v63  }
0x34: {  	v3 =	vld [tilespmem:$0x2810];
	_ =	sdelay $0x4  }
0x35: {  	v41 =	vshll.u32 v3, $0x1  }
0x36: {  	v3 =	vand.u32 $0x7, v3;
	v4 =	vand.u32 $0xFFFFFFF0, v41  }
0x37: {  	v3 =	vor.u32 v3, v4  }
0x38: {  	v4 =	vperm.xlane v3, v0;
	_ =	sdelay $0x1  }
0x39: {  	v3 =	vperm.xlane v3, v2;
	v4 =	vadd.s32 v1, v4;
	_ =	sdelay $0x1  }
0x3a: {  	v3 =	vadd.s32 v1, v3;
	_ =	sdelay $0x1  }
0x3b: {  	s2 =	simm.s32 $0x3D00  }
0x3c: {  	[tilespmem:s2], [sflag:$0x1] =	stream.indirect_vreg.gather [hbm4b:s1+s31], $0x80, v4, vm0, $0xb8;
	[tilespmem:$0x12D00] =	vst v63  }
0x3d: {  	s8 =	simm.s32 $0x4500  }
0x3e: {  	[tilespmem:s8], [sflag:$0x1] =	stream.indirect_vreg.gather [hbm4b:s1+s31], $0x80, v3, vm0, $0xb8;
	[tilespmem:$0x12D00] =	vst v63  }
0x3f: {  	v3 =	vld [tilespmem:$0x2820];
	_ =	sdelay $0x4  }
0x40: {  	v42 =	vshll.u32 v3, $0x1  }
0x41: {  	v3 =	vand.u32 $0x7, v3;
	v4 =	vand.u32 $0xFFFFFFF0, v42  }
0x42: {  	v3 =	vor.u32 v3, v4  }
0x43: {  	v4 =	vperm.xlane v3, v0;
	_ =	sdelay $0x1  }
0x44: {  	v3 =	vperm.xlane v3, v2;
	v4 =	vadd.s32 v1, v4;
	_ =	sdelay $0x1  }
0x45: {  	v3 =	vadd.s32 v1, v3;
	_ =	sdelay $0x1  }
0x46: {  	s11 =	simm.s32 $0x4D00  }
0x47: {  	[tilespmem:s11], [sflag:$0x1] =	stream.indirect_vreg.gather [hbm4b:s1+s31], $0x80, v4, vm0, $0xb8;
	[tilespmem:$0x12D00] =	vst v63  }
0x48: {  	s12 =	simm.s32 $0x5500  }
0x49: {  	[tilespmem:s12], [sflag:$0x1] =	stream.indirect_vreg.gather [hbm4b:s1+s31], $0x80, v3, vm0, $0xb8;
	[tilespmem:$0x12D00] =	vst v63  }
0x4a: {  	v3 =	vld [tilespmem:$0x2830];
	_ =	sdelay $0x4  }
0x4b: {  	v43 =	vshll.u32 v3, $0x1  }
0x4c: {  	v3 =	vand.u32 $0x7, v3;
	v4 =	vand.u32 $0xFFFFFFF0, v43  }
0x4d: {  	v3 =	vor.u32 v3, v4  }
0x4e: {  	v4 =	vperm.xlane v3, v0;
	_ =	sdelay $0x1  }
0x4f: {  	v3 =	vperm.xlane v3, v2;
	v4 =	vadd.s32 v1, v4;
	_ =	sdelay $0x1  }
0x50: {  	v3 =	vadd.s32 v1, v3;
	_ =	sdelay $0x1  }
0x51: {  	s0 =	simm.s32 $0x5D00  }
0x52: {  	[tilespmem:s0], [sflag:$0x1] =	stream.indirect_vreg.gather [hbm4b:s1+s31], $0x80, v4, vm0, $0xb8;
	[tilespmem:$0x12D00] =	vst v63  }
0x53: {  	s0 =	simm.s32 $0x6500  }
0x54: {  	[tilespmem:s0], [sflag:$0x1] =	stream.indirect_vreg.gather [hbm4b:s1+s31], $0x80, v3, vm0, $0xb8;
	[tilespmem:$0x12D00] =	vst v63  }
0x55: {  	v3 =	vld [tilespmem:$0x2840];
	_ =	sdelay $0x4  }
0x56: {  	v44 =	vshll.u32 v3, $0x1  }
0x57: {  	v3 =	vand.u32 $0x7, v3;
	v4 =	vand.u32 $0xFFFFFFF0, v44  }
0x58: {  	v3 =	vor.u32 v3, v4  }
0x59: {  	v4 =	vperm.xlane v3, v0;
	_ =	sdelay $0x1  }
0x5a: {  	v3 =	vperm.xlane v3, v2;
	v4 =	vadd.s32 v1, v4;
	_ =	sdelay $0x1  }
0x5b: {  	v3 =	vadd.s32 v1, v3;
	_ =	sdelay $0x2  }
0x5c: {  	[tilespmem:s25], [sflag:$0x2] =	stream.indirect_vreg.gather [hbm4b:s1+s31], $0x80, v4, vm0, $0xb8;
	[tilespmem:$0x12D00] =	vst v63  }
0x5d: {  	s0 =	simm.s32 $0x7500  }
0x5e: {  	[tilespmem:s0], [sflag:$0x2] =	stream.indirect_vreg.gather [hbm4b:s1+s31], $0x80, v3, vm0, $0xb8;
	[tilespmem:$0x12D00] =	vst v63  }
0x5f: {  	v3 =	vld [tilespmem:$0x2850];
	_ =	sdelay $0x4  }
0x60: {  	v45 =	vshll.u32 v3, $0x1  }
0x61: {  	v3 =	vand.u32 $0x7, v3;
	v4 =	vand.u32 $0xFFFFFFF0, v45  }
0x62: {  	v3 =	vor.u32 v3, v4  }
0x63: {  	v4 =	vperm.xlane v3, v0;
	_ =	sdelay $0x1  }
0x64: {  	v3 =	vperm.xlane v3, v2;
	v4 =	vadd.s32 v1, v4;
	_ =	sdelay $0x1  }
0x65: {  	v3 =	vadd.s32 v1, v3;
	_ =	sdelay $0x1  }
0x66: {  	s0 =	simm.s32 $0x7D00  }
0x67: {  	[tilespmem:s0], [sflag:$0x2] =	stream.indirect_vreg.gather [hbm4b:s1+s31], $0x80, v4, vm0, $0xb8;
	[tilespmem:$0x12D00] =	vst v63  }
0x68: {  	s0 =	simm.s32 $0x8500  }
0x69: {  	[tilespmem:s0], [sflag:$0x2] =	stream.indirect_vreg.gather [hbm4b:s1+s31], $0x80, v3, vm0, $0xb8;
	[tilespmem:$0x12D00] =	vst v63  }
0x6a: {  	v3 =	vld [tilespmem:$0x2860];
	_ =	sdelay $0x4  }
0x6b: {  	v46 =	vshll.u32 v3, $0x1  }
0x6c: {  	v3 =	vand.u32 $0x7, v3;
	v4 =	vand.u32 $0xFFFFFFF0, v46  }
0x6d: {  	v3 =	vor.u32 v3, v4  }
0x6e: {  	v4 =	vperm.xlane v3, v0;
	_ =	sdelay $0x1  }
0x6f: {  	v3 =	vperm.xlane v3, v2;
	v4 =	vadd.s32 v1, v4;
	_ =	sdelay $0x1  }
0x70: {  	v3 =	vadd.s32 v1, v3;
	_ =	sdelay $0x1  }
0x71: {  	s0 =	simm.s32 $0x8D00  }
0x72: {  	[tilespmem:s0], [sflag:$0x2] =	stream.indirect_vreg.gather [hbm4b:s1+s31], $0x80, v4, vm0, $0xb8;
	[tilespmem:$0x12D00] =	vst v63  }
0x73: {  	s0 =	simm.s32 $0x9500  }
0x74: {  	[tilespmem:s0], [sflag:$0x2] =	stream.indirect_vreg.gather [hbm4b:s1+s31], $0x80, v3, vm0, $0xb8;
	[tilespmem:$0x12D00] =	vst v63  }
0x75: {  	v3 =	vld [tilespmem:$0x2870];
	_ =	sdelay $0x4  }
0x76: {  	v47 =	vshll.u32 v3, $0x1  }
0x77: {  	v3 =	vand.u32 $0x7, v3;
	v4 =	vand.u32 $0xFFFFFFF0, v47  }
0x78: {  	v3 =	vor.u32 v3, v4  }
0x79: {  	v4 =	vperm.xlane v3, v0;
	_ =	sdelay $0x1  }
0x7a: {  	v3 =	vperm.xlane v3, v2;
	v4 =	vadd.s32 v1, v4;
	_ =	sdelay $0x1  }
0x7b: {  	v3 =	vadd.s32 v1, v3;
	_ =	sdelay $0x1  }
0x7c: {  	s0 =	simm.s32 $0x9D00  }
0x7d: {  	[tilespmem:s0], [sflag:$0x2] =	stream.indirect_vreg.gather [hbm4b:s1+s31], $0x80, v4, vm0, $0xb8;
	[tilespmem:$0x12D00] =	vst v63  }
0x7e: {  	s0 =	simm.s32 $0xA500  }
0x7f: {  	[tilespmem:s0], [sflag:$0x2] =	stream.indirect_vreg.gather [hbm4b:s1+s31], $0x80, v3, vm0, $0xb8;
	[tilespmem:$0x12D00] =	vst v63  }
0x80: {  	_ =	swait.ge [sflag:s5], $0x4000  }
0x81: {  	[sflag:s5] =	ssyncset.done $0x0  }
0x82: {  	s0 =	rddreg [dreg:$0x6];
	[sflag:s5] =	ssyncadd.s32 $0xFFFFC000  }
0x83: {  	[hbm4b:s0+s31] =	stream.linear.scatter [tilespmem:s17], [sflag:$0x5], $0x4000, $0x38;
	[tilespmem:$0x12D00] =	vst v63  }
0x84: {  	v3 =	vld [tilespmem:$0x2880];
	_ =	sdelay $0x4  }
0x85: {  	v48 =	vshll.u32 v3, $0x1  }
0x86: {  	v3 =	vand.u32 $0x7, v3;
	v4 =	vand.u32 $0xFFFFFFF0, v48  }
0x87: {  	v3 =	vor.u32 v3, v4  }
0x88: {  	v4 =	vperm.xlane v3, v0;
	_ =	sdelay $0x1  }
0x89: {  	v3 =	vperm.xlane v3, v2;
	v4 =	vadd.s32 v1, v4;
	_ =	sdelay $0x1  }
0x8a: {  	v3 =	vadd.s32 v1, v3;
	_ =	sdelay $0x2  }
0x8b: {  	[tilespmem:s7], [sflag:$0x3] =	stream.indirect_vreg.gather [hbm4b:s1+s31], $0x80, v4, vm0, $0xb8;
	[tilespmem:$0x12D00] =	vst v63  }
0x8c: {  	_ = 	snop  }
0x8d: {  	[tilespmem:s18], [sflag:$0x3] =	stream.indirect_vreg.gather [hbm4b:s1+s31], $0x80, v3, vm0, $0xb8;
	[tilespmem:$0x12D00] =	vst v63  }
0x8e: {  	v3 =	vld [tilespmem:$0x2890];
	_ =	sdelay $0x4  }
0x8f: {  	v49 =	vshll.u32 v3, $0x1  }
0x90: {  	v3 =	vand.u32 $0x7, v3;
	v4 =	vand.u32 $0xFFFFFFF0, v49  }
0x91: {  	v3 =	vor.u32 v3, v4  }
0x92: {  	v4 =	vperm.xlane v3, v0;
	_ =	sdelay $0x1  }
0x93: {  	v3 =	vperm.xlane v3, v2;
	v4 =	vadd.s32 v1, v4;
	_ =	sdelay $0x1  }
0x94: {  	v3 =	vadd.s32 v1, v3;
	_ =	sdelay $0x2  }
0x95: {  	[tilespmem:s19], [sflag:$0x3] =	stream.indirect_vreg.gather [hbm4b:s1+s31], $0x80, v4, vm0, $0xb8;
	[tilespmem:$0x12D00] =	vst v63  }
0x96: {  	_ = 	snop  }
0x97: {  	[tilespmem:s20], [sflag:$0x3] =	stream.indirect_vreg.gather [hbm4b:s1+s31], $0x80, v3, vm0, $0xb8;
	[tilespmem:$0x12D00] =	vst v63  }
0x98: {  	v3 =	vld [tilespmem:$0x28A0];
	_ =	sdelay $0x4  }
0x99: {  	v50 =	vshll.u32 v3, $0x1  }
0x9a: {  	v3 =	vand.u32 $0x7, v3;
	v4 =	vand.u32 $0xFFFFFFF0, v50  }
0x9b: {  	v3 =	vor.u32 v3, v4  }
0x9c: {  	v4 =	vperm.xlane v3, v0;
	_ =	sdelay $0x1  }
0x9d: {  	v3 =	vperm.xlane v3, v2;
	v4 =	vadd.s32 v1, v4;
	_ =	sdelay $0x1  }
0x9e: {  	v3 =	vadd.s32 v1, v3;
	_ =	sdelay $0x2  }
0x9f: {  	[tilespmem:s21], [sflag:$0x3] =	stream.indirect_vreg.gather [hbm4b:s1+s31], $0x80, v4, vm0, $0xb8;
	[tilespmem:$0x12D00] =	vst v63  }
0xa0: {  	_ = 	snop  }
0xa1: {  	[tilespmem:s22], [sflag:$0x3] =	stream.indirect_vreg.gather [hbm4b:s1+s31], $0x80, v3, vm0, $0xb8;
	[tilespmem:$0x12D00] =	vst v63  }
0xa2: {  	v3 =	vld [tilespmem:$0x28B0];
	_ =	sdelay $0x4  }
0xa3: {  	v51 =	vshll.u32 v3, $0x1  }
0xa4: {  	v3 =	vand.u32 $0x7, v3;
	v4 =	vand.u32 $0xFFFFFFF0, v51  }
0xa5: {  	v3 =	vor.u32 v3, v4  }
0xa6: {  	v4 =	vperm.xlane v3, v0;
	_ =	sdelay $0x1  }
0xa7: {  	v3 =	vperm.xlane v3, v2;
	v4 =	vadd.s32 v1, v4;
	_ =	sdelay $0x1  }
0xa8: {  	v3 =	vadd.s32 v1, v3;
	_ =	sdelay $0x1  }
0xa9: {  	s0 =	simm.s32 $0xDD00  }
0xaa: {  	[tilespmem:s0], [sflag:$0x3] =	stream.indirect_vreg.gather [hbm4b:s1+s31], $0x80, v4, vm0, $0xb8;
	[tilespmem:$0x12D00] =	vst v63  }
0xab: {  	s0 =	simm.s32 $0xE500  }
0xac: {  	[tilespmem:s0], [sflag:$0x3] =	stream.indirect_vreg.gather [hbm4b:s1+s31], $0x80, v3, vm0, $0xb8;
	[tilespmem:$0x12D00] =	vst v63  }
0xad: {  	_ =	swait.ge [sflag:s15], $0x4000  }
0xae: {  	[sflag:s15] =	ssyncset.done $0x0  }
0xaf: {  	s0 =	rddreg [dreg:$0x7];
	[sflag:s15] =	ssyncadd.s32 $0xFFFFC000  }
0xb0: {  	[hbm4b:s0+s31] =	stream.linear.scatter [tilespmem:s25], [sflag:$0x6], $0x4000, $0x38;
	[tilespmem:$0x12D00] =	vst v63  }
0xb1: {  	v3 =	vld [tilespmem:$0x28C0];
	_ =	sdelay $0x4  }
0xb2: {  	v52 =	vshll.u32 v3, $0x1  }
0xb3: {  	v3 =	vand.u32 $0x7, v3;
	v4 =	vand.u32 $0xFFFFFFF0, v52  }
0xb4: {  	v3 =	vor.u32 v3, v4  }
0xb5: {  	v4 =	vperm.xlane v3, v0;
	_ =	sdelay $0x1  }
0xb6: {  	v3 =	vperm.xlane v3, v2;
	v4 =	vadd.s32 v1, v4;
	_ =	sdelay $0x1  }
0xb7: {  	v3 =	vadd.s32 v1, v3;
	_ =	sdelay $0x2  }
0xb8: {  	[tilespmem:s6], [sflag:$0x4] =	stream.indirect_vreg.gather [hbm4b:s1+s31], $0x80, v4, vm0, $0xb8;
	[tilespmem:$0x12D00] =	vst v63  }
0xb9: {  	s0 =	simm.s32 $0xF500  }
0xba: {  	[tilespmem:s0], [sflag:$0x4] =	stream.indirect_vreg.gather [hbm4b:s1+s31], $0x80, v3, vm0, $0xb8;
	[tilespmem:$0x12D00] =	vst v63  }
0xbb: {  	v3 =	vld [tilespmem:$0x28D0];
	_ =	sdelay $0x4  }
0xbc: {  	v53 =	vshll.u32 v3, $0x1  }
0xbd: {  	v3 =	vand.u32 $0x7, v3;
	v4 =	vand.u32 $0xFFFFFFF0, v53  }
0xbe: {  	v3 =	vor.u32 v3, v4  }
0xbf: {  	v4 =	vperm.xlane v3, v0;
	_ =	sdelay $0x1  }
0xc0: {  	v3 =	vperm.xlane v3, v2;
	v4 =	vadd.s32 v1, v4;
	_ =	sdelay $0x1  }
0xc1: {  	v3 =	vadd.s32 v1, v3;
	_ =	sdelay $0x1  }
0xc2: {  	s0 =	simm.s32 $0xFD00  }
0xc3: {  	[tilespmem:s0], [sflag:$0x4] =	stream.indirect_vreg.gather [hbm4b:s1+s31], $0x80, v4, vm0, $0xb8;
	[tilespmem:$0x12D00] =	vst v63  }
0xc4: {  	s0 =	simm.s32 $0x10500  }
0xc5: {  	[tilespmem:s0], [sflag:$0x4] =	stream.indirect_vreg.gather [hbm4b:s1+s31], $0x80, v3, vm0, $0xb8;
	[tilespmem:$0x12D00] =	vst v63  }
0xc6: {  	v3 =	vld [tilespmem:$0x28E0];
	_ =	sdelay $0x4  }
0xc7: {  	v54 =	vshll.u32 v3, $0x1  }
0xc8: {  	v3 =	vand.u32 $0x7, v3;
	v4 =	vand.u32 $0xFFFFFFF0, v54  }
0xc9: {  	v3 =	vor.u32 v3, v4  }
0xca: {  	v4 =	vperm.xlane v3, v0;
	_ =	sdelay $0x1  }
0xcb: {  	v3 =	vperm.xlane v3, v2;
	v4 =	vadd.s32 v1, v4;
	_ =	sdelay $0x1  }
0xcc: {  	v3 =	vadd.s32 v1, v3;
	_ =	sdelay $0x1  }
0xcd: {  	s0 =	simm.s32 $0x10D00  }
0xce: {  	[tilespmem:s0], [sflag:$0x4] =	stream.indirect_vreg.gather [hbm4b:s1+s31], $0x80, v4, vm0, $0xb8;
	[tilespmem:$0x12D00] =	vst v63  }
0xcf: {  	s0 =	simm.s32 $0x11500  }
0xd0: {  	[tilespmem:s0], [sflag:$0x4] =	stream.indirect_vreg.gather [hbm4b:s1+s31], $0x80, v3, vm0, $0xb8;
	[tilespmem:$0x12D00] =	vst v63  }
0xd1: {  	v3 =	vld [tilespmem:$0x28F0];
	_ =	sdelay $0x4  }
0xd2: {  	v55 =	vshll.u32 v3, $0x1  }
0xd3: {  	v3 =	vand.u32 $0x7, v3;
	v4 =	vand.u32 $0xFFFFFFF0, v55  }
0xd4: {  	v3 =	vor.u32 v3, v4  }
0xd5: {  	v4 =	vperm.xlane v3, v0;
	_ =	sdelay $0x1  }
0xd6: {  	v3 =	vperm.xlane v3, v2;
	v4 =	vadd.s32 v1, v4;
	_ =	sdelay $0x1  }
0xd7: {  	v3 =	vadd.s32 v1, v3;
	_ =	sdelay $0x1  }
0xd8: {  	s0 =	simm.s32 $0x11D00  }
0xd9: {  	[tilespmem:s0], [sflag:$0x4] =	stream.indirect_vreg.gather [hbm4b:s1+s31], $0x80, v4, vm0, $0xb8;
	[tilespmem:$0x12D00] =	vst v63  }
0xda: {  	s0 =	simm.s32 $0x12500  }
0xdb: {  	[tilespmem:s0], [sflag:$0x4] =	stream.indirect_vreg.gather [hbm4b:s1+s31], $0x80, v3, vm0, $0xb8;
	[tilespmem:$0x12D00] =	vst v63  }
0xdc: {  	_ =	swait.ge [sflag:s23], $0x4000  }
0xdd: {  	[sflag:s23] =	ssyncset.done $0x0  }
0xde: {  	s0 =	rddreg [dreg:$0x8];
	[sflag:s23] =	ssyncadd.s32 $0xFFFFC000  }
0xdf: {  	[hbm4b:s0+s31] =	stream.linear.scatter [tilespmem:s7], [sflag:$0x7], $0x4000, $0x38;
	[tilespmem:$0x12D00] =	vst v63  }
0xe0: {  	_ =	swait.ge [sflag:s24], $0x4000  }
0xe1: {  	[sflag:s24] =	ssyncset.done $0x0  }
0xe2: {  	[sflag:s24] =	ssyncadd.s32 $0xFFFFC000  }
0xe3: {  	v3 =	vld [tilespmem:$0x2900];
	_ =	sdelay $0x4  }
0xe4: {  	v56 =	vshll.u32 v3, $0x1  }
0xe5: {  	v3 =	vand.u32 $0x7, v3;
	v4 =	vand.u32 $0xFFFFFFF0, v56  }
0xe6: {  	v3 =	vor.u32 v3, v4  }
0xe7: {  	v4 =	vperm.xlane v3, v0;
	_ =	sdelay $0x1  }
0xe8: {  	v3 =	vperm.xlane v3, v2;
	v4 =	vadd.s32 v1, v4;
	_ =	sdelay $0x1  }
0xe9: {  	v3 =	vadd.s32 v1, v3;
	_ =	sdelay $0x2  }
0xea: {  	[tilespmem:s17], [sflag:$0x1] =	stream.indirect_vreg.gather [hbm4b:s1+s31], $0x80, v4, vm0, $0xb8;
	[tilespmem:$0x12D00] =	vst v63  }
0xeb: {  	_ = 	snop  }
0xec: {  	[tilespmem:s10], [sflag:$0x1] =	stream.indirect_vreg.gather [hbm4b:s1+s31], $0x80, v3, vm0, $0xb8;
	[tilespmem:$0x12D00] =	vst v63  }
0xed: {  	v3 =	vld [tilespmem:$0x2910];
	_ =	sdelay $0x4  }
0xee: {  	v57 =	vshll.u32 v3, $0x1  }
0xef: {  	v3 =	vand.u32 $0x7, v3;
	v4 =	vand.u32 $0xFFFFFFF0, v57  }
0xf0: {  	v3 =	vor.u32 v3, v4  }
0xf1: {  	v4 =	vperm.xlane v3, v0;
	_ =	sdelay $0x1  }
0xf2: {  	v3 =	vperm.xlane v3, v2;
	v4 =	vadd.s32 v1, v4;
	_ =	sdelay $0x1  }
0xf3: {  	v3 =	vadd.s32 v1, v3;
	_ =	sdelay $0x2  }
0xf4: {  	[tilespmem:s2], [sflag:$0x1] =	stream.indirect_vreg.gather [hbm4b:s1+s31], $0x80, v4, vm0, $0xb8;
	[tilespmem:$0x12D00] =	vst v63  }
0xf5: {  	_ = 	snop  }
0xf6: {  	[tilespmem:s8], [sflag:$0x1] =	stream.indirect_vreg.gather [hbm4b:s1+s31], $0x80, v3, vm0, $0xb8;
	[tilespmem:$0x12D00] =	vst v63  }
0xf7: {  	v3 =	vld [tilespmem:$0x2920];
	_ =	sdelay $0x4  }
0xf8: {  	v58 =	vshll.u32 v3, $0x1  }
0xf9: {  	v3 =	vand.u32 $0x7, v3;
	v4 =	vand.u32 $0xFFFFFFF0, v58  }
0xfa: {  	v3 =	vor.u32 v3, v4  }
0xfb: {  	v4 =	vperm.xlane v3, v0;
	_ =	sdelay $0x1  }
0xfc: {  	v3 =	vperm.xlane v3, v2;
	v4 =	vadd.s32 v1, v4;
	_ =	sdelay $0x1  }
0xfd: {  	v3 =	vadd.s32 v1, v3;
	_ =	sdelay $0x2  }
0xfe: {  	[tilespmem:s11], [sflag:$0x1] =	stream.indirect_vreg.gather [hbm4b:s1+s31], $0x80, v4, vm0, $0xb8;
	[tilespmem:$0x12D00] =	vst v63  }
0xff: {  	_ = 	snop  }
0x100: {  	[tilespmem:s12], [sflag:$0x1] =	stream.indirect_vreg.gather [hbm4b:s1+s31], $0x80, v3, vm0, $0xb8;
	[tilespmem:$0x12D00] =	vst v63  }
0x101: {  	v3 =	vld [tilespmem:$0x2930];
	_ =	sdelay $0x4  }
0x102: {  	v59 =	vshll.u32 v3, $0x1  }
0x103: {  	v3 =	vand.u32 $0x7, v3;
	v4 =	vand.u32 $0xFFFFFFF0, v59  }
0x104: {  	v3 =	vor.u32 v3, v4  }
0x105: {  	v4 =	vperm.xlane v3, v0;
	_ =	sdelay $0x1  }
0x106: {  	v3 =	vperm.xlane v3, v2;
	v4 =	vadd.s32 v1, v4;
	_ =	sdelay $0x1  }
0x107: {  	v3 =	vadd.s32 v1, v3;
	_ =	sdelay $0x1  }
0x108: {  	s2 =	simm.s32 $0x5D00  }
0x109: {  	[tilespmem:s2], [sflag:$0x1] =	stream.indirect_vreg.gather [hbm4b:s1+s31], $0x80, v4, vm0, $0xb8;
	[tilespmem:$0x12D00] =	vst v63  }
0x10a: {  	s8 =	simm.s32 $0x6500  }
0x10b: {  	[tilespmem:s8], [sflag:$0x1] =	stream.indirect_vreg.gather [hbm4b:s1+s31], $0x80, v3, vm0, $0xb8;
	[tilespmem:$0x12D00] =	vst v63  }
0x10c: {  	_ =	swait.ge [sflag:s26], $0x4000  }
0x10d: {  	[sflag:s26] =	ssyncset.done $0x0  }
0x10e: {  	s10 =	rddreg [dreg:$0x9];
	[sflag:s26] =	ssyncadd.s32 $0xFFFFC000  }
0x10f: {  	[hbm4b:s10+s31] =	stream.linear.scatter [tilespmem:s6], [sflag:$0x8], $0x4000, $0x38;
	[tilespmem:$0x12D00] =	vst v63  }
0x110: {  	_ =	swait.ge [sflag:s28], $0x4000  }
0x111: {  	[sflag:s28] =	ssyncset.done $0x0  }
0x112: {  	[sflag:s28] =	ssyncadd.s32 $0xFFFFC000  }
0x113: {  	v3 =	vld [tilespmem:$0x2940];
	_ =	sdelay $0x4  }
0x114: {  	v60 =	vshll.u32 v3, $0x1  }
0x115: {  	v3 =	vand.u32 $0x7, v3;
	v4 =	vand.u32 $0xFFFFFFF0, v60  }
0x116: {  	v3 =	vor.u32 v3, v4  }
0x117: {  	v4 =	vperm.xlane v3, v0;
	_ =	sdelay $0x1  }
0x118: {  	v3 =	vperm.xlane v3, v2;
	v4 =	vadd.s32 v1, v4;
	_ =	sdelay $0x1  }
0x119: {  	v3 =	vadd.s32 v1, v3;
	_ =	sdelay $0x2  }
0x11a: {  	[tilespmem:s25], [sflag:$0x2] =	stream.indirect_vreg.gather [hbm4b:s1+s31], $0x80, v4, vm0, $0xb8;
	[tilespmem:$0x12D00] =	vst v63  }
0x11b: {  	s2 =	simm.s32 $0x7500  }
0x11c: {  	[tilespmem:s2], [sflag:$0x2] =	stream.indirect_vreg.gather [hbm4b:s1+s31], $0x80, v3, vm0, $0xb8;
	[tilespmem:$0x12D00] =	vst v63  }
0x11d: {  	v3 =	vld [tilespmem:$0x2950];
	_ =	sdelay $0x4  }
0x11e: {  	v61 =	vshll.u32 v3, $0x1  }
0x11f: {  	v3 =	vand.u32 $0x7, v3;
	v4 =	vand.u32 $0xFFFFFFF0, v61  }
0x120: {  	v3 =	vor.u32 v3, v4  }
0x121: {  	v4 =	vperm.xlane v3, v0;
	_ =	sdelay $0x1  }
0x122: {  	v3 =	vperm.xlane v3, v2;
	v4 =	vadd.s32 v1, v4;
	_ =	sdelay $0x1  }
0x123: {  	v3 =	vadd.s32 v1, v3;
	_ =	sdelay $0x1  }
0x124: {  	s8 =	simm.s32 $0x7D00  }
0x125: {  	[tilespmem:s8], [sflag:$0x2] =	stream.indirect_vreg.gather [hbm4b:s1+s31], $0x80, v4, vm0, $0xb8;
	[tilespmem:$0x12D00] =	vst v63  }
0x126: {  	s10 =	simm.s32 $0x8500  }
0x127: {  	[tilespmem:s10], [sflag:$0x2] =	stream.indirect_vreg.gather [hbm4b:s1+s31], $0x80, v3, vm0, $0xb8;
	[tilespmem:$0x12D00] =	vst v63  }
0x128: {  	v3 =	vld [tilespmem:$0x2960];
	_ =	sdelay $0x4  }
0x129: {  	v62 =	vshll.u32 v3, $0x1  }
0x12a: {  	v3 =	vand.u32 $0x7, v3;
	v4 =	vand.u32 $0xFFFFFFF0, v62  }
0x12b: {  	v3 =	vor.u32 v3, v4  }
0x12c: {  	v4 =	vperm.xlane v3, v0;
	_ =	sdelay $0x1  }
0x12d: {  	v3 =	vperm.xlane v3, v2;
	v4 =	vadd.s32 v1, v4;
	_ =	sdelay $0x1  }
0x12e: {  	v3 =	vadd.s32 v1, v3;
	_ =	sdelay $0x1  }
0x12f: {  	s2 =	simm.s32 $0x8D00  }
0x130: {  	[tilespmem:s2], [sflag:$0x2] =	stream.indirect_vreg.gather [hbm4b:s1+s31], $0x80, v4, vm0, $0xb8;
	[tilespmem:$0x12D00] =	vst v63  }
0x131: {  	s8 =	simm.s32 $0x9500  }
0x132: {  	[tilespmem:s8], [sflag:$0x2] =	stream.indirect_vreg.gather [hbm4b:s1+s31], $0x80, v3, vm0, $0xb8;
	[tilespmem:$0x12D00] =	vst v63  }
0x133: {  	v3 =	vld [tilespmem:$0x2970];
	_ =	sdelay $0x4  }
0x134: {  	v63 =	vshll.u32 v3, $0x1  }
0x135: {  	v3 =	vand.u32 $0x7, v3;
	v4 =	vand.u32 $0xFFFFFFF0, v63  }
0x136: {  	v3 =	vor.u32 v3, v4  }
0x137: {  	v4 =	vperm.xlane v3, v0;
	_ =	sdelay $0x1  }
0x138: {  	v3 =	vperm.xlane v3, v2;
	v4 =	vadd.s32 v1, v4;
	_ =	sdelay $0x1  }
0x139: {  	v3 =	vadd.s32 v1, v3;
	_ =	sdelay $0x1  }
0x13a: {  	s11 =	simm.s32 $0x5D00;
	s12 =	simm.s32 $0x6500;
	s10 =	simm.s32 $0x9D00  }
0x13b: {  	[tilespmem:s10], [sflag:$0x2] =	stream.indirect_vreg.gather [hbm4b:s1+s31], $0x80, v4, vm0, $0xb8;
	[tilespmem:$0x12D00] =	vst v63  }
0x13c: {  	s0 =	rddreg [dreg:$0xf];
	s2 =	simm.s32 $0x2A70;
	s8 =	simm.s32 $0xA500  }
0x13d: {  	[tilespmem:s8], [sflag:$0x2] =	stream.indirect_vreg.gather [hbm4b:s1+s31], $0x80, v3, vm0, $0xb8;
	[tilespmem:$0x12D00] =	vst v63  }
.LBB2_4:
0x13e: {  	_ =	swait.ge [sflag:s5], $0x4000  }
0x13f: {  	s8 =	sshrl.u32 s0, $0x3;
	[sflag:s5] =	ssyncset.done $0x0  }
0x140: {  	s8 =	sadd.s32 s9, s8;
	[sflag:s5] =	ssyncadd.s32 $0xFFFFC000  }
0x141: {  	[hbm4b:s8+s4] =	stream.linear.scatter [tilespmem:s17], [sflag:$0x5], $0x4000, $0x38;
	[tilespmem:$0x12D00] =	vst v63  }
0x142: {  	_ =	swait.ge [sflag:s29], $0x4000  }
0x143: {  	[sflag:s29] =	ssyncset.done $0x0  }
0x144: {  	[sflag:s29] =	ssyncadd.s32 $0xFFFFC000  }
0x145: {  	v3 =	vld [tilespmem:s2+$0xFFFFFF10];
	_ =	sdelay $0x4  }
0x146: {  	v4 =	vshll.u32 v3, $0x1  }
0x147: {  	v3 =	vand.u32 $0x7, v3;
	v4 =	vand.u32 $0xFFFFFFF0, v4  }
0x148: {  	v3 =	vor.u32 v3, v4  }
0x149: {  	v4 =	vperm.xlane v3, v0;
	_ =	sdelay $0x1  }
0x14a: {  	v3 =	vperm.xlane v3, v2;
	v4 =	vadd.s32 v1, v4;
	_ =	sdelay $0x1  }
0x14b: {  	v3 =	vadd.s32 v1, v3;
	_ =	sdelay $0x2  }
0x14c: {  	[tilespmem:s7], [sflag:$0x3] =	stream.indirect_vreg.gather [hbm4b:s1+s4], $0x80, v4, vm0, $0xb8;
	[tilespmem:$0x12D00] =	vst v63  }
0x14d: {  	_ = 	snop  }
0x14e: {  	[tilespmem:s18], [sflag:$0x3] =	stream.indirect_vreg.gather [hbm4b:s1+s4], $0x80, v3, vm0, $0xb8;
	[tilespmem:$0x12D00] =	vst v63  }
0x14f: {  	v3 =	vld [tilespmem:s2+$0xFFFFFF20];
	_ =	sdelay $0x4  }
0x150: {  	v49 =	vshll.u32 v3, $0x1  }
0x151: {  	v3 =	vand.u32 $0x7, v3;
	v4 =	vand.u32 $0xFFFFFFF0, v49  }
0x152: {  	v3 =	vor.u32 v3, v4  }
0x153: {  	v4 =	vperm.xlane v3, v0;
	_ =	sdelay $0x1  }
0x154: {  	v3 =	vperm.xlane v3, v2;
	v4 =	vadd.s32 v1, v4;
	_ =	sdelay $0x1  }
0x155: {  	v3 =	vadd.s32 v1, v3;
	_ =	sdelay $0x2  }
0x156: {  	[tilespmem:s19], [sflag:$0x3] =	stream.indirect_vreg.gather [hbm4b:s1+s4], $0x80, v4, vm0, $0xb8;
	[tilespmem:$0x12D00] =	vst v63  }
0x157: {  	_ = 	snop  }
0x158: {  	[tilespmem:s20], [sflag:$0x3] =	stream.indirect_vreg.gather [hbm4b:s1+s4], $0x80, v3, vm0, $0xb8;
	[tilespmem:$0x12D00] =	vst v63  }
0x159: {  	v3 =	vld [tilespmem:s2+$0xFFFFFF30];
	_ =	sdelay $0x4  }
0x15a: {  	v50 =	vshll.u32 v3, $0x1  }
0x15b: {  	v3 =	vand.u32 $0x7, v3;
	v4 =	vand.u32 $0xFFFFFFF0, v50  }
0x15c: {  	v3 =	vor.u32 v3, v4  }
0x15d: {  	v4 =	vperm.xlane v3, v0;
	_ =	sdelay $0x1  }
0x15e: {  	v3 =	vperm.xlane v3, v2;
	v4 =	vadd.s32 v1, v4;
	_ =	sdelay $0x1  }
0x15f: {  	v3 =	vadd.s32 v1, v3;
	_ =	sdelay $0x2  }
0x160: {  	[tilespmem:s21], [sflag:$0x3] =	stream.indirect_vreg.gather [hbm4b:s1+s4], $0x80, v4, vm0, $0xb8;
	[tilespmem:$0x12D00] =	vst v63  }
0x161: {  	_ = 	snop  }
0x162: {  	[tilespmem:s22], [sflag:$0x3] =	stream.indirect_vreg.gather [hbm4b:s1+s4], $0x80, v3, vm0, $0xb8;
	[tilespmem:$0x12D00] =	vst v63  }
0x163: {  	v3 =	vld [tilespmem:s2+$0xFFFFFF40];
	_ =	sdelay $0x4  }
0x164: {  	v51 =	vshll.u32 v3, $0x1  }
0x165: {  	v3 =	vand.u32 $0x7, v3;
	v4 =	vand.u32 $0xFFFFFFF0, v51  }
0x166: {  	v3 =	vor.u32 v3, v4  }
0x167: {  	v4 =	vperm.xlane v3, v0;
	_ =	sdelay $0x1  }
0x168: {  	v3 =	vperm.xlane v3, v2;
	v4 =	vadd.s32 v1, v4;
	_ =	sdelay $0x1  }
0x169: {  	v3 =	vadd.s32 v1, v3;
	_ =	sdelay $0x1  }
0x16a: {  	s10 =	simm.s32 $0xDD00  }
0x16b: {  	[tilespmem:s10], [sflag:$0x3] =	stream.indirect_vreg.gather [hbm4b:s1+s4], $0x80, v4, vm0, $0xb8;
	[tilespmem:$0x12D00] =	vst v63  }
0x16c: {  	s10 =	simm.s32 $0xE500  }
0x16d: {  	[tilespmem:s10], [sflag:$0x3] =	stream.indirect_vreg.gather [hbm4b:s1+s4], $0x80, v3, vm0, $0xb8;
	[tilespmem:$0x12D00] =	vst v63  }
0x16e: {  	_ =	swait.ge [sflag:s15], $0x4000  }
0x16f: {  	s10 =	rddreg [dreg:$0x4]  }
0x170: {  	[sflag:s15] =	ssyncset.done $0x0;
	s8 =	sadd.s32 s31, s10  }
0x171: {  	[sflag:s15] =	ssyncadd.s32 $0xFFFFC000;
	s10 =	smov.u32 s9;
	s9 =	sadd.s32 $0x2800, s8  }
0x172: {  	[hbm4b:s9+s4] =	stream.linear.scatter [tilespmem:s25], [sflag:$0x6], $0x4000, $0x38;
	[tilespmem:$0x12D00] =	vst v63  }
0x173: {  	_ =	swait.ge [sflag:s30], $0x4000  }
0x174: {  	[sflag:s30] =	ssyncset.done $0x0  }
0x175: {  	[sflag:s30] =	ssyncadd.s32 $0xFFFFC000  }
0x176: {  	v3 =	vld [tilespmem:s2+$0xFFFFFF50];
	_ =	sdelay $0x4  }
0x177: {  	v52 =	vshll.u32 v3, $0x1  }
0x178: {  	v3 =	vand.u32 $0x7, v3;
	v4 =	vand.u32 $0xFFFFFFF0, v52  }
0x179: {  	v3 =	vor.u32 v3, v4  }
0x17a: {  	v4 =	vperm.xlane v3, v0;
	_ =	sdelay $0x1  }
0x17b: {  	v3 =	vperm.xlane v3, v2;
	v4 =	vadd.s32 v1, v4;
	_ =	sdelay $0x1  }
0x17c: {  	v3 =	vadd.s32 v1, v3;
	_ =	sdelay $0x2  }
0x17d: {  	[tilespmem:s6], [sflag:$0x4] =	stream.indirect_vreg.gather [hbm4b:s1+s4], $0x80, v4, vm0, $0xb8;
	[tilespmem:$0x12D00] =	vst v63  }
0x17e: {  	s9 =	simm.s32 $0xF500  }
0x17f: {  	[tilespmem:s9], [sflag:$0x4] =	stream.indirect_vreg.gather [hbm4b:s1+s4], $0x80, v3, vm0, $0xb8;
	[tilespmem:$0x12D00] =	vst v63  }
0x180: {  	v3 =	vld [tilespmem:s2+$0xFFFFFF60];
	_ =	sdelay $0x4  }
0x181: {  	v53 =	vshll.u32 v3, $0x1  }
0x182: {  	v3 =	vand.u32 $0x7, v3;
	v4 =	vand.u32 $0xFFFFFFF0, v53  }
0x183: {  	v3 =	vor.u32 v3, v4  }
0x184: {  	v4 =	vperm.xlane v3, v0;
	_ =	sdelay $0x1  }
0x185: {  	v3 =	vperm.xlane v3, v2;
	v4 =	vadd.s32 v1, v4;
	_ =	sdelay $0x1  }
0x186: {  	v3 =	vadd.s32 v1, v3;
	_ =	sdelay $0x1  }
0x187: {  	s9 =	simm.s32 $0xFD00  }
0x188: {  	[tilespmem:s9], [sflag:$0x4] =	stream.indirect_vreg.gather [hbm4b:s1+s4], $0x80, v4, vm0, $0xb8;
	[tilespmem:$0x12D00] =	vst v63  }
0x189: {  	s9 =	simm.s32 $0x10500  }
0x18a: {  	[tilespmem:s9], [sflag:$0x4] =	stream.indirect_vreg.gather [hbm4b:s1+s4], $0x80, v3, vm0, $0xb8;
	[tilespmem:$0x12D00] =	vst v63  }
0x18b: {  	v3 =	vld [tilespmem:s2+$0xFFFFFF70];
	_ =	sdelay $0x4  }
0x18c: {  	v54 =	vshll.u32 v3, $0x1  }
0x18d: {  	v3 =	vand.u32 $0x7, v3;
	v4 =	vand.u32 $0xFFFFFFF0, v54  }
0x18e: {  	v3 =	vor.u32 v3, v4  }
0x18f: {  	v4 =	vperm.xlane v3, v0;
	_ =	sdelay $0x1  }
0x190: {  	v3 =	vperm.xlane v3, v2;
	v4 =	vadd.s32 v1, v4;
	_ =	sdelay $0x1  }
0x191: {  	v3 =	vadd.s32 v1, v3;
	_ =	sdelay $0x1  }
0x192: {  	s9 =	simm.s32 $0x10D00  }
0x193: {  	[tilespmem:s9], [sflag:$0x4] =	stream.indirect_vreg.gather [hbm4b:s1+s4], $0x80, v4, vm0, $0xb8;
	[tilespmem:$0x12D00] =	vst v63  }
0x194: {  	s9 =	simm.s32 $0x11500  }
0x195: {  	[tilespmem:s9], [sflag:$0x4] =	stream.indirect_vreg.gather [hbm4b:s1+s4], $0x80, v3, vm0, $0xb8;
	[tilespmem:$0x12D00] =	vst v63  }
0x196: {  	v3 =	vld [tilespmem:s2+$0xFFFFFF80];
	_ =	sdelay $0x4  }
0x197: {  	v55 =	vshll.u32 v3, $0x1  }
0x198: {  	v3 =	vand.u32 $0x7, v3;
	v4 =	vand.u32 $0xFFFFFFF0, v55  }
0x199: {  	v3 =	vor.u32 v3, v4  }
0x19a: {  	v4 =	vperm.xlane v3, v0;
	_ =	sdelay $0x1  }
0x19b: {  	v3 =	vperm.xlane v3, v2;
	v4 =	vadd.s32 v1, v4;
	_ =	sdelay $0x1  }
0x19c: {  	v3 =	vadd.s32 v1, v3;
	_ =	sdelay $0x1  }
0x19d: {  	s9 =	simm.s32 $0x11D00  }
0x19e: {  	[tilespmem:s9], [sflag:$0x4] =	stream.indirect_vreg.gather [hbm4b:s1+s4], $0x80, v4, vm0, $0xb8;
	[tilespmem:$0x12D00] =	vst v63  }
0x19f: {  	s9 =	simm.s32 $0x12500  }
0x1a0: {  	[tilespmem:s9], [sflag:$0x4] =	stream.indirect_vreg.gather [hbm4b:s1+s4], $0x80, v3, vm0, $0xb8;
	[tilespmem:$0x12D00] =	vst v63  }
0x1a1: {  	_ =	swait.ge [sflag:s23], $0x4000  }
0x1a2: {  	[sflag:s23] =	ssyncset.done $0x0  }
0x1a3: {  	s9 =	sadd.s32 $0x3000, s8;
	[sflag:s23] =	ssyncadd.s32 $0xFFFFC000  }
0x1a4: {  	[hbm4b:s9+s4] =	stream.linear.scatter [tilespmem:s7], [sflag:$0x7], $0x4000, $0x38;
	[tilespmem:$0x12D00] =	vst v63  }
0x1a5: {  	_ =	swait.ge [sflag:s24], $0x4000  }
0x1a6: {  	[sflag:s24] =	ssyncset.done $0x0  }
0x1a7: {  	[sflag:s24] =	ssyncadd.s32 $0xFFFFC000  }
0x1a8: {  	v3 =	vld [tilespmem:s2+$0xFFFFFF90];
	_ =	sdelay $0x4  }
0x1a9: {  	v56 =	vshll.u32 v3, $0x1  }
0x1aa: {  	v3 =	vand.u32 $0x7, v3;
	v4 =	vand.u32 $0xFFFFFFF0, v56  }
0x1ab: {  	v3 =	vor.u32 v3, v4  }
0x1ac: {  	v4 =	vperm.xlane v3, v0;
	_ =	sdelay $0x1  }
0x1ad: {  	v3 =	vperm.xlane v3, v2;
	v4 =	vadd.s32 v1, v4;
	_ =	sdelay $0x1  }
0x1ae: {  	v3 =	vadd.s32 v1, v3;
	_ =	sdelay $0x2  }
0x1af: {  	[tilespmem:s17], [sflag:$0x1] =	stream.indirect_vreg.gather [hbm4b:s1+s4], $0x80, v4, vm0, $0xb8;
	[tilespmem:$0x12D00] =	vst v63  }
0x1b0: {  	s9 =	smov.u32 s10;
	s10 =	simm.s32 $0x3500  }
0x1b1: {  	[tilespmem:s10], [sflag:$0x1] =	stream.indirect_vreg.gather [hbm4b:s1+s4], $0x80, v3, vm0, $0xb8;
	[tilespmem:$0x12D00] =	vst v63  }
0x1b2: {  	v3 =	vld [tilespmem:s2+$0xFFFFFFA0];
	_ =	sdelay $0x4  }
0x1b3: {  	v57 =	vshll.u32 v3, $0x1  }
0x1b4: {  	v3 =	vand.u32 $0x7, v3;
	v4 =	vand.u32 $0xFFFFFFF0, v57  }
0x1b5: {  	v3 =	vor.u32 v3, v4  }
0x1b6: {  	v4 =	vperm.xlane v3, v0;
	_ =	sdelay $0x1  }
0x1b7: {  	v3 =	vperm.xlane v3, v2;
	v4 =	vadd.s32 v1, v4;
	_ =	sdelay $0x1  }
0x1b8: {  	v3 =	vadd.s32 v1, v3;
	_ =	sdelay $0x2  }
0x1b9: {  	[tilespmem:s3], [sflag:$0x1] =	stream.indirect_vreg.gather [hbm4b:s1+s4], $0x80, v4, vm0, $0xb8;
	[tilespmem:$0x12D00] =	vst v63  }
0x1ba: {  	_ = 	snop  }
0x1bb: {  	[tilespmem:s13], [sflag:$0x1] =	stream.indirect_vreg.gather [hbm4b:s1+s4], $0x80, v3, vm0, $0xb8;
	[tilespmem:$0x12D00] =	vst v63  }
0x1bc: {  	v3 =	vld [tilespmem:s2+$0xFFFFFFB0];
	_ =	sdelay $0x4  }
0x1bd: {  	v58 =	vshll.u32 v3, $0x1  }
0x1be: {  	v3 =	vand.u32 $0x7, v3;
	v4 =	vand.u32 $0xFFFFFFF0, v58  }
0x1bf: {  	v3 =	vor.u32 v3, v4  }
0x1c0: {  	v4 =	vperm.xlane v3, v0;
	_ =	sdelay $0x1  }
0x1c1: {  	v3 =	vperm.xlane v3, v2;
	v4 =	vadd.s32 v1, v4;
	_ =	sdelay $0x1  }
0x1c2: {  	v3 =	vadd.s32 v1, v3;
	_ =	sdelay $0x2  }
0x1c3: {  	[tilespmem:s14], [sflag:$0x1] =	stream.indirect_vreg.gather [hbm4b:s1+s4], $0x80, v4, vm0, $0xb8;
	[tilespmem:$0x12D00] =	vst v63  }
0x1c4: {  	_ = 	snop  }
0x1c5: {  	[tilespmem:s16], [sflag:$0x1] =	stream.indirect_vreg.gather [hbm4b:s1+s4], $0x80, v3, vm0, $0xb8;
	[tilespmem:$0x12D00] =	vst v63  }
0x1c6: {  	v3 =	vld [tilespmem:s2+$0xFFFFFFC0];
	_ =	sdelay $0x4  }
0x1c7: {  	v59 =	vshll.u32 v3, $0x1  }
0x1c8: {  	v3 =	vand.u32 $0x7, v3;
	v4 =	vand.u32 $0xFFFFFFF0, v59  }
0x1c9: {  	v3 =	vor.u32 v3, v4  }
0x1ca: {  	v4 =	vperm.xlane v3, v0;
	_ =	sdelay $0x1  }
0x1cb: {  	v3 =	vperm.xlane v3, v2;
	v4 =	vadd.s32 v1, v4;
	_ =	sdelay $0x1  }
0x1cc: {  	v3 =	vadd.s32 v1, v3;
	_ =	sdelay $0x2  }
0x1cd: {  	[tilespmem:s11], [sflag:$0x1] =	stream.indirect_vreg.gather [hbm4b:s1+s4], $0x80, v4, vm0, $0xb8;
	[tilespmem:$0x12D00] =	vst v63  }
0x1ce: {  	_ = 	snop  }
0x1cf: {  	[tilespmem:s12], [sflag:$0x1] =	stream.indirect_vreg.gather [hbm4b:s1+s4], $0x80, v3, vm0, $0xb8;
	[tilespmem:$0x12D00] =	vst v63  }
0x1d0: {  	_ =	swait.ge [sflag:s26], $0x4000  }
0x1d1: {  	[sflag:s26] =	ssyncset.done $0x0  }
0x1d2: {  	s8 =	sadd.s32 $0x3800, s8;
	[sflag:s26] =	ssyncadd.s32 $0xFFFFC000  }
0x1d3: {  	[hbm4b:s8+s4] =	stream.linear.scatter [tilespmem:s6], [sflag:$0x8], $0x4000, $0x38;
	[tilespmem:$0x12D00] =	vst v63  }
0x1d4: {  	_ =	swait.ge [sflag:s28], $0x4000  }
0x1d5: {  	[sflag:s28] =	ssyncset.done $0x0  }
0x1d6: {  	[sflag:s28] =	ssyncadd.s32 $0xFFFFC000  }
0x1d7: {  	v3 =	vld [tilespmem:s2+$0xFFFFFFD0];
	_ =	sdelay $0x4  }
0x1d8: {  	v60 =	vshll.u32 v3, $0x1  }
0x1d9: {  	v3 =	vand.u32 $0x7, v3;
	v4 =	vand.u32 $0xFFFFFFF0, v60  }
0x1da: {  	v3 =	vor.u32 v3, v4  }
0x1db: {  	v4 =	vperm.xlane v3, v0;
	_ =	sdelay $0x1  }
0x1dc: {  	v3 =	vperm.xlane v3, v2;
	v4 =	vadd.s32 v1, v4;
	_ =	sdelay $0x1  }
0x1dd: {  	v3 =	vadd.s32 v1, v3;
	_ =	sdelay $0x2  }
0x1de: {  	[tilespmem:s25], [sflag:$0x2] =	stream.indirect_vreg.gather [hbm4b:s1+s4], $0x80, v4, vm0, $0xb8;
	[tilespmem:$0x12D00] =	vst v63  }
0x1df: {  	s8 =	simm.s32 $0x7500  }
0x1e0: {  	[tilespmem:s8], [sflag:$0x2] =	stream.indirect_vreg.gather [hbm4b:s1+s4], $0x80, v3, vm0, $0xb8;
	[tilespmem:$0x12D00] =	vst v63  }
0x1e1: {  	v3 =	vld [tilespmem:s2+$0xFFFFFFE0];
	_ =	sdelay $0x4  }
0x1e2: {  	v61 =	vshll.u32 v3, $0x1  }
0x1e3: {  	v3 =	vand.u32 $0x7, v3;
	v4 =	vand.u32 $0xFFFFFFF0, v61  }
0x1e4: {  	v3 =	vor.u32 v3, v4  }
0x1e5: {  	v4 =	vperm.xlane v3, v0;
	_ =	sdelay $0x1  }
0x1e6: {  	v3 =	vperm.xlane v3, v2;
	v4 =	vadd.s32 v1, v4;
	_ =	sdelay $0x1  }
0x1e7: {  	v3 =	vadd.s32 v1, v3;
	_ =	sdelay $0x1  }
0x1e8: {  	s8 =	simm.s32 $0x7D00  }
0x1e9: {  	[tilespmem:s8], [sflag:$0x2] =	stream.indirect_vreg.gather [hbm4b:s1+s4], $0x80, v4, vm0, $0xb8;
	[tilespmem:$0x12D00] =	vst v63  }
0x1ea: {  	s8 =	simm.s32 $0x8500  }
0x1eb: {  	[tilespmem:s8], [sflag:$0x2] =	stream.indirect_vreg.gather [hbm4b:s1+s4], $0x80, v3, vm0, $0xb8;
	[tilespmem:$0x12D00] =	vst v63  }
0x1ec: {  	v3 =	vld [tilespmem:s2+$0xFFFFFFF0];
	_ =	sdelay $0x4  }
0x1ed: {  	v62 =	vshll.u32 v3, $0x1  }
0x1ee: {  	v3 =	vand.u32 $0x7, v3;
	v4 =	vand.u32 $0xFFFFFFF0, v62  }
0x1ef: {  	v3 =	vor.u32 v3, v4  }
0x1f0: {  	v4 =	vperm.xlane v3, v0;
	_ =	sdelay $0x1  }
0x1f1: {  	v3 =	vperm.xlane v3, v2;
	v4 =	vadd.s32 v1, v4;
	_ =	sdelay $0x1  }
0x1f2: {  	v3 =	vadd.s32 v1, v3;
	_ =	sdelay $0x1  }
0x1f3: {  	s8 =	simm.s32 $0x8D00  }
0x1f4: {  	[tilespmem:s8], [sflag:$0x2] =	stream.indirect_vreg.gather [hbm4b:s1+s4], $0x80, v4, vm0, $0xb8;
	[tilespmem:$0x12D00] =	vst v63  }
0x1f5: {  	s8 =	simm.s32 $0x9500  }
0x1f6: {  	[tilespmem:s8], [sflag:$0x2] =	stream.indirect_vreg.gather [hbm4b:s1+s4], $0x80, v3, vm0, $0xb8;
	[tilespmem:$0x12D00] =	vst v63  }
0x1f7: {  	v3 =	vld [tilespmem:s2+$0x0];
	_ =	sdelay $0x4  }
0x1f8: {  	v63 =	vshll.u32 v3, $0x1  }
0x1f9: {  	v3 =	vand.u32 $0x7, v3;
	v4 =	vand.u32 $0xFFFFFFF0, v63  }
0x1fa: {  	v3 =	vor.u32 v3, v4  }
0x1fb: {  	v4 =	vperm.xlane v3, v0;
	_ =	sdelay $0x1  }
0x1fc: {  	v3 =	vperm.xlane v3, v2;
	v4 =	vadd.s32 v1, v4;
	_ =	sdelay $0x1  }
0x1fd: {  	p0 =	sne.s32 s31, $0x4000;
	v3 =	vadd.s32 v1, v3  }
.Ltmp1:
0x1fe: {  	_ = 	snop;
	(pc) =	sbr.rel @p0 .LBB2_4-.Ltmp1, $4  }
0x1ff: {  	s0 =	sadd.s32 $0x10000, s0;
	s8 =	simm.s32 $0x9D00  }
0x200: {  	[tilespmem:s8], [sflag:$0x2] =	stream.indirect_vreg.gather [hbm4b:s1+s4], $0x80, v4, vm0, $0xb8;
	[tilespmem:$0x12D00] =	vst v63  }
0x201: {  	s31 =	sadd.s32 $0x2000, s31;
	s2 =	sadd.s32 $0x100, s2;
	s8 =	simm.s32 $0xA500  }
0x202: {  	[tilespmem:s8], [sflag:$0x2] =	stream.indirect_vreg.gather [hbm4b:s1+s4], $0x80, v3, vm0, $0xb8;
	[tilespmem:$0x12D00] =	vst v63  }
0x203: {  	_ =	swait.ge [sflag:s5], $0x4000  }
0x204: {  	[sflag:s5] =	ssyncset.done $0x0  }
0x205: {  	s0 =	rddreg [dreg:$0xa];
	[sflag:s5] =	ssyncadd.s32 $0xFFFFC000  }
0x206: {  	[hbm4b:s0+s4] =	stream.linear.scatter [tilespmem:s17], [sflag:$0x5], $0x4000, $0x38;
	[tilespmem:$0x12D00] =	vst v63  }
0x207: {  	_ =	swait.ge [sflag:s29], $0x4000  }
0x208: {  	[sflag:s29] =	ssyncset.done $0x0  }
0x209: {  	[sflag:s29] =	ssyncadd.s32 $0xFFFFC000  }
0x20a: {  	v3 =	vld [tilespmem:$0x2C80];
	_ =	sdelay $0x4  }
0x20b: {  	v4 =	vshll.u32 v3, $0x1  }
0x20c: {  	v3 =	vand.u32 $0x7, v3;
	v4 =	vand.u32 $0xFFFFFFF0, v4  }
0x20d: {  	v3 =	vor.u32 v3, v4  }
0x20e: {  	v4 =	vperm.xlane v3, v0;
	_ =	sdelay $0x1  }
0x20f: {  	v3 =	vperm.xlane v3, v2;
	v4 =	vadd.s32 v1, v4;
	_ =	sdelay $0x1  }
0x210: {  	v3 =	vadd.s32 v1, v3;
	_ =	sdelay $0x2  }
0x211: {  	[tilespmem:s7], [sflag:$0x3] =	stream.indirect_vreg.gather [hbm4b:s1+s4], $0x80, v4, vm0, $0xb8;
	[tilespmem:$0x12D00] =	vst v63  }
0x212: {  	_ = 	snop  }
0x213: {  	[tilespmem:s18], [sflag:$0x3] =	stream.indirect_vreg.gather [hbm4b:s1+s4], $0x80, v3, vm0, $0xb8;
	[tilespmem:$0x12D00] =	vst v63  }
0x214: {  	v3 =	vld [tilespmem:$0x2C90];
	_ =	sdelay $0x4  }
0x215: {  	v57 =	vshll.u32 v3, $0x1  }
0x216: {  	v3 =	vand.u32 $0x7, v3;
	v4 =	vand.u32 $0xFFFFFFF0, v57  }
0x217: {  	v3 =	vor.u32 v3, v4  }
0x218: {  	v4 =	vperm.xlane v3, v0;
	_ =	sdelay $0x1  }
0x219: {  	v3 =	vperm.xlane v3, v2;
	v4 =	vadd.s32 v1, v4;
	_ =	sdelay $0x1  }
0x21a: {  	v3 =	vadd.s32 v1, v3;
	_ =	sdelay $0x2  }
0x21b: {  	[tilespmem:s19], [sflag:$0x3] =	stream.indirect_vreg.gather [hbm4b:s1+s4], $0x80, v4, vm0, $0xb8;
	[tilespmem:$0x12D00] =	vst v63  }
0x21c: {  	_ = 	snop  }
0x21d: {  	[tilespmem:s20], [sflag:$0x3] =	stream.indirect_vreg.gather [hbm4b:s1+s4], $0x80, v3, vm0, $0xb8;
	[tilespmem:$0x12D00] =	vst v63  }
0x21e: {  	v3 =	vld [tilespmem:$0x2CA0];
	_ =	sdelay $0x4  }
0x21f: {  	v58 =	vshll.u32 v3, $0x1  }
0x220: {  	v3 =	vand.u32 $0x7, v3;
	v4 =	vand.u32 $0xFFFFFFF0, v58  }
0x221: {  	v3 =	vor.u32 v3, v4  }
0x222: {  	v4 =	vperm.xlane v3, v0;
	_ =	sdelay $0x1  }
0x223: {  	v3 =	vperm.xlane v3, v2;
	v4 =	vadd.s32 v1, v4;
	_ =	sdelay $0x1  }
0x224: {  	v3 =	vadd.s32 v1, v3;
	_ =	sdelay $0x2  }
0x225: {  	[tilespmem:s21], [sflag:$0x3] =	stream.indirect_vreg.gather [hbm4b:s1+s4], $0x80, v4, vm0, $0xb8;
	[tilespmem:$0x12D00] =	vst v63  }
0x226: {  	_ = 	snop  }
0x227: {  	[tilespmem:s22], [sflag:$0x3] =	stream.indirect_vreg.gather [hbm4b:s1+s4], $0x80, v3, vm0, $0xb8;
	[tilespmem:$0x12D00] =	vst v63  }
0x228: {  	v3 =	vld [tilespmem:$0x2CB0];
	_ =	sdelay $0x4  }
0x229: {  	v59 =	vshll.u32 v3, $0x1  }
0x22a: {  	v3 =	vand.u32 $0x7, v3;
	v4 =	vand.u32 $0xFFFFFFF0, v59  }
0x22b: {  	v3 =	vor.u32 v3, v4  }
0x22c: {  	v4 =	vperm.xlane v3, v0;
	_ =	sdelay $0x1  }
0x22d: {  	v3 =	vperm.xlane v3, v2;
	v4 =	vadd.s32 v1, v4;
	_ =	sdelay $0x1  }
0x22e: {  	v3 =	vadd.s32 v1, v3;
	_ =	sdelay $0x1  }
0x22f: {  	s11 =	simm.s32 $0xDD00  }
0x230: {  	[tilespmem:s11], [sflag:$0x3] =	stream.indirect_vreg.gather [hbm4b:s1+s4], $0x80, v4, vm0, $0xb8;
	[tilespmem:$0x12D00] =	vst v63  }
0x231: {  	s12 =	simm.s32 $0xE500  }
0x232: {  	[tilespmem:s12], [sflag:$0x3] =	stream.indirect_vreg.gather [hbm4b:s1+s4], $0x80, v3, vm0, $0xb8;
	[tilespmem:$0x12D00] =	vst v63  }
0x233: {  	_ =	swait.ge [sflag:s15], $0x4000  }
0x234: {  	[sflag:s15] =	ssyncset.done $0x0  }
0x235: {  	s31 =	rddreg [dreg:$0xb];
	[sflag:s15] =	ssyncadd.s32 $0xFFFFC000  }
0x236: {  	[hbm4b:s31+s4] =	stream.linear.scatter [tilespmem:s25], [sflag:$0x6], $0x4000, $0x38;
	[tilespmem:$0x12D00] =	vst v63  }
0x237: {  	_ =	swait.ge [sflag:s30], $0x4000  }
0x238: {  	[sflag:s30] =	ssyncset.done $0x0  }
0x239: {  	[sflag:s30] =	ssyncadd.s32 $0xFFFFC000  }
0x23a: {  	v3 =	vld [tilespmem:$0x2CC0];
	_ =	sdelay $0x4  }
0x23b: {  	v60 =	vshll.u32 v3, $0x1  }
0x23c: {  	v3 =	vand.u32 $0x7, v3;
	v4 =	vand.u32 $0xFFFFFFF0, v60  }
0x23d: {  	v3 =	vor.u32 v3, v4  }
0x23e: {  	v4 =	vperm.xlane v3, v0;
	_ =	sdelay $0x1  }
0x23f: {  	v3 =	vperm.xlane v3, v2;
	v4 =	vadd.s32 v1, v4;
	_ =	sdelay $0x1  }
0x240: {  	v3 =	vadd.s32 v1, v3;
	_ =	sdelay $0x2  }
0x241: {  	[tilespmem:s6], [sflag:$0x4] =	stream.indirect_vreg.gather [hbm4b:s1+s4], $0x80, v4, vm0, $0xb8;
	[tilespmem:$0x12D00] =	vst v63  }
0x242: {  	s2 =	simm.s32 $0xF500  }
0x243: {  	[tilespmem:s2], [sflag:$0x4] =	stream.indirect_vreg.gather [hbm4b:s1+s4], $0x80, v3, vm0, $0xb8;
	[tilespmem:$0x12D00] =	vst v63  }
0x244: {  	v3 =	vld [tilespmem:$0x2CD0];
	_ =	sdelay $0x4  }
0x245: {  	v61 =	vshll.u32 v3, $0x1  }
0x246: {  	v3 =	vand.u32 $0x7, v3;
	v4 =	vand.u32 $0xFFFFFFF0, v61  }
0x247: {  	v3 =	vor.u32 v3, v4  }
0x248: {  	v4 =	vperm.xlane v3, v0;
	_ =	sdelay $0x1  }
0x249: {  	v3 =	vperm.xlane v3, v2;
	v4 =	vadd.s32 v1, v4;
	_ =	sdelay $0x1  }
0x24a: {  	v3 =	vadd.s32 v1, v3;
	_ =	sdelay $0x1  }
0x24b: {  	s8 =	simm.s32 $0xFD00  }
0x24c: {  	[tilespmem:s8], [sflag:$0x4] =	stream.indirect_vreg.gather [hbm4b:s1+s4], $0x80, v4, vm0, $0xb8;
	[tilespmem:$0x12D00] =	vst v63  }
0x24d: {  	s11 =	simm.s32 $0x10500  }
0x24e: {  	[tilespmem:s11], [sflag:$0x4] =	stream.indirect_vreg.gather [hbm4b:s1+s4], $0x80, v3, vm0, $0xb8;
	[tilespmem:$0x12D00] =	vst v63  }
0x24f: {  	v3 =	vld [tilespmem:$0x2CE0];
	_ =	sdelay $0x4  }
0x250: {  	v62 =	vshll.u32 v3, $0x1  }
0x251: {  	v3 =	vand.u32 $0x7, v3;
	v4 =	vand.u32 $0xFFFFFFF0, v62  }
0x252: {  	v3 =	vor.u32 v3, v4  }
0x253: {  	v4 =	vperm.xlane v3, v0;
	_ =	sdelay $0x1  }
0x254: {  	v3 =	vperm.xlane v3, v2;
	v4 =	vadd.s32 v1, v4;
	_ =	sdelay $0x1  }
0x255: {  	v3 =	vadd.s32 v1, v3;
	_ =	sdelay $0x1  }
0x256: {  	s12 =	simm.s32 $0x10D00  }
0x257: {  	[tilespmem:s12], [sflag:$0x4] =	stream.indirect_vreg.gather [hbm4b:s1+s4], $0x80, v4, vm0, $0xb8;
	[tilespmem:$0x12D00] =	vst v63  }
0x258: {  	s31 =	simm.s32 $0x11500  }
0x259: {  	[tilespmem:s31], [sflag:$0x4] =	stream.indirect_vreg.gather [hbm4b:s1+s4], $0x80, v3, vm0, $0xb8;
	[tilespmem:$0x12D00] =	vst v63  }
0x25a: {  	v3 =	vld [tilespmem:$0x2CF0];
	_ =	sdelay $0x4  }
0x25b: {  	v63 =	vshll.u32 v3, $0x1  }
0x25c: {  	v3 =	vand.u32 $0x7, v3;
	v4 =	vand.u32 $0xFFFFFFF0, v63  }
0x25d: {  	v3 =	vor.u32 v3, v4  }
0x25e: {  	v4 =	vperm.xlane v3, v0;
	_ =	sdelay $0x1  }
0x25f: {  	v3 =	vperm.xlane v3, v2;
	v4 =	vadd.s32 v1, v4;
	_ =	sdelay $0x1  }
0x260: {  	v3 =	vadd.s32 v1, v3;
	_ =	sdelay $0x1  }
0x261: {  	s2 =	simm.s32 $0x11D00  }
0x262: {  	[tilespmem:s2], [sflag:$0x4] =	stream.indirect_vreg.gather [hbm4b:s1+s4], $0x80, v4, vm0, $0xb8;
	[tilespmem:$0x12D00] =	vst v63  }
0x263: {  	s8 =	simm.s32 $0x12500  }
0x264: {  	[tilespmem:s8], [sflag:$0x4] =	stream.indirect_vreg.gather [hbm4b:s1+s4], $0x80, v3, vm0, $0xb8;
	[tilespmem:$0x12D00] =	vst v63  }
0x265: {  	_ =	swait.ge [sflag:s23], $0x4000  }
0x266: {  	[sflag:s23] =	ssyncset.done $0x0  }
0x267: {  	s11 =	rddreg [dreg:$0xc];
	[sflag:s23] =	ssyncadd.s32 $0xFFFFC000  }
0x268: {  	[hbm4b:s11+s4] =	stream.linear.scatter [tilespmem:s7], [sflag:$0x7], $0x4000, $0x38;
	[tilespmem:$0x12D00] =	vst v63  }
0x269: {  	_ =	swait.ge [sflag:s24], $0x4000  }
0x26a: {  	[sflag:s24] =	ssyncset.done $0x0  }
0x26b: {  	[sflag:s24] =	ssyncadd.s32 $0xFFFFC000  }
0x26c: {  	_ =	swait.ge [sflag:s26], $0x4000  }
0x26d: {  	[sflag:s26] =	ssyncset.done $0x0  }
0x26e: {  	s12 =	rddreg [dreg:$0xd];
	[sflag:s26] =	ssyncadd.s32 $0xFFFFC000  }
0x26f: {  	[hbm4b:s12+s4] =	stream.linear.scatter [tilespmem:s6], [sflag:$0x8], $0x4000, $0x38;
	[tilespmem:$0x12D00] =	vst v63  }
0x270: {  	_ =	swait.ge [sflag:s28], $0x4000  }
0x271: {  	[sflag:s28] =	ssyncset.done $0x0  }
0x272: {  	[sflag:s28] =	ssyncadd.s32 $0xFFFFC000  }
0x273: {  	_ =	swait.ge [sflag:s29], $0x4000  }
0x274: {  	[sflag:s29] =	ssyncset.done $0x0  }
0x275: {  	[sflag:s29] =	ssyncadd.s32 $0xFFFFC000  }
0x276: {  	_ =	swait.ge [sflag:s30], $0x4000  }
0x277: {  	s2 =	rddreg [dreg:$0x10]  }
0x278: {  	s31 =	rddreg [dreg:$0xe];
	s2 =	sadd.s32 $0x1, s2  }
0x279: {  	p0 =	sne.s32 s2, s31  }
.Ltmp2:
0x27a: {  	_ = 	snop;
	(pc) =	sbr.rel @p0 .LBB2_1-.Ltmp2, $3  }
0x27b: {  	_ =	sdelay $0x1  }
0x27c: {  	[sflag:s30] =	ssyncset.done $0x0  }
0x27d: {  	[sflag:s30] =	ssyncadd.s32 $0xFFFFC000  }
0x27e: {  	_ =	sfence.sel $0x180000  }
0x27f: {  	[bflag:$0x0] =	sbarrier.arrive $0xFFFF  }
0x280: {  	_ =	strace $0x90000047  }
0x281: {  	s0 =	stileid.u32;
	[bflag:$0x2] =	sbarrier.arrive $0xFFFF  }
0x282: {  	p0 =	sne.s32 s0, $0x0;
	s0 =	rddreg [dreg:$0x3]  }
0x283: {  	s0 =	sadd.s32 @!p0 $0x100000, s0  }
0x284: {  	[sflag:s0] =	ssyncadd.tile.s32 @!p0 $0x1;
	_ =	shalt  }
.Lfunc_end2:
_tile_overlayer_lowered:
.L_overlay_start_2:
0x285: {  	(tag) =	ssettag $0x2  }
0x286: {  	s0 =	rddreg [dreg:$0x0];
	s2 =	stileid.u32  }
0x287: {  	s1 =	rddreg [dreg:$0x1];
	p0 =	sne.s32 s2, $0x0  }
0x288: {  	s3 =	rddreg [dreg:$0x2];
	[bflag:$0x3] =	sbarrier.arrive $0xFFFF;
	s2 =	simm.s32 @!p0 $0x1C09  }
0x289: {  	[timem:s3], [sflag:s2] =	dma.local @!p0 [hbm:s0], s1  }
0x28a: {  	s0 =	simm.s32 @!p0 $0x9  }
0x28b: {  	_ =	swait.ge @!p0 [sflag:s0], s1  }
0x28c: {  	s1 =	ssub.s32 @!p0 $0x0, s1;
	[sflag:s0] =	ssyncset.done @!p0 $0x0  }
0x28d: {  	[sflag:s0] =	ssyncadd.s32 @!p0 s1  }
0x28e: {  	[bflag:$0x3] =	sbarrier.arrive $0xFFFF  }
0x28f: {  	_ =	shalt  }

// kernel: kernel.9.cloned.1.call-start
scs
__scs_entry_jumppad:
0x0: {  	(pc) =	sbr.rel $0x88, $3  }
0x1: {  	(tag) =	ssettag $0x0;
	lr =	simm.s32 $0x1  }
0x2: {  	[smem:$0x3F9F] =	sst lr;
	_ =	strace $0xD0000000  }
0x3: {  	_ = 	snop  }
0x4: {  	_ = 	snop  }
0x5: {  	_ = 	snop  }
0x6: {  	_ = 	snop  }
0x7: {  	_ = 	snop  }
__scs_overlays_trampoline_lowered:
0x8: {  	[smem:$0x3FAE] =	sst s0  }
0x9: {  	[smem:$0x3FAF] =	sst s1  }
0xa: {  	[smem:$0x3FB0] =	sst s2  }
0xb: {  	[smem:$0x3FB1] =	sst s3  }
0xc: {  	[smem:$0x3FB2] =	sst s4  }
0xd: {  	[smem:$0x3FB3] =	sst s5  }
0xe: {  	[smem:$0x3FB4] =	sst s6  }
0xf: {  	[smem:$0x3FB5] =	sst s7  }
0x10: {  	[smem:$0x3FB6] =	sst s8  }
0x11: {  	[smem:$0x3FB7] =	sst s9;
	s0 =	simm.s32 @!p0 $0x0  }
0x12: {  	s1 =	sld [smem:$0x3F9D];
	s0 =	simm.s32 @p0 $0x1  }
0x13: {  	[smem:$0x3FB8] =	sst s0;
	s0 =	simm.s32 @!p1 $0x0  }
0x14: {  	s2 =	sld [smem:$0x3F9C];
	s0 =	simm.s32 @p1 $0x1  }
0x15: {  	[smem:$0x3FB9] =	sst s0;
	s0 =	simm.s32 @!p2 $0x0  }
0x16: {  	s3 =	sld [smem:$0x3FDB];
	s0 =	simm.s32 @p2 $0x1  }
0x17: {  	s4 =	simm.s32 $0x1BF5;
	[smem:$0x3FBB] =	sst s0  }
0x18: {  	s0 =	sld [smem:$0x3F9E];
	_ =	swait.ge [sflag:s4], $0x0  }
0x19: {  	s7 =	sld [smem:$0x3F9F]  }
0x1a: {  	s8 =	sadd.s32 $0xFFFFE003, lr  }
0x1b: {  	s9 =	sadd.s32 $0xFFFFFEF7, lr;
	s5 =	simm.s32 $0xFFFFFFFF;
	p2 =	slt.u32 s8, $0xFFFFF086  }
0x1c: {  	p1 =	slt.u32 s9, $0xF7A;
	s5 =	simm.s32 @!p2 $0x0  }
0x1d: {  	s5 =	simm.s32 @p1 $0x1;
	p0 =	seq.s32 s7, s2  }
0x1e: {  	s7 =	smul.u32 @!p0 $0xF7A, s2;
	p2 =	seq.s32 @!p0 s5, $0x0  }
0x1f: {  	s9 =	smul.u32 $0xF7A, s1;
	s8 =	simm.s32 @!p0 $0x1BF5;
	p2 =	por !p2, p0  }
0x20: {  	[sflag:s8] =	ssyncset.s32 @!p0 $0xFFFFF086;
	s6 =	sadd.s32 @!p0 s3, s7;
	s7 =	simm.s32 @!p0 $0x108  }
0x21: {  	s3 =	sadd.s32 s3, s9;
	s6 =	sadd.s32 @!p0 $0x88, s6;
	s7 =	simm.s32 @p2 $0x1082  }
0x22: {  	[simem:s7], [sflag:s8] =	dma.local @!p0 [hbm:s6], $0xF7A  }
0x23: {  	s9 =	sor.u32 $0xD0000000, s2;
	s6 =	simm.s32 $0x108;
	_ =	swait.ge @!p0 [sflag:s8], $0x0  }
0x24: {  	s3 =	sadd.s32 $0x88, s3;
	s6 =	simm.s32 @!p1 $0x1082;
	[sflag:s4] =	ssyncset.s32 $0xFFFFF086  }
0x25: {  	[simem:s6], [sflag:s4] =	dma.local [hbm:s3], $0xF7A  }
0x26: {  	[smem:$0x3F9F] =	sst s1;
	(tag) =	ssettag s2;
	_ =	strace s9  }
0x27: {  	s1 =	sld [smem:$0x3FAF]  }
0x28: {  	s2 =	sld [smem:$0x3FB0]  }
0x29: {  	s4 =	sld [smem:$0x3FB2]  }
0x2a: {  	p0 =	seq.s32 s5, $0x0;
	s5 =	sld [smem:$0x3FB3]  }
0x2b: {  	s6 =	sld [smem:$0x3FB4]  }
0x2c: {  	s7 =	sld [smem:$0x3FB5]  }
0x2d: {  	s3 =	simm.s32 $0x108;
	s8 =	sld [smem:$0x3FB6]  }
0x2e: {  	s3 =	simm.s32 @!p0 $0x1082;
	s9 =	sld [smem:$0x3FB7]  }
0x2f: {  	lr =	sadd.s32 s0, s3;
	s0 =	sld [smem:$0x3FAE]  }
0x30: {  	s3 =	sld [smem:$0x3FB1]  }
0x31: {  	[smem:$0x3FBA] =	sst s10  }
0x32: {  	s10 =	sld [smem:$0x3FB8];
	_ =	sdelay $0x3  }
0x33: {  	p0 =	seq.s32 s10, $0x1;
	s10 =	sld [smem:$0x3FBA];
	_ =	sdelay $0x3  }
0x34: {  	[smem:$0x3FBA] =	sst s10  }
0x35: {  	s10 =	sld [smem:$0x3FB9];
	_ =	sdelay $0x3  }
0x36: {  	p1 =	seq.s32 s10, $0x1;
	s10 =	sld [smem:$0x3FBA];
	_ =	sdelay $0x3  }
0x37: {  	[smem:$0x3FBA] =	sst s10  }
0x38: {  	s10 =	sld [smem:$0x3FBB]  }
0x39: {  	_ = 	snop;
	(pc) =	sbr.ind lr, $3  }
0x3a: {  	_ = 	snop  }
0x3b: {  	_ = 	snop  }
0x3c: {  	p2 =	seq.s32 s10, $0x1;
	s10 =	sld [smem:$0x3FBA]  }
0x3d: {  	_ =	shalt  }
0x3e: {  	_ =	shalt  }
0x3f: {  	_ =	shalt  }
0x40: {  	_ =	shalt  }
0x41: {  	_ =	shalt  }
0x42: {  	_ =	shalt  }
0x43: {  	_ =	shalt  }
0x44: {  	_ =	shalt  }
0x45: {  	_ =	shalt  }
0x46: {  	_ =	shalt  }
0x47: {  	_ =	shalt  }
0x48: {  	_ =	shalt  }
0x49: {  	_ =	shalt  }
0x4a: {  	_ =	shalt  }
0x4b: {  	_ =	shalt  }
0x4c: {  	_ =	shalt  }
0x4d: {  	_ =	shalt  }
0x4e: {  	_ =	shalt  }
0x4f: {  	_ =	shalt  }
0x50: {  	_ =	shalt  }
0x51: {  	_ =	shalt  }
0x52: {  	_ =	shalt  }
0x53: {  	_ =	shalt  }
0x54: {  	_ =	shalt  }
0x55: {  	_ =	shalt  }
0x56: {  	_ =	shalt  }
0x57: {  	_ =	shalt  }
0x58: {  	_ =	shalt  }
0x59: {  	_ =	shalt  }
0x5a: {  	_ =	shalt  }
0x5b: {  	_ =	shalt  }
0x5c: {  	_ =	shalt  }
0x5d: {  	_ =	shalt  }
0x5e: {  	_ =	shalt  }
0x5f: {  	_ =	shalt  }
0x60: {  	_ =	shalt  }
0x61: {  	_ =	shalt  }
0x62: {  	_ =	shalt  }
0x63: {  	_ =	shalt  }
0x64: {  	_ =	shalt  }
0x65: {  	_ =	shalt  }
0x66: {  	_ =	shalt  }
0x67: {  	_ =	shalt  }
0x68: {  	_ =	shalt  }
0x69: {  	_ =	shalt  }
0x6a: {  	_ =	shalt  }
0x6b: {  	_ =	shalt  }
0x6c: {  	_ =	shalt  }
0x6d: {  	_ =	shalt  }
0x6e: {  	_ =	shalt  }
0x6f: {  	_ =	shalt  }
0x70: {  	_ =	shalt  }
0x71: {  	_ =	shalt  }
0x72: {  	_ =	shalt  }
0x73: {  	_ =	shalt  }
0x74: {  	_ =	shalt  }
0x75: {  	_ =	shalt  }
0x76: {  	_ =	shalt  }
0x77: {  	_ =	shalt  }
0x78: {  	_ =	shalt  }
0x79: {  	_ =	shalt  }
0x7a: {  	_ =	shalt  }
0x7b: {  	_ =	shalt  }
0x7c: {  	_ =	shalt  }
0x7d: {  	_ =	shalt  }
0x7e: {  	_ =	shalt  }
0x7f: {  	_ =	shalt  }
0x80: {  	_ =	shalt  }
0x81: {  	_ =	shalt  }
0x82: {  	_ =	shalt  }
0x83: {  	_ =	shalt  }
0x84: {  	_ =	shalt  }
0x85: {  	_ =	shalt  }
0x86: {  	_ =	shalt  }
0x87: {  	_ =	shalt  }
.Lfunc_end0:
.L_simem_size_0:
called_computation.1_lowered:
.L_overlay_start_0:
0x88: {  	s2 =	sld [smem:$0x3FD9]  }
0x89: {  	s3 =	sld [smem:$0x3FFE];
	_ =	sdelay $0x1  }
0x8a: {  	s1 =	srdreg.scid  }
0x8b: {  	s0 =	sand.u32 $0x1, s1  }
0x8c: {  	s14 =	sshll.u32 s0, $0xA;
	s2 =	sadd.s32 s3, s2  }
0x8d: {  	s2 =	sadd.s32 s2, s14  }
0x8e: {  	[smem:$0x3FC6] =	sst s2  }
0x8f: {  	_ = 	snop  }
0x90: {  	s2 =	sld [smem:$0x3FD0];
	_ =	sdelay $0x2  }
0x91: {  	s4 =	simm.s32 $0xA;
	s5 =	simm.s32 $0x10;
	s15 =	sld [smem:$0x3FC8]  }
0x92: {  	[smem:s5], [sflag:s4] =	dma.local [hbm:s2], $0x1  }
0x93: {  	_ =	swait.eq [sflag:s4], $0x1  }
0x94: {  	[sflag:s4] =	ssyncset.done $0x0  }
0x95: {  	[sflag:s4] =	ssyncadd.s32 $0xFFFFFFFF  }
0x96: {  	s16 =	sld [smem:$0x11];
	(tm) =	ssettm $0x1  }
0x97: {  	s17 =	sld [smem:$0x3FFB];
	_ =	sdelay $0x3  }
0x98: {  	_ =	strace s17  }
0x99: {  	s4 =	sld [smem:$0x3FFC];
	_ =	sdelay $0x3  }
0x9a: {  	_ =	strace s4  }
0x9b: {  	s4 =	sld [smem:$0x3FFD];
	_ =	sdelay $0x3  }
0x9c: {  	_ =	strace s4  }
0x9d: {  	_ =	strace $0x8FFFFFFF  }
0x9e: {  	s18 =	sld [smem:$0x3FDB];
	_ =	sdelay $0x1  }
0x9f: {  	s19 =	simm.s32 $_scs_section_size  }
0xa0: {  	s6 =	simm.s32 $_size__tile_overlayer_lowered;
	s7 =	simm.s32 $_tile_overlayer_lowered  }
0xa1: {  	s22 =	simm.s32 $0x1BFF;
	s21 =	sshll.u32 s7, $0x1;
	s4 =	sadd.s32 s19, s18  }
0xa2: {  	s8 =	simm.s32 $0x0;
	s20 =	sshll.u32 s6, $0x1;
	s6 =	sadd.s32 s21, s4  }
0xa3: {  	[timem:s8], [sflag:s22] =	dma.local [hbm:s6], s20  }
0xa4: {  	_ =	swait.ge [sflag:s22], s20  }
0xa5: {  	s5 =	ssub.s32 $0x0, s20;
	[sflag:s22] =	ssyncset.done $0x0  }
0xa6: {  	[sflag:s22] =	ssyncadd.s32 s5;
	_ =	sdelay $0x1  }
0xa7: {  	s23 =	simm.s32 $0x1B8B  }
0xa8: {  	_ =	swait.ge [sflag:s23], $0x1  }
0xa9: {  	[sflag:s23] =	ssyncset.done $0x0  }
0xaa: {  	s25 =	simm.s32 $0x1B8E;
	s24 =	sld [smem:$0x3FFE];
	[sflag:s23] =	ssyncadd.s32 $0xFFFFFFFF  }
0xab: {  	s26 =	simm.s32 $execute0_lowered;
	[smem:$0x3FD2] =	sst s25  }
0xac: {  	s6 =	sshll.u32 s26, $0x1;
	_ =	strace $0x80000049;
	[dreg:$0x1] =	wrdreg $0xFFFFFFFF  }
0xad: {  	s28 =	simm.s32 $_size_execute0_lowered;
	s4 =	sadd.s32 s4, s6;
	[dreg:$0x0] =	wrdreg $0x0  }
0xae: {  	s6 =	sshll.u32 s28, $0x1;
	[dreg:$0x2] =	wrdreg s4  }
0xaf: {  	[dreg:$0x3] =	wrdreg s6  }
0xb0: {  	[dreg:$0x4] =	wrdreg $0xC0  }
0xb1: {  	_ =	task [dreg:s8], $0x5FFFF  }
0xb2: {  	[dreg:$0x1] =	wrdreg $0xFFFFFFFF  }
0xb3: {  	[dreg:$0x0] =	wrdreg $0x60  }
0xb4: {  	[dreg:$0x2] =	wrdreg s15  }
0xb5: {  	[dreg:$0x3] =	wrdreg s24  }
0xb6: {  	[dreg:$0x4] =	wrdreg s16  }
0xb7: {  	[dreg:$0x5] =	wrdreg $0x9  }
0xb8: {  	_ =	task.clear_ibuf [dreg:s8], $0x6FFFF;
	_ =	strace $0x90000049  }
0xb9: {  	s29 =	simm.s32 $0x9;
	_ =	strace $0x8000004B  }
0xba: {  	_ =	swait.ge [sflag:s29], $0x1  }
0xbb: {  	[sflag:s29] =	ssyncadd.s32 $0xFFFFFFFF  }
0xbc: {  	_ =	strace $0x9000004B  }
0xbd: {  	_ =	sfence  }
0xbe: {  	s30 =	sld [smem:$0x0];
	_ =	sdelay $0x2  }
0xbf: {  	s31 =	sshll.u32 s1, $0xD;
	s1 =	sshrl.u32 s1, $0x2  }
0xc0: {  	s3 =	sand.u32 $0x4000, s31;
	s1 =	sadd.s32 s1, s30  }
0xc1: {  	s0 =	sor.u32 s3, s0;
	s1 =	sshll.u32 s1, $0x11  }
0xc2: {  	s0 =	sor.u32 s1, s0  }
0xc3: {  	s0 =	sadd.s32 $0x8F2B, s0  }
0xc4: {  	[sflag:s0] =	ssyncadd.remote.s32 $0x1  }
0xc5: {  	_ =	sfence.sel $0xFFFF  }
0xc6: {  	[dreg:$0x0] =	wrdreg $0xFFFFFFFF;
	(pc) =	sbr.abs _section_cstart, $3  }
0xc7: {  	[dreg:$0x1] =	wrdreg $0xFFFFFFFF  }
0xc8: {  	_ =	task.clear_ibuf [dreg:s8], $0x2FFFF;
	_ =	strace $0x9FFFFFFF  }
0xc9: {  	(tm) =	ssettm $0x7FFFFFFF  }
tec
execute0_lowered:
.L_overlay_start_1:
0x0: {  	(tag) =	ssettag $0x1  }
0x1: {  	s0 =	srdreg.scid;
	s3 =	stileid.u32  }
0x2: {  	s1 =	rddreg [dreg:$0x0];
	s0 =	sand.u32 $0x1, s0;
	s3 =	sshll.u32 s3, $0x1  }
0x3: {  	s2 =	rddreg [dreg:$0x1];
	s5 =	sor.u32 s0, s3  }
0x4: {  	s3 =	simm.s32 $0x0;
	s0 =	ssub.s32 $0x2, s0;
	s6 =	smul.u32 $0x30000, s5  }
0x5: {  	[smem:$0x7FF] =	sst s3;
	s5 =	smul.u32 $0x300, s5;
	s14 =	sshrl.u32 s0, $0x1  }
0x6: {  	s4 =	rddreg [dreg:$0x2];
	_ =	strace $0x8000004A;
	s0 =	ssub.s32 s0, s14  }
0x7: {  	s6 =	sshrl.u32 s6, $0x3;
	s2 =	sadd.s32 s5, s2;
	s0 =	smax.u32 s0, $0x1  }
0x8: {  	s4 =	sadd.s32 s4, s6;
	s2 =	sadd.s32 $0xB400, s2;
	[dreg:$0x11] =	wrdreg s0  }
0x9: {  	s29 =	simm.s32 $0x4;
	[dreg:$0x4] =	wrdreg s2;
	s15 =	sadd.s32 $0x140000, s4  }
0xa: {  	s30 =	simm.s32 $0x6;
	s16 =	sadd.s32 $0x140800, s4;
	[dreg:$0x5] =	wrdreg s15  }
0xb: {  	s31 =	simm.s32 $0x7;
	s17 =	sadd.s32 $0x141000, s4;
	[dreg:$0x6] =	wrdreg s16  }
0xc: {  	s28 =	simm.s32 $0x1B00;
	s18 =	sadd.s32 $0x141800, s4;
	[dreg:$0x7] =	wrdreg s17  }
0xd: {  	s9 =	simm.s32 $0x3300;
	s19 =	sadd.s32 $0x142000, s4;
	[dreg:$0x8] =	wrdreg s18  }
0xe: {  	s10 =	simm.s32 $0x3B00;
	s20 =	sadd.s32 $0x142800, s4;
	[dreg:$0x9] =	wrdreg s19  }
0xf: {  	s11 =	simm.s32 $0x4300;
	s21 =	sadd.s32 $0x143800, s4;
	[dreg:$0xa] =	wrdreg s20  }
0x10: {  	s12 =	simm.s32 $0x4B00;
	s22 =	sadd.s32 $0x143000, s4;
	[dreg:$0xb] =	wrdreg s21  }
0x11: {  	s13 =	simm.s32 $0x5300;
	s23 =	sadd.s32 $0x144000, s4;
	[dreg:$0xc] =	wrdreg s22  }
0x12: {  	s7 =	simm.s32 $0x5B00;
	s24 =	sadd.s32 $0x144800, s4;
	[dreg:$0xd] =	wrdreg s23  }
0x13: {  	s14 =	simm.s32 $0x6300;
	s25 =	sadd.s32 $0x145000, s4;
	[dreg:$0xe] =	wrdreg s24  }
0x14: {  	s0 =	simm.s32 $0x0;
	s26 =	sadd.s32 $0x145800, s4;
	[dreg:$0xf] =	wrdreg s25  }
0x15: {  	s6 =	simm.s32 $0xDB00;
	s2 =	simm.s32 $0x8;
	[dreg:$0x10] =	wrdreg s26  }
0x16: {  	s19 =	simm.s32 $0x1;
	s15 =	simm.s32 $0x2;
	s25 =	simm.s32 $0x3  }
0x17: {  	v2 =	vlaneseq.u32;
	s26 =	simm.s32 $0x5;
	s17 =	simm.s32 $0x6B00;
	s18 =	simm.s32 $0x7300  }
0x18: {  	vm0 =	vmmov $0xffff;
	v1 =	vshrl.u32 v2, $0x3;
	s20 =	simm.s32 $0x7B00;
	s21 =	simm.s32 $0x8300;
	s22 =	simm.s32 $0x8B00  }
0x19: {  	v0 =	vand.u32 $0x7, v2;
	v2 =	vor.u32 $0x8, v2;
	v1 =	vmul.u32 $0x8, v1;
	s23 =	simm.s32 $0x9300;
	s16 =	simm.s32 $0x9B00;
	s24 =	simm.s32 $0xA300  }
.LBB2_1:
0x1a: {  	s4 =	rddreg [dreg:$0x4];
	s8 =	simm.s32 $0x9  }
0x1b: {  	[tilespmem:s3], [sflag:$0x9] =	stream.linear.gather [hbm4b:s4+s3], $0x1800, $0x38;
	[tilespmem:$0x11B00] =	vst v63  }
0x1c: {  	_ =	swait.ge [sflag:s8], $0x1800  }
0x1d: {  	[sflag:s8] =	ssyncset.done $0x0  }
0x1e: {  	[sflag:s8] =	ssyncadd.s32 $0xFFFFE800  }
0x1f: {  	v3 =	vld [tilespmem:s3+$0x0];
	_ =	sdelay $0x2  }
0x20: {  	s5 =	simm.s32 $0x0;
	s4 =	simm.s32 $0x40;
	s8 =	simm.s32 $0x0  }
.LBB2_2:
0x21: {  	p0 =	sne.s32 s4, $0xBC0  }
0x22: {  	[tilespmem:s8+$0x1800] =	vst v3;
	s5 =	sadd.s32 $0x80, s5;
	s8 =	smov.u32 s4;
	s4 =	sadd.s32 $0x40, s4  }
.Ltmp0:
0x23: {  	v3 =	vld [tilespmem:s5+$0x0];
	(pc) =	sbr.rel @p0 .LBB2_2-.Ltmp0, $2  }
0x24: {  	_ =	sdelay $0x2  }
0x25: {  	s8 =	sshra.s32 s8, $0x2  }
0x26: {  	[tilespmem:s8+$0x1800] =	vst v3  }
0x27: {  	v3 =	vld [tilespmem:$0x1800];
	_ =	sdelay $0x4  }
0x28: {  	v4 =	vshll.u32 v3, $0x1  }
0x29: {  	v3 =	vand.u32 $0x7, v3;
	v4 =	vand.u32 $0xFFFFFFF0, v4  }
0x2a: {  	v3 =	vor.u32 v3, v4  }
0x2b: {  	v4 =	vperm.xlane v3, v0;
	_ =	sdelay $0x1  }
0x2c: {  	v3 =	vperm.xlane v3, v2;
	v4 =	vadd.s32 v1, v4;
	_ =	sdelay $0x1  }
0x2d: {  	v3 =	vadd.s32 v1, v3;
	_ =	sdelay $0x2  }
0x2e: {  	[tilespmem:s28], [sflag:$0x1] =	stream.indirect_vreg.gather [hbm4b:s1+s3], $0x80, v4, vm0, $0xb8;
	[tilespmem:$0x11B00] =	vst v63  }
0x2f: {  	s5 =	simm.s32 $0x2300  }
0x30: {  	[tilespmem:s5], [sflag:$0x1] =	stream.indirect_vreg.gather [hbm4b:s1+s3], $0x80, v3, vm0, $0xb8;
	[tilespmem:$0x11B00] =	vst v63  }
0x31: {  	v3 =	vld [tilespmem:$0x1810];
	_ =	sdelay $0x4  }
0x32: {  	v17 =	vshll.u32 v3, $0x1  }
0x33: {  	v3 =	vand.u32 $0x7, v3;
	v4 =	vand.u32 $0xFFFFFFF0, v17  }
0x34: {  	v3 =	vor.u32 v3, v4  }
0x35: {  	v4 =	vperm.xlane v3, v0;
	_ =	sdelay $0x1  }
0x36: {  	v3 =	vperm.xlane v3, v2;
	v4 =	vadd.s32 v1, v4;
	_ =	sdelay $0x1  }
0x37: {  	v3 =	vadd.s32 v1, v3;
	_ =	sdelay $0x1  }
0x38: {  	s8 =	simm.s32 $0x2B00  }
0x39: {  	[tilespmem:s8], [sflag:$0x1] =	stream.indirect_vreg.gather [hbm4b:s1+s3], $0x80, v4, vm0, $0xb8;
	[tilespmem:$0x11B00] =	vst v63  }
0x3a: {  	_ = 	snop  }
0x3b: {  	[tilespmem:s9], [sflag:$0x1] =	stream.indirect_vreg.gather [hbm4b:s1+s3], $0x80, v3, vm0, $0xb8;
	[tilespmem:$0x11B00] =	vst v63  }
0x3c: {  	v3 =	vld [tilespmem:$0x1820];
	_ =	sdelay $0x4  }
0x3d: {  	v18 =	vshll.u32 v3, $0x1  }
0x3e: {  	v3 =	vand.u32 $0x7, v3;
	v4 =	vand.u32 $0xFFFFFFF0, v18  }
0x3f: {  	v3 =	vor.u32 v3, v4  }
0x40: {  	v4 =	vperm.xlane v3, v0;
	_ =	sdelay $0x1  }
0x41: {  	v3 =	vperm.xlane v3, v2;
	v4 =	vadd.s32 v1, v4;
	_ =	sdelay $0x1  }
0x42: {  	v3 =	vadd.s32 v1, v3;
	_ =	sdelay $0x2  }
0x43: {  	[tilespmem:s10], [sflag:$0x1] =	stream.indirect_vreg.gather [hbm4b:s1+s3], $0x80, v4, vm0, $0xb8;
	[tilespmem:$0x11B00] =	vst v63  }
0x44: {  	_ = 	snop  }
0x45: {  	[tilespmem:s11], [sflag:$0x1] =	stream.indirect_vreg.gather [hbm4b:s1+s3], $0x80, v3, vm0, $0xb8;
	[tilespmem:$0x11B00] =	vst v63  }
0x46: {  	v3 =	vld [tilespmem:$0x1830];
	_ =	sdelay $0x4  }
0x47: {  	v19 =	vshll.u32 v3, $0x1  }
0x48: {  	v3 =	vand.u32 $0x7, v3;
	v4 =	vand.u32 $0xFFFFFFF0, v19  }
0x49: {  	v3 =	vor.u32 v3, v4  }
0x4a: {  	v4 =	vperm.xlane v3, v0;
	_ =	sdelay $0x1  }
0x4b: {  	v3 =	vperm.xlane v3, v2;
	v4 =	vadd.s32 v1, v4;
	_ =	sdelay $0x1  }
0x4c: {  	v3 =	vadd.s32 v1, v3;
	_ =	sdelay $0x2  }
0x4d: {  	[tilespmem:s12], [sflag:$0x1] =	stream.indirect_vreg.gather [hbm4b:s1+s3], $0x80, v4, vm0, $0xb8;
	[tilespmem:$0x11B00] =	vst v63  }
0x4e: {  	_ = 	snop  }
0x4f: {  	[tilespmem:s13], [sflag:$0x1] =	stream.indirect_vreg.gather [hbm4b:s1+s3], $0x80, v3, vm0, $0xb8;
	[tilespmem:$0x11B00] =	vst v63  }
0x50: {  	v3 =	vld [tilespmem:$0x1840];
	_ =	sdelay $0x4  }
0x51: {  	v20 =	vshll.u32 v3, $0x1  }
0x52: {  	v3 =	vand.u32 $0x7, v3;
	v4 =	vand.u32 $0xFFFFFFF0, v20  }
0x53: {  	v3 =	vor.u32 v3, v4  }
0x54: {  	v4 =	vperm.xlane v3, v0;
	_ =	sdelay $0x1  }
0x55: {  	v3 =	vperm.xlane v3, v2;
	v4 =	vadd.s32 v1, v4;
	_ =	sdelay $0x1  }
0x56: {  	v3 =	vadd.s32 v1, v3;
	_ =	sdelay $0x2  }
0x57: {  	[tilespmem:s7], [sflag:$0x2] =	stream.indirect_vreg.gather [hbm4b:s1+s3], $0x80, v4, vm0, $0xb8;
	[tilespmem:$0x11B00] =	vst v63  }
0x58: {  	_ = 	snop  }
0x59: {  	[tilespmem:s14], [sflag:$0x2] =	stream.indirect_vreg.gather [hbm4b:s1+s3], $0x80, v3, vm0, $0xb8;
	[tilespmem:$0x11B00] =	vst v63  }
0x5a: {  	v3 =	vld [tilespmem:$0x1850];
	_ =	sdelay $0x4  }
0x5b: {  	v21 =	vshll.u32 v3, $0x1  }
0x5c: {  	v3 =	vand.u32 $0x7, v3;
	v4 =	vand.u32 $0xFFFFFFF0, v21  }
0x5d: {  	v3 =	vor.u32 v3, v4  }
0x5e: {  	v4 =	vperm.xlane v3, v0;
	_ =	sdelay $0x1  }
0x5f: {  	v3 =	vperm.xlane v3, v2;
	v4 =	vadd.s32 v1, v4;
	_ =	sdelay $0x1  }
0x60: {  	v3 =	vadd.s32 v1, v3;
	_ =	sdelay $0x2  }
0x61: {  	[tilespmem:s17], [sflag:$0x2] =	stream.indirect_vreg.gather [hbm4b:s1+s3], $0x80, v4, vm0, $0xb8;
	[tilespmem:$0x11B00] =	vst v63  }
0x62: {  	_ = 	snop  }
0x63: {  	[tilespmem:s18], [sflag:$0x2] =	stream.indirect_vreg.gather [hbm4b:s1+s3], $0x80, v3, vm0, $0xb8;
	[tilespmem:$0x11B00] =	vst v63  }
0x64: {  	v3 =	vld [tilespmem:$0x1860];
	_ =	sdelay $0x4  }
0x65: {  	v22 =	vshll.u32 v3, $0x1  }
0x66: {  	v3 =	vand.u32 $0x7, v3;
	v4 =	vand.u32 $0xFFFFFFF0, v22  }
0x67: {  	v3 =	vor.u32 v3, v4  }
0x68: {  	v4 =	vperm.xlane v3, v0;
	_ =	sdelay $0x1  }
0x69: {  	v3 =	vperm.xlane v3, v2;
	v4 =	vadd.s32 v1, v4;
	_ =	sdelay $0x1  }
0x6a: {  	v3 =	vadd.s32 v1, v3;
	_ =	sdelay $0x2  }
0x6b: {  	[tilespmem:s20], [sflag:$0x2] =	stream.indirect_vreg.gather [hbm4b:s1+s3], $0x80, v4, vm0, $0xb8;
	[tilespmem:$0x11B00] =	vst v63  }
0x6c: {  	_ = 	snop  }
0x6d: {  	[tilespmem:s21], [sflag:$0x2] =	stream.indirect_vreg.gather [hbm4b:s1+s3], $0x80, v3, vm0, $0xb8;
	[tilespmem:$0x11B00] =	vst v63  }
0x6e: {  	v3 =	vld [tilespmem:$0x1870];
	_ =	sdelay $0x4  }
0x6f: {  	v23 =	vshll.u32 v3, $0x1  }
0x70: {  	v3 =	vand.u32 $0x7, v3;
	v4 =	vand.u32 $0xFFFFFFF0, v23  }
0x71: {  	v3 =	vor.u32 v3, v4  }
0x72: {  	v4 =	vperm.xlane v3, v0;
	_ =	sdelay $0x1  }
0x73: {  	v3 =	vperm.xlane v3, v2;
	v4 =	vadd.s32 v1, v4;
	_ =	sdelay $0x1  }
0x74: {  	v3 =	vadd.s32 v1, v3;
	_ =	sdelay $0x2  }
0x75: {  	[tilespmem:s22], [sflag:$0x2] =	stream.indirect_vreg.gather [hbm4b:s1+s3], $0x80, v4, vm0, $0xb8;
	[tilespmem:$0x11B00] =	vst v63  }
0x76: {  	_ = 	snop  }
0x77: {  	[tilespmem:s23], [sflag:$0x2] =	stream.indirect_vreg.gather [hbm4b:s1+s3], $0x80, v3, vm0, $0xb8;
	[tilespmem:$0x11B00] =	vst v63  }
0x78: {  	_ =	swait.ge [sflag:s19], $0x4000  }
0x79: {  	[sflag:s19] =	ssyncset.done $0x0  }
0x7a: {  	s4 =	rddreg [dreg:$0x5];
	[sflag:s19] =	ssyncadd.s32 $0xFFFFC000  }
0x7b: {  	[hbm4b:s4+s3] =	stream.linear.scatter [tilespmem:s28], [sflag:$0x5], $0x4000, $0x38;
	[tilespmem:$0x11B00] =	vst v63  }
0x7c: {  	v3 =	vld [tilespmem:$0x1880];
	_ =	sdelay $0x4  }
0x7d: {  	v24 =	vshll.u32 v3, $0x1  }
0x7e: {  	v3 =	vand.u32 $0x7, v3;
	v4 =	vand.u32 $0xFFFFFFF0, v24  }
0x7f: {  	v3 =	vor.u32 v3, v4  }
0x80: {  	v4 =	vperm.xlane v3, v0;
	_ =	sdelay $0x1  }
0x81: {  	v3 =	vperm.xlane v3, v2;
	v4 =	vadd.s32 v1, v4;
	_ =	sdelay $0x1  }
0x82: {  	v3 =	vadd.s32 v1, v3;
	_ =	sdelay $0x2  }
0x83: {  	[tilespmem:s16], [sflag:$0x3] =	stream.indirect_vreg.gather [hbm4b:s1+s3], $0x80, v4, vm0, $0xb8;
	[tilespmem:$0x11B00] =	vst v63  }
0x84: {  	_ = 	snop  }
0x85: {  	[tilespmem:s24], [sflag:$0x3] =	stream.indirect_vreg.gather [hbm4b:s1+s3], $0x80, v3, vm0, $0xb8;
	[tilespmem:$0x11B00] =	vst v63  }
0x86: {  	v3 =	vld [tilespmem:$0x1890];
	_ =	sdelay $0x4  }
0x87: {  	v25 =	vshll.u32 v3, $0x1  }
0x88: {  	v3 =	vand.u32 $0x7, v3;
	v4 =	vand.u32 $0xFFFFFFF0, v25  }
0x89: {  	v3 =	vor.u32 v3, v4  }
0x8a: {  	v4 =	vperm.xlane v3, v0;
	_ =	sdelay $0x1  }
0x8b: {  	v3 =	vperm.xlane v3, v2;
	v4 =	vadd.s32 v1, v4;
	_ =	sdelay $0x1  }
0x8c: {  	v3 =	vadd.s32 v1, v3;
	_ =	sdelay $0x1  }
0x8d: {  	s4 =	simm.s32 $0xAB00  }
0x8e: {  	[tilespmem:s4], [sflag:$0x3] =	stream.indirect_vreg.gather [hbm4b:s1+s3], $0x80, v4, vm0, $0xb8;
	[tilespmem:$0x11B00] =	vst v63  }
0x8f: {  	s4 =	simm.s32 $0xB300  }
0x90: {  	[tilespmem:s4], [sflag:$0x3] =	stream.indirect_vreg.gather [hbm4b:s1+s3], $0x80, v3, vm0, $0xb8;
	[tilespmem:$0x11B00] =	vst v63  }
0x91: {  	v3 =	vld [tilespmem:$0x18A0];
	_ =	sdelay $0x4  }
0x92: {  	v26 =	vshll.u32 v3, $0x1  }
0x93: {  	v3 =	vand.u32 $0x7, v3;
	v4 =	vand.u32 $0xFFFFFFF0, v26  }
0x94: {  	v3 =	vor.u32 v3, v4  }
0x95: {  	v4 =	vperm.xlane v3, v0;
	_ =	sdelay $0x1  }
0x96: {  	v3 =	vperm.xlane v3, v2;
	v4 =	vadd.s32 v1, v4;
	_ =	sdelay $0x1  }
0x97: {  	v3 =	vadd.s32 v1, v3;
	_ =	sdelay $0x1  }
0x98: {  	s4 =	simm.s32 $0xBB00  }
0x99: {  	[tilespmem:s4], [sflag:$0x3] =	stream.indirect_vreg.gather [hbm4b:s1+s3], $0x80, v4, vm0, $0xb8;
	[tilespmem:$0x11B00] =	vst v63  }
0x9a: {  	s4 =	simm.s32 $0xC300  }
0x9b: {  	[tilespmem:s4], [sflag:$0x3] =	stream.indirect_vreg.gather [hbm4b:s1+s3], $0x80, v3, vm0, $0xb8;
	[tilespmem:$0x11B00] =	vst v63  }
0x9c: {  	v3 =	vld [tilespmem:$0x18B0];
	_ =	sdelay $0x4  }
0x9d: {  	v27 =	vshll.u32 v3, $0x1  }
0x9e: {  	v3 =	vand.u32 $0x7, v3;
	v4 =	vand.u32 $0xFFFFFFF0, v27  }
0x9f: {  	v3 =	vor.u32 v3, v4  }
0xa0: {  	v4 =	vperm.xlane v3, v0;
	_ =	sdelay $0x1  }
0xa1: {  	v3 =	vperm.xlane v3, v2;
	v4 =	vadd.s32 v1, v4;
	_ =	sdelay $0x1  }
0xa2: {  	v3 =	vadd.s32 v1, v3;
	_ =	sdelay $0x1  }
0xa3: {  	s4 =	simm.s32 $0xCB00  }
0xa4: {  	[tilespmem:s4], [sflag:$0x3] =	stream.indirect_vreg.gather [hbm4b:s1+s3], $0x80, v4, vm0, $0xb8;
	[tilespmem:$0x11B00] =	vst v63  }
0xa5: {  	s4 =	simm.s32 $0xD300  }
0xa6: {  	[tilespmem:s4], [sflag:$0x3] =	stream.indirect_vreg.gather [hbm4b:s1+s3], $0x80, v3, vm0, $0xb8;
	[tilespmem:$0x11B00] =	vst v63  }
0xa7: {  	_ =	swait.ge [sflag:s15], $0x4000  }
0xa8: {  	[sflag:s15] =	ssyncset.done $0x0  }
0xa9: {  	s4 =	rddreg [dreg:$0x6];
	[sflag:s15] =	ssyncadd.s32 $0xFFFFC000  }
0xaa: {  	[hbm4b:s4+s3] =	stream.linear.scatter [tilespmem:s7], [sflag:$0x6], $0x4000, $0x38;
	[tilespmem:$0x11B00] =	vst v63  }
0xab: {  	v3 =	vld [tilespmem:$0x18C0];
	_ =	sdelay $0x4  }
0xac: {  	v28 =	vshll.u32 v3, $0x1  }
0xad: {  	v3 =	vand.u32 $0x7, v3;
	v4 =	vand.u32 $0xFFFFFFF0, v28  }
0xae: {  	v3 =	vor.u32 v3, v4  }
0xaf: {  	v4 =	vperm.xlane v3, v0;
	_ =	sdelay $0x1  }
0xb0: {  	v3 =	vperm.xlane v3, v2;
	v4 =	vadd.s32 v1, v4;
	_ =	sdelay $0x1  }
0xb1: {  	v3 =	vadd.s32 v1, v3;
	_ =	sdelay $0x2  }
0xb2: {  	[tilespmem:s6], [sflag:$0x4] =	stream.indirect_vreg.gather [hbm4b:s1+s3], $0x80, v4, vm0, $0xb8;
	[tilespmem:$0x11B00] =	vst v63  }
0xb3: {  	s4 =	simm.s32 $0xE300  }
0xb4: {  	[tilespmem:s4], [sflag:$0x4] =	stream.indirect_vreg.gather [hbm4b:s1+s3], $0x80, v3, vm0, $0xb8;
	[tilespmem:$0x11B00] =	vst v63  }
0xb5: {  	v3 =	vld [tilespmem:$0x18D0];
	_ =	sdelay $0x4  }
0xb6: {  	v29 =	vshll.u32 v3, $0x1  }
0xb7: {  	v3 =	vand.u32 $0x7, v3;
	v4 =	vand.u32 $0xFFFFFFF0, v29  }
0xb8: {  	v3 =	vor.u32 v3, v4  }
0xb9: {  	v4 =	vperm.xlane v3, v0;
	_ =	sdelay $0x1  }
0xba: {  	v3 =	vperm.xlane v3, v2;
	v4 =	vadd.s32 v1, v4;
	_ =	sdelay $0x1  }
0xbb: {  	v3 =	vadd.s32 v1, v3;
	_ =	sdelay $0x1  }
0xbc: {  	s4 =	simm.s32 $0xEB00  }
0xbd: {  	[tilespmem:s4], [sflag:$0x4] =	stream.indirect_vreg.gather [hbm4b:s1+s3], $0x80, v4, vm0, $0xb8;
	[tilespmem:$0x11B00] =	vst v63  }
0xbe: {  	s4 =	simm.s32 $0xF300  }
0xbf: {  	[tilespmem:s4], [sflag:$0x4] =	stream.indirect_vreg.gather [hbm4b:s1+s3], $0x80, v3, vm0, $0xb8;
	[tilespmem:$0x11B00] =	vst v63  }
0xc0: {  	v3 =	vld [tilespmem:$0x18E0];
	_ =	sdelay $0x4  }
0xc1: {  	v30 =	vshll.u32 v3, $0x1  }
0xc2: {  	v3 =	vand.u32 $0x7, v3;
	v4 =	vand.u32 $0xFFFFFFF0, v30  }
0xc3: {  	v3 =	vor.u32 v3, v4  }
0xc4: {  	v4 =	vperm.xlane v3, v0;
	_ =	sdelay $0x1  }
0xc5: {  	v3 =	vperm.xlane v3, v2;
	v4 =	vadd.s32 v1, v4;
	_ =	sdelay $0x1  }
0xc6: {  	v3 =	vadd.s32 v1, v3;
	_ =	sdelay $0x1  }
0xc7: {  	s4 =	simm.s32 $0xFB00  }
0xc8: {  	[tilespmem:s4], [sflag:$0x4] =	stream.indirect_vreg.gather [hbm4b:s1+s3], $0x80, v4, vm0, $0xb8;
	[tilespmem:$0x11B00] =	vst v63  }
0xc9: {  	s4 =	simm.s32 $0x10300  }
0xca: {  	[tilespmem:s4], [sflag:$0x4] =	stream.indirect_vreg.gather [hbm4b:s1+s3], $0x80, v3, vm0, $0xb8;
	[tilespmem:$0x11B00] =	vst v63  }
0xcb: {  	v3 =	vld [tilespmem:$0x18F0];
	_ =	sdelay $0x4  }
0xcc: {  	v31 =	vshll.u32 v3, $0x1  }
0xcd: {  	v3 =	vand.u32 $0x7, v3;
	v4 =	vand.u32 $0xFFFFFFF0, v31  }
0xce: {  	v3 =	vor.u32 v3, v4  }
0xcf: {  	v4 =	vperm.xlane v3, v0;
	_ =	sdelay $0x1  }
0xd0: {  	v3 =	vperm.xlane v3, v2;
	v4 =	vadd.s32 v1, v4;
	_ =	sdelay $0x1  }
0xd1: {  	v3 =	vadd.s32 v1, v3;
	_ =	sdelay $0x1  }
0xd2: {  	s4 =	simm.s32 $0x10B00  }
0xd3: {  	[tilespmem:s4], [sflag:$0x4] =	stream.indirect_vreg.gather [hbm4b:s1+s3], $0x80, v4, vm0, $0xb8;
	[tilespmem:$0x11B00] =	vst v63  }
0xd4: {  	s4 =	simm.s32 $0x11300  }
0xd5: {  	[tilespmem:s4], [sflag:$0x4] =	stream.indirect_vreg.gather [hbm4b:s1+s3], $0x80, v3, vm0, $0xb8;
	[tilespmem:$0x11B00] =	vst v63  }
0xd6: {  	_ =	swait.ge [sflag:s25], $0x4000  }
0xd7: {  	[sflag:s25] =	ssyncset.done $0x0  }
0xd8: {  	s4 =	rddreg [dreg:$0x7];
	[sflag:s25] =	ssyncadd.s32 $0xFFFFC000  }
0xd9: {  	[hbm4b:s4+s3] =	stream.linear.scatter [tilespmem:s16], [sflag:$0x7], $0x4000, $0x38;
	[tilespmem:$0x11B00] =	vst v63  }
0xda: {  	_ =	swait.ge [sflag:s26], $0x4000  }
0xdb: {  	[sflag:s26] =	ssyncset.done $0x0  }
0xdc: {  	[sflag:s26] =	ssyncadd.s32 $0xFFFFC000  }
0xdd: {  	v3 =	vld [tilespmem:$0x1900];
	_ =	sdelay $0x4  }
0xde: {  	v32 =	vshll.u32 v3, $0x1  }
0xdf: {  	v3 =	vand.u32 $0x7, v3;
	v4 =	vand.u32 $0xFFFFFFF0, v32  }
0xe0: {  	v3 =	vor.u32 v3, v4  }
0xe1: {  	v4 =	vperm.xlane v3, v0;
	_ =	sdelay $0x1  }
0xe2: {  	v3 =	vperm.xlane v3, v2;
	v4 =	vadd.s32 v1, v4;
	_ =	sdelay $0x1  }
0xe3: {  	v3 =	vadd.s32 v1, v3;
	_ =	sdelay $0x2  }
0xe4: {  	[tilespmem:s28], [sflag:$0x1] =	stream.indirect_vreg.gather [hbm4b:s1+s3], $0x80, v4, vm0, $0xb8;
	[tilespmem:$0x11B00] =	vst v63  }
0xe5: {  	_ = 	snop  }
0xe6: {  	[tilespmem:s5], [sflag:$0x1] =	stream.indirect_vreg.gather [hbm4b:s1+s3], $0x80, v3, vm0, $0xb8;
	[tilespmem:$0x11B00] =	vst v63  }
0xe7: {  	v3 =	vld [tilespmem:$0x1910];
	_ =	sdelay $0x4  }
0xe8: {  	v33 =	vshll.u32 v3, $0x1  }
0xe9: {  	v3 =	vand.u32 $0x7, v3;
	v4 =	vand.u32 $0xFFFFFFF0, v33  }
0xea: {  	v3 =	vor.u32 v3, v4  }
0xeb: {  	v4 =	vperm.xlane v3, v0;
	_ =	sdelay $0x1  }
0xec: {  	v3 =	vperm.xlane v3, v2;
	v4 =	vadd.s32 v1, v4;
	_ =	sdelay $0x1  }
0xed: {  	v3 =	vadd.s32 v1, v3;
	_ =	sdelay $0x2  }
0xee: {  	[tilespmem:s8], [sflag:$0x1] =	stream.indirect_vreg.gather [hbm4b:s1+s3], $0x80, v4, vm0, $0xb8;
	[tilespmem:$0x11B00] =	vst v63  }
0xef: {  	_ = 	snop  }
0xf0: {  	[tilespmem:s9], [sflag:$0x1] =	stream.indirect_vreg.gather [hbm4b:s1+s3], $0x80, v3, vm0, $0xb8;
	[tilespmem:$0x11B00] =	vst v63  }
0xf1: {  	v3 =	vld [tilespmem:$0x1920];
	_ =	sdelay $0x4  }
0xf2: {  	v34 =	vshll.u32 v3, $0x1  }
0xf3: {  	v3 =	vand.u32 $0x7, v3;
	v4 =	vand.u32 $0xFFFFFFF0, v34  }
0xf4: {  	v3 =	vor.u32 v3, v4  }
0xf5: {  	v4 =	vperm.xlane v3, v0;
	_ =	sdelay $0x1  }
0xf6: {  	v3 =	vperm.xlane v3, v2;
	v4 =	vadd.s32 v1, v4;
	_ =	sdelay $0x1  }
0xf7: {  	v3 =	vadd.s32 v1, v3;
	_ =	sdelay $0x2  }
0xf8: {  	[tilespmem:s10], [sflag:$0x1] =	stream.indirect_vreg.gather [hbm4b:s1+s3], $0x80, v4, vm0, $0xb8;
	[tilespmem:$0x11B00] =	vst v63  }
0xf9: {  	_ = 	snop  }
0xfa: {  	[tilespmem:s11], [sflag:$0x1] =	stream.indirect_vreg.gather [hbm4b:s1+s3], $0x80, v3, vm0, $0xb8;
	[tilespmem:$0x11B00] =	vst v63  }
0xfb: {  	v3 =	vld [tilespmem:$0x1930];
	_ =	sdelay $0x4  }
0xfc: {  	v35 =	vshll.u32 v3, $0x1  }
0xfd: {  	v3 =	vand.u32 $0x7, v3;
	v4 =	vand.u32 $0xFFFFFFF0, v35  }
0xfe: {  	v3 =	vor.u32 v3, v4  }
0xff: {  	v4 =	vperm.xlane v3, v0;
	_ =	sdelay $0x1  }
0x100: {  	v3 =	vperm.xlane v3, v2;
	v4 =	vadd.s32 v1, v4;
	_ =	sdelay $0x1  }
0x101: {  	v3 =	vadd.s32 v1, v3;
	_ =	sdelay $0x2  }
0x102: {  	[tilespmem:s12], [sflag:$0x1] =	stream.indirect_vreg.gather [hbm4b:s1+s3], $0x80, v4, vm0, $0xb8;
	[tilespmem:$0x11B00] =	vst v63  }
0x103: {  	_ = 	snop  }
0x104: {  	[tilespmem:s13], [sflag:$0x1] =	stream.indirect_vreg.gather [hbm4b:s1+s3], $0x80, v3, vm0, $0xb8;
	[tilespmem:$0x11B00] =	vst v63  }
0x105: {  	_ =	swait.ge [sflag:s29], $0x4000  }
0x106: {  	[sflag:s29] =	ssyncset.done $0x0  }
0x107: {  	s4 =	rddreg [dreg:$0x8];
	[sflag:s29] =	ssyncadd.s32 $0xFFFFC000  }
0x108: {  	[hbm4b:s4+s3] =	stream.linear.scatter [tilespmem:s6], [sflag:$0x8], $0x4000, $0x38;
	[tilespmem:$0x11B00] =	vst v63  }
0x109: {  	_ =	swait.ge [sflag:s30], $0x4000  }
0x10a: {  	[sflag:s30] =	ssyncset.done $0x0  }
0x10b: {  	[sflag:s30] =	ssyncadd.s32 $0xFFFFC000  }
0x10c: {  	v3 =	vld [tilespmem:$0x1940];
	_ =	sdelay $0x4  }
0x10d: {  	v36 =	vshll.u32 v3, $0x1  }
0x10e: {  	v3 =	vand.u32 $0x7, v3;
	v4 =	vand.u32 $0xFFFFFFF0, v36  }
0x10f: {  	v3 =	vor.u32 v3, v4  }
0x110: {  	v4 =	vperm.xlane v3, v0;
	_ =	sdelay $0x1  }
0x111: {  	v3 =	vperm.xlane v3, v2;
	v4 =	vadd.s32 v1, v4;
	_ =	sdelay $0x1  }
0x112: {  	v3 =	vadd.s32 v1, v3;
	_ =	sdelay $0x2  }
0x113: {  	[tilespmem:s7], [sflag:$0x2] =	stream.indirect_vreg.gather [hbm4b:s1+s3], $0x80, v4, vm0, $0xb8;
	[tilespmem:$0x11B00] =	vst v63  }
0x114: {  	_ = 	snop  }
0x115: {  	[tilespmem:s14], [sflag:$0x2] =	stream.indirect_vreg.gather [hbm4b:s1+s3], $0x80, v3, vm0, $0xb8;
	[tilespmem:$0x11B00] =	vst v63  }
0x116: {  	v3 =	vld [tilespmem:$0x1950];
	_ =	sdelay $0x4  }
0x117: {  	v37 =	vshll.u32 v3, $0x1  }
0x118: {  	v3 =	vand.u32 $0x7, v3;
	v4 =	vand.u32 $0xFFFFFFF0, v37  }
0x119: {  	v3 =	vor.u32 v3, v4  }
0x11a: {  	v4 =	vperm.xlane v3, v0;
	_ =	sdelay $0x1  }
0x11b: {  	v3 =	vperm.xlane v3, v2;
	v4 =	vadd.s32 v1, v4;
	_ =	sdelay $0x1  }
0x11c: {  	v3 =	vadd.s32 v1, v3;
	_ =	sdelay $0x2  }
0x11d: {  	[tilespmem:s17], [sflag:$0x2] =	stream.indirect_vreg.gather [hbm4b:s1+s3], $0x80, v4, vm0, $0xb8;
	[tilespmem:$0x11B00] =	vst v63  }
0x11e: {  	_ = 	snop  }
0x11f: {  	[tilespmem:s18], [sflag:$0x2] =	stream.indirect_vreg.gather [hbm4b:s1+s3], $0x80, v3, vm0, $0xb8;
	[tilespmem:$0x11B00] =	vst v63  }
0x120: {  	v3 =	vld [tilespmem:$0x1960];
	_ =	sdelay $0x4  }
0x121: {  	v38 =	vshll.u32 v3, $0x1  }
0x122: {  	v3 =	vand.u32 $0x7, v3;
	v4 =	vand.u32 $0xFFFFFFF0, v38  }
0x123: {  	v3 =	vor.u32 v3, v4  }
0x124: {  	v4 =	vperm.xlane v3, v0;
	_ =	sdelay $0x1  }
0x125: {  	v3 =	vperm.xlane v3, v2;
	v4 =	vadd.s32 v1, v4;
	_ =	sdelay $0x1  }
0x126: {  	v3 =	vadd.s32 v1, v3;
	_ =	sdelay $0x2  }
0x127: {  	[tilespmem:s20], [sflag:$0x2] =	stream.indirect_vreg.gather [hbm4b:s1+s3], $0x80, v4, vm0, $0xb8;
	[tilespmem:$0x11B00] =	vst v63  }
0x128: {  	_ = 	snop  }
0x129: {  	[tilespmem:s21], [sflag:$0x2] =	stream.indirect_vreg.gather [hbm4b:s1+s3], $0x80, v3, vm0, $0xb8;
	[tilespmem:$0x11B00] =	vst v63  }
0x12a: {  	v3 =	vld [tilespmem:$0x1970];
	_ =	sdelay $0x4  }
0x12b: {  	v39 =	vshll.u32 v3, $0x1  }
0x12c: {  	v3 =	vand.u32 $0x7, v3;
	v4 =	vand.u32 $0xFFFFFFF0, v39  }
0x12d: {  	v3 =	vor.u32 v3, v4  }
0x12e: {  	v4 =	vperm.xlane v3, v0;
	_ =	sdelay $0x1  }
0x12f: {  	v3 =	vperm.xlane v3, v2;
	v4 =	vadd.s32 v1, v4;
	_ =	sdelay $0x1  }
0x130: {  	v3 =	vadd.s32 v1, v3;
	_ =	sdelay $0x2  }
0x131: {  	[tilespmem:s22], [sflag:$0x2] =	stream.indirect_vreg.gather [hbm4b:s1+s3], $0x80, v4, vm0, $0xb8;
	[tilespmem:$0x11B00] =	vst v63  }
0x132: {  	_ = 	snop  }
0x133: {  	[tilespmem:s23], [sflag:$0x2] =	stream.indirect_vreg.gather [hbm4b:s1+s3], $0x80, v3, vm0, $0xb8;
	[tilespmem:$0x11B00] =	vst v63  }
0x134: {  	_ =	swait.ge [sflag:s19], $0x4000  }
0x135: {  	[sflag:s19] =	ssyncset.done $0x0  }
0x136: {  	s4 =	rddreg [dreg:$0x9];
	[sflag:s19] =	ssyncadd.s32 $0xFFFFC000  }
0x137: {  	[hbm4b:s4+s3] =	stream.linear.scatter [tilespmem:s28], [sflag:$0x5], $0x4000, $0x38;
	[tilespmem:$0x11B00] =	vst v63  }
0x138: {  	_ =	swait.ge [sflag:s31], $0x4000  }
0x139: {  	[sflag:s31] =	ssyncset.done $0x0  }
0x13a: {  	[sflag:s31] =	ssyncadd.s32 $0xFFFFC000  }
0x13b: {  	v3 =	vld [tilespmem:$0x1980];
	_ =	sdelay $0x4  }
0x13c: {  	v40 =	vshll.u32 v3, $0x1  }
0x13d: {  	v3 =	vand.u32 $0x7, v3;
	v4 =	vand.u32 $0xFFFFFFF0, v40  }
0x13e: {  	v3 =	vor.u32 v3, v4  }
0x13f: {  	v4 =	vperm.xlane v3, v0;
	_ =	sdelay $0x1  }
0x140: {  	v3 =	vperm.xlane v3, v2;
	v4 =	vadd.s32 v1, v4;
	_ =	sdelay $0x1  }
0x141: {  	v3 =	vadd.s32 v1, v3;
	_ =	sdelay $0x2  }
0x142: {  	[tilespmem:s16], [sflag:$0x3] =	stream.indirect_vreg.gather [hbm4b:s1+s3], $0x80, v4, vm0, $0xb8;
	[tilespmem:$0x11B00] =	vst v63  }
0x143: {  	_ = 	snop  }
0x144: {  	[tilespmem:s24], [sflag:$0x3] =	stream.indirect_vreg.gather [hbm4b:s1+s3], $0x80, v3, vm0, $0xb8;
	[tilespmem:$0x11B00] =	vst v63  }
0x145: {  	v3 =	vld [tilespmem:$0x1990];
	_ =	sdelay $0x4  }
0x146: {  	v41 =	vshll.u32 v3, $0x1  }
0x147: {  	v3 =	vand.u32 $0x7, v3;
	v4 =	vand.u32 $0xFFFFFFF0, v41  }
0x148: {  	v3 =	vor.u32 v3, v4  }
0x149: {  	v4 =	vperm.xlane v3, v0;
	_ =	sdelay $0x1  }
0x14a: {  	v3 =	vperm.xlane v3, v2;
	v4 =	vadd.s32 v1, v4;
	_ =	sdelay $0x1  }
0x14b: {  	v3 =	vadd.s32 v1, v3;
	_ =	sdelay $0x1  }
0x14c: {  	s4 =	simm.s32 $0xAB00  }
0x14d: {  	[tilespmem:s4], [sflag:$0x3] =	stream.indirect_vreg.gather [hbm4b:s1+s3], $0x80, v4, vm0, $0xb8;
	[tilespmem:$0x11B00] =	vst v63  }
0x14e: {  	s4 =	simm.s32 $0xB300  }
0x14f: {  	[tilespmem:s4], [sflag:$0x3] =	stream.indirect_vreg.gather [hbm4b:s1+s3], $0x80, v3, vm0, $0xb8;
	[tilespmem:$0x11B00] =	vst v63  }
0x150: {  	v3 =	vld [tilespmem:$0x19A0];
	_ =	sdelay $0x4  }
0x151: {  	v42 =	vshll.u32 v3, $0x1  }
0x152: {  	v3 =	vand.u32 $0x7, v3;
	v4 =	vand.u32 $0xFFFFFFF0, v42  }
0x153: {  	v3 =	vor.u32 v3, v4  }
0x154: {  	v4 =	vperm.xlane v3, v0;
	_ =	sdelay $0x1  }
0x155: {  	v3 =	vperm.xlane v3, v2;
	v4 =	vadd.s32 v1, v4;
	_ =	sdelay $0x1  }
0x156: {  	v3 =	vadd.s32 v1, v3;
	_ =	sdelay $0x1  }
0x157: {  	s4 =	simm.s32 $0xBB00  }
0x158: {  	[tilespmem:s4], [sflag:$0x3] =	stream.indirect_vreg.gather [hbm4b:s1+s3], $0x80, v4, vm0, $0xb8;
	[tilespmem:$0x11B00] =	vst v63  }
0x159: {  	s4 =	simm.s32 $0xC300  }
0x15a: {  	[tilespmem:s4], [sflag:$0x3] =	stream.indirect_vreg.gather [hbm4b:s1+s3], $0x80, v3, vm0, $0xb8;
	[tilespmem:$0x11B00] =	vst v63  }
0x15b: {  	v3 =	vld [tilespmem:$0x19B0];
	_ =	sdelay $0x4  }
0x15c: {  	v43 =	vshll.u32 v3, $0x1  }
0x15d: {  	v3 =	vand.u32 $0x7, v3;
	v4 =	vand.u32 $0xFFFFFFF0, v43  }
0x15e: {  	v3 =	vor.u32 v3, v4  }
0x15f: {  	v4 =	vperm.xlane v3, v0;
	_ =	sdelay $0x1  }
0x160: {  	v3 =	vperm.xlane v3, v2;
	v4 =	vadd.s32 v1, v4;
	_ =	sdelay $0x1  }
0x161: {  	v3 =	vadd.s32 v1, v3;
	_ =	sdelay $0x1  }
0x162: {  	s4 =	simm.s32 $0xCB00  }
0x163: {  	[tilespmem:s4], [sflag:$0x3] =	stream.indirect_vreg.gather [hbm4b:s1+s3], $0x80, v4, vm0, $0xb8;
	[tilespmem:$0x11B00] =	vst v63  }
0x164: {  	s4 =	simm.s32 $0xD300  }
0x165: {  	[tilespmem:s4], [sflag:$0x3] =	stream.indirect_vreg.gather [hbm4b:s1+s3], $0x80, v3, vm0, $0xb8;
	[tilespmem:$0x11B00] =	vst v63  }
0x166: {  	_ =	swait.ge [sflag:s15], $0x4000  }
0x167: {  	[sflag:s15] =	ssyncset.done $0x0  }
0x168: {  	s4 =	rddreg [dreg:$0xa];
	[sflag:s15] =	ssyncadd.s32 $0xFFFFC000  }
0x169: {  	[hbm4b:s4+s3] =	stream.linear.scatter [tilespmem:s7], [sflag:$0x6], $0x4000, $0x38;
	[tilespmem:$0x11B00] =	vst v63  }
0x16a: {  	_ =	swait.ge [sflag:s2], $0x4000  }
0x16b: {  	[sflag:s2] =	ssyncset.done $0x0  }
0x16c: {  	[sflag:s2] =	ssyncadd.s32 $0xFFFFC000  }
0x16d: {  	v3 =	vld [tilespmem:$0x19C0];
	_ =	sdelay $0x4  }
0x16e: {  	v44 =	vshll.u32 v3, $0x1  }
0x16f: {  	v3 =	vand.u32 $0x7, v3;
	v4 =	vand.u32 $0xFFFFFFF0, v44  }
0x170: {  	v3 =	vor.u32 v3, v4  }
0x171: {  	v4 =	vperm.xlane v3, v0;
	_ =	sdelay $0x1  }
0x172: {  	v3 =	vperm.xlane v3, v2;
	v4 =	vadd.s32 v1, v4;
	_ =	sdelay $0x1  }
0x173: {  	v3 =	vadd.s32 v1, v3;
	_ =	sdelay $0x2  }
0x174: {  	[tilespmem:s6], [sflag:$0x4] =	stream.indirect_vreg.gather [hbm4b:s1+s3], $0x80, v4, vm0, $0xb8;
	[tilespmem:$0x11B00] =	vst v63  }
0x175: {  	s4 =	simm.s32 $0xE300  }
0x176: {  	[tilespmem:s4], [sflag:$0x4] =	stream.indirect_vreg.gather [hbm4b:s1+s3], $0x80, v3, vm0, $0xb8;
	[tilespmem:$0x11B00] =	vst v63  }
0x177: {  	v3 =	vld [tilespmem:$0x19D0];
	_ =	sdelay $0x4  }
0x178: {  	v45 =	vshll.u32 v3, $0x1  }
0x179: {  	v3 =	vand.u32 $0x7, v3;
	v4 =	vand.u32 $0xFFFFFFF0, v45  }
0x17a: {  	v3 =	vor.u32 v3, v4  }
0x17b: {  	v4 =	vperm.xlane v3, v0;
	_ =	sdelay $0x1  }
0x17c: {  	v3 =	vperm.xlane v3, v2;
	v4 =	vadd.s32 v1, v4;
	_ =	sdelay $0x1  }
0x17d: {  	v3 =	vadd.s32 v1, v3;
	_ =	sdelay $0x1  }
0x17e: {  	s4 =	simm.s32 $0xEB00  }
0x17f: {  	[tilespmem:s4], [sflag:$0x4] =	stream.indirect_vreg.gather [hbm4b:s1+s3], $0x80, v4, vm0, $0xb8;
	[tilespmem:$0x11B00] =	vst v63  }
0x180: {  	s4 =	simm.s32 $0xF300  }
0x181: {  	[tilespmem:s4], [sflag:$0x4] =	stream.indirect_vreg.gather [hbm4b:s1+s3], $0x80, v3, vm0, $0xb8;
	[tilespmem:$0x11B00] =	vst v63  }
0x182: {  	v3 =	vld [tilespmem:$0x19E0];
	_ =	sdelay $0x4  }
0x183: {  	v46 =	vshll.u32 v3, $0x1  }
0x184: {  	v3 =	vand.u32 $0x7, v3;
	v4 =	vand.u32 $0xFFFFFFF0, v46  }
0x185: {  	v3 =	vor.u32 v3, v4  }
0x186: {  	v4 =	vperm.xlane v3, v0;
	_ =	sdelay $0x1  }
0x187: {  	v3 =	vperm.xlane v3, v2;
	v4 =	vadd.s32 v1, v4;
	_ =	sdelay $0x1  }
0x188: {  	v3 =	vadd.s32 v1, v3;
	_ =	sdelay $0x1  }
0x189: {  	s4 =	simm.s32 $0xFB00  }
0x18a: {  	[tilespmem:s4], [sflag:$0x4] =	stream.indirect_vreg.gather [hbm4b:s1+s3], $0x80, v4, vm0, $0xb8;
	[tilespmem:$0x11B00] =	vst v63  }
0x18b: {  	s4 =	simm.s32 $0x10300  }
0x18c: {  	[tilespmem:s4], [sflag:$0x4] =	stream.indirect_vreg.gather [hbm4b:s1+s3], $0x80, v3, vm0, $0xb8;
	[tilespmem:$0x11B00] =	vst v63  }
0x18d: {  	v3 =	vld [tilespmem:$0x19F0];
	_ =	sdelay $0x4  }
0x18e: {  	v47 =	vshll.u32 v3, $0x1  }
0x18f: {  	v3 =	vand.u32 $0x7, v3;
	v4 =	vand.u32 $0xFFFFFFF0, v47  }
0x190: {  	v3 =	vor.u32 v3, v4  }
0x191: {  	v4 =	vperm.xlane v3, v0;
	_ =	sdelay $0x1  }
0x192: {  	v3 =	vperm.xlane v3, v2;
	v4 =	vadd.s32 v1, v4;
	_ =	sdelay $0x1  }
0x193: {  	v3 =	vadd.s32 v1, v3;
	_ =	sdelay $0x1  }
0x194: {  	s4 =	simm.s32 $0x10B00  }
0x195: {  	[tilespmem:s4], [sflag:$0x4] =	stream.indirect_vreg.gather [hbm4b:s1+s3], $0x80, v4, vm0, $0xb8;
	[tilespmem:$0x11B00] =	vst v63  }
0x196: {  	s4 =	simm.s32 $0x11300  }
0x197: {  	[tilespmem:s4], [sflag:$0x4] =	stream.indirect_vreg.gather [hbm4b:s1+s3], $0x80, v3, vm0, $0xb8;
	[tilespmem:$0x11B00] =	vst v63  }
0x198: {  	_ =	swait.ge [sflag:s25], $0x4000  }
0x199: {  	[sflag:s25] =	ssyncset.done $0x0  }
0x19a: {  	s4 =	rddreg [dreg:$0xc];
	[sflag:s25] =	ssyncadd.s32 $0xFFFFC000  }
0x19b: {  	[hbm4b:s4+s3] =	stream.linear.scatter [tilespmem:s16], [sflag:$0x7], $0x4000, $0x38;
	[tilespmem:$0x11B00] =	vst v63  }
0x19c: {  	_ =	swait.ge [sflag:s26], $0x4000  }
0x19d: {  	[sflag:s26] =	ssyncset.done $0x0  }
0x19e: {  	[sflag:s26] =	ssyncadd.s32 $0xFFFFC000  }
0x19f: {  	v3 =	vld [tilespmem:$0x1A00];
	_ =	sdelay $0x4  }
0x1a0: {  	v48 =	vshll.u32 v3, $0x1  }
0x1a1: {  	v3 =	vand.u32 $0x7, v3;
	v4 =	vand.u32 $0xFFFFFFF0, v48  }
0x1a2: {  	v3 =	vor.u32 v3, v4  }
0x1a3: {  	v4 =	vperm.xlane v3, v0;
	_ =	sdelay $0x1  }
0x1a4: {  	v3 =	vperm.xlane v3, v2;
	v4 =	vadd.s32 v1, v4;
	_ =	sdelay $0x1  }
0x1a5: {  	v3 =	vadd.s32 v1, v3;
	_ =	sdelay $0x2  }
0x1a6: {  	[tilespmem:s28], [sflag:$0x1] =	stream.indirect_vreg.gather [hbm4b:s1+s3], $0x80, v4, vm0, $0xb8;
	[tilespmem:$0x11B00] =	vst v63  }
0x1a7: {  	_ = 	snop  }
0x1a8: {  	[tilespmem:s5], [sflag:$0x1] =	stream.indirect_vreg.gather [hbm4b:s1+s3], $0x80, v3, vm0, $0xb8;
	[tilespmem:$0x11B00] =	vst v63  }
0x1a9: {  	v3 =	vld [tilespmem:$0x1A10];
	_ =	sdelay $0x4  }
0x1aa: {  	v49 =	vshll.u32 v3, $0x1  }
0x1ab: {  	v3 =	vand.u32 $0x7, v3;
	v4 =	vand.u32 $0xFFFFFFF0, v49  }
0x1ac: {  	v3 =	vor.u32 v3, v4  }
0x1ad: {  	v4 =	vperm.xlane v3, v0;
	_ =	sdelay $0x1  }
0x1ae: {  	v3 =	vperm.xlane v3, v2;
	v4 =	vadd.s32 v1, v4;
	_ =	sdelay $0x1  }
0x1af: {  	v3 =	vadd.s32 v1, v3;
	_ =	sdelay $0x2  }
0x1b0: {  	[tilespmem:s8], [sflag:$0x1] =	stream.indirect_vreg.gather [hbm4b:s1+s3], $0x80, v4, vm0, $0xb8;
	[tilespmem:$0x11B00] =	vst v63  }
0x1b1: {  	_ = 	snop  }
0x1b2: {  	[tilespmem:s9], [sflag:$0x1] =	stream.indirect_vreg.gather [hbm4b:s1+s3], $0x80, v3, vm0, $0xb8;
	[tilespmem:$0x11B00] =	vst v63  }
0x1b3: {  	v3 =	vld [tilespmem:$0x1A20];
	_ =	sdelay $0x4  }
0x1b4: {  	v50 =	vshll.u32 v3, $0x1  }
0x1b5: {  	v3 =	vand.u32 $0x7, v3;
	v4 =	vand.u32 $0xFFFFFFF0, v50  }
0x1b6: {  	v3 =	vor.u32 v3, v4  }
0x1b7: {  	v4 =	vperm.xlane v3, v0;
	_ =	sdelay $0x1  }
0x1b8: {  	v3 =	vperm.xlane v3, v2;
	v4 =	vadd.s32 v1, v4;
	_ =	sdelay $0x1  }
0x1b9: {  	v3 =	vadd.s32 v1, v3;
	_ =	sdelay $0x2  }
0x1ba: {  	[tilespmem:s10], [sflag:$0x1] =	stream.indirect_vreg.gather [hbm4b:s1+s3], $0x80, v4, vm0, $0xb8;
	[tilespmem:$0x11B00] =	vst v63  }
0x1bb: {  	_ = 	snop  }
0x1bc: {  	[tilespmem:s11], [sflag:$0x1] =	stream.indirect_vreg.gather [hbm4b:s1+s3], $0x80, v3, vm0, $0xb8;
	[tilespmem:$0x11B00] =	vst v63  }
0x1bd: {  	v3 =	vld [tilespmem:$0x1A30];
	_ =	sdelay $0x4  }
0x1be: {  	v51 =	vshll.u32 v3, $0x1  }
0x1bf: {  	v3 =	vand.u32 $0x7, v3;
	v4 =	vand.u32 $0xFFFFFFF0, v51  }
0x1c0: {  	v3 =	vor.u32 v3, v4  }
0x1c1: {  	v4 =	vperm.xlane v3, v0;
	_ =	sdelay $0x1  }
0x1c2: {  	v3 =	vperm.xlane v3, v2;
	v4 =	vadd.s32 v1, v4;
	_ =	sdelay $0x1  }
0x1c3: {  	v3 =	vadd.s32 v1, v3;
	_ =	sdelay $0x2  }
0x1c4: {  	[tilespmem:s12], [sflag:$0x1] =	stream.indirect_vreg.gather [hbm4b:s1+s3], $0x80, v4, vm0, $0xb8;
	[tilespmem:$0x11B00] =	vst v63  }
0x1c5: {  	_ = 	snop  }
0x1c6: {  	[tilespmem:s13], [sflag:$0x1] =	stream.indirect_vreg.gather [hbm4b:s1+s3], $0x80, v3, vm0, $0xb8;
	[tilespmem:$0x11B00] =	vst v63  }
0x1c7: {  	_ =	swait.ge [sflag:s29], $0x4000  }
0x1c8: {  	[sflag:s29] =	ssyncset.done $0x0  }
0x1c9: {  	s8 =	rddreg [dreg:$0xb];
	[sflag:s29] =	ssyncadd.s32 $0xFFFFC000  }
0x1ca: {  	[hbm4b:s8+s3] =	stream.linear.scatter [tilespmem:s6], [sflag:$0x8], $0x4000, $0x38;
	[tilespmem:$0x11B00] =	vst v63  }
0x1cb: {  	_ =	swait.ge [sflag:s30], $0x4000  }
0x1cc: {  	[sflag:s30] =	ssyncset.done $0x0  }
0x1cd: {  	[sflag:s30] =	ssyncadd.s32 $0xFFFFC000  }
0x1ce: {  	v3 =	vld [tilespmem:$0x1A40];
	_ =	sdelay $0x4  }
0x1cf: {  	v52 =	vshll.u32 v3, $0x1  }
0x1d0: {  	v3 =	vand.u32 $0x7, v3;
	v4 =	vand.u32 $0xFFFFFFF0, v52  }
0x1d1: {  	v3 =	vor.u32 v3, v4  }
0x1d2: {  	v4 =	vperm.xlane v3, v0;
	_ =	sdelay $0x1  }
0x1d3: {  	v3 =	vperm.xlane v3, v2;
	v4 =	vadd.s32 v1, v4;
	_ =	sdelay $0x1  }
0x1d4: {  	v3 =	vadd.s32 v1, v3;
	_ =	sdelay $0x2  }
0x1d5: {  	[tilespmem:s7], [sflag:$0x2] =	stream.indirect_vreg.gather [hbm4b:s1+s3], $0x80, v4, vm0, $0xb8;
	[tilespmem:$0x11B00] =	vst v63  }
0x1d6: {  	_ = 	snop  }
0x1d7: {  	[tilespmem:s14], [sflag:$0x2] =	stream.indirect_vreg.gather [hbm4b:s1+s3], $0x80, v3, vm0, $0xb8;
	[tilespmem:$0x11B00] =	vst v63  }
0x1d8: {  	v3 =	vld [tilespmem:$0x1A50];
	_ =	sdelay $0x4  }
0x1d9: {  	v53 =	vshll.u32 v3, $0x1  }
0x1da: {  	v3 =	vand.u32 $0x7, v3;
	v4 =	vand.u32 $0xFFFFFFF0, v53  }
0x1db: {  	v3 =	vor.u32 v3, v4  }
0x1dc: {  	v4 =	vperm.xlane v3, v0;
	_ =	sdelay $0x1  }
0x1dd: {  	v3 =	vperm.xlane v3, v2;
	v4 =	vadd.s32 v1, v4;
	_ =	sdelay $0x1  }
0x1de: {  	v3 =	vadd.s32 v1, v3;
	_ =	sdelay $0x2  }
0x1df: {  	[tilespmem:s17], [sflag:$0x2] =	stream.indirect_vreg.gather [hbm4b:s1+s3], $0x80, v4, vm0, $0xb8;
	[tilespmem:$0x11B00] =	vst v63  }
0x1e0: {  	_ = 	snop  }
0x1e1: {  	[tilespmem:s18], [sflag:$0x2] =	stream.indirect_vreg.gather [hbm4b:s1+s3], $0x80, v3, vm0, $0xb8;
	[tilespmem:$0x11B00] =	vst v63  }
0x1e2: {  	v3 =	vld [tilespmem:$0x1A60];
	_ =	sdelay $0x4  }
0x1e3: {  	v54 =	vshll.u32 v3, $0x1  }
0x1e4: {  	v3 =	vand.u32 $0x7, v3;
	v4 =	vand.u32 $0xFFFFFFF0, v54  }
0x1e5: {  	v3 =	vor.u32 v3, v4  }
0x1e6: {  	v4 =	vperm.xlane v3, v0;
	_ =	sdelay $0x1  }
0x1e7: {  	v3 =	vperm.xlane v3, v2;
	v4 =	vadd.s32 v1, v4;
	_ =	sdelay $0x1  }
0x1e8: {  	v3 =	vadd.s32 v1, v3;
	_ =	sdelay $0x2  }
0x1e9: {  	[tilespmem:s20], [sflag:$0x2] =	stream.indirect_vreg.gather [hbm4b:s1+s3], $0x80, v4, vm0, $0xb8;
	[tilespmem:$0x11B00] =	vst v63  }
0x1ea: {  	_ = 	snop  }
0x1eb: {  	[tilespmem:s21], [sflag:$0x2] =	stream.indirect_vreg.gather [hbm4b:s1+s3], $0x80, v3, vm0, $0xb8;
	[tilespmem:$0x11B00] =	vst v63  }
0x1ec: {  	v3 =	vld [tilespmem:$0x1A70];
	_ =	sdelay $0x4  }
0x1ed: {  	v55 =	vshll.u32 v3, $0x1  }
0x1ee: {  	v3 =	vand.u32 $0x7, v3;
	v4 =	vand.u32 $0xFFFFFFF0, v55  }
0x1ef: {  	v3 =	vor.u32 v3, v4  }
0x1f0: {  	v4 =	vperm.xlane v3, v0;
	_ =	sdelay $0x1  }
0x1f1: {  	v3 =	vperm.xlane v3, v2;
	v4 =	vadd.s32 v1, v4;
	_ =	sdelay $0x1  }
0x1f2: {  	v3 =	vadd.s32 v1, v3;
	_ =	sdelay $0x2  }
0x1f3: {  	[tilespmem:s22], [sflag:$0x2] =	stream.indirect_vreg.gather [hbm4b:s1+s3], $0x80, v4, vm0, $0xb8;
	[tilespmem:$0x11B00] =	vst v63  }
0x1f4: {  	_ = 	snop  }
0x1f5: {  	[tilespmem:s23], [sflag:$0x2] =	stream.indirect_vreg.gather [hbm4b:s1+s3], $0x80, v3, vm0, $0xb8;
	[tilespmem:$0x11B00] =	vst v63  }
0x1f6: {  	_ =	swait.ge [sflag:s19], $0x4000  }
0x1f7: {  	[sflag:s19] =	ssyncset.done $0x0  }
0x1f8: {  	s5 =	rddreg [dreg:$0xd];
	[sflag:s19] =	ssyncadd.s32 $0xFFFFC000  }
0x1f9: {  	[hbm4b:s5+s3] =	stream.linear.scatter [tilespmem:s28], [sflag:$0x5], $0x4000, $0x38;
	[tilespmem:$0x11B00] =	vst v63  }
0x1fa: {  	_ =	swait.ge [sflag:s31], $0x4000  }
0x1fb: {  	[sflag:s31] =	ssyncset.done $0x0  }
0x1fc: {  	[sflag:s31] =	ssyncadd.s32 $0xFFFFC000  }
0x1fd: {  	v3 =	vld [tilespmem:$0x1A80];
	_ =	sdelay $0x4  }
0x1fe: {  	v56 =	vshll.u32 v3, $0x1  }
0x1ff: {  	v3 =	vand.u32 $0x7, v3;
	v4 =	vand.u32 $0xFFFFFFF0, v56  }
0x200: {  	v3 =	vor.u32 v3, v4  }
0x201: {  	v4 =	vperm.xlane v3, v0;
	_ =	sdelay $0x1  }
0x202: {  	v3 =	vperm.xlane v3, v2;
	v4 =	vadd.s32 v1, v4;
	_ =	sdelay $0x1  }
0x203: {  	v3 =	vadd.s32 v1, v3;
	_ =	sdelay $0x2  }
0x204: {  	[tilespmem:s16], [sflag:$0x3] =	stream.indirect_vreg.gather [hbm4b:s1+s3], $0x80, v4, vm0, $0xb8;
	[tilespmem:$0x11B00] =	vst v63  }
0x205: {  	_ = 	snop  }
0x206: {  	[tilespmem:s24], [sflag:$0x3] =	stream.indirect_vreg.gather [hbm4b:s1+s3], $0x80, v3, vm0, $0xb8;
	[tilespmem:$0x11B00] =	vst v63  }
0x207: {  	v3 =	vld [tilespmem:$0x1A90];
	_ =	sdelay $0x4  }
0x208: {  	v57 =	vshll.u32 v3, $0x1  }
0x209: {  	v3 =	vand.u32 $0x7, v3;
	v4 =	vand.u32 $0xFFFFFFF0, v57  }
0x20a: {  	v3 =	vor.u32 v3, v4  }
0x20b: {  	v4 =	vperm.xlane v3, v0;
	_ =	sdelay $0x1  }
0x20c: {  	v3 =	vperm.xlane v3, v2;
	v4 =	vadd.s32 v1, v4;
	_ =	sdelay $0x1  }
0x20d: {  	v3 =	vadd.s32 v1, v3;
	_ =	sdelay $0x1  }
0x20e: {  	s8 =	simm.s32 $0xAB00  }
0x20f: {  	[tilespmem:s8], [sflag:$0x3] =	stream.indirect_vreg.gather [hbm4b:s1+s3], $0x80, v4, vm0, $0xb8;
	[tilespmem:$0x11B00] =	vst v63  }
0x210: {  	s5 =	simm.s32 $0xB300  }
0x211: {  	[tilespmem:s5], [sflag:$0x3] =	stream.indirect_vreg.gather [hbm4b:s1+s3], $0x80, v3, vm0, $0xb8;
	[tilespmem:$0x11B00] =	vst v63  }
0x212: {  	v3 =	vld [tilespmem:$0x1AA0];
	_ =	sdelay $0x4  }
0x213: {  	v58 =	vshll.u32 v3, $0x1  }
0x214: {  	v3 =	vand.u32 $0x7, v3;
	v4 =	vand.u32 $0xFFFFFFF0, v58  }
0x215: {  	v3 =	vor.u32 v3, v4  }
0x216: {  	v4 =	vperm.xlane v3, v0;
	_ =	sdelay $0x1  }
0x217: {  	v3 =	vperm.xlane v3, v2;
	v4 =	vadd.s32 v1, v4;
	_ =	sdelay $0x1  }
0x218: {  	v3 =	vadd.s32 v1, v3;
	_ =	sdelay $0x1  }
0x219: {  	s8 =	simm.s32 $0xBB00  }
0x21a: {  	[tilespmem:s8], [sflag:$0x3] =	stream.indirect_vreg.gather [hbm4b:s1+s3], $0x80, v4, vm0, $0xb8;
	[tilespmem:$0x11B00] =	vst v63  }
0x21b: {  	s5 =	simm.s32 $0xC300  }
0x21c: {  	[tilespmem:s5], [sflag:$0x3] =	stream.indirect_vreg.gather [hbm4b:s1+s3], $0x80, v3, vm0, $0xb8;
	[tilespmem:$0x11B00] =	vst v63  }
0x21d: {  	v3 =	vld [tilespmem:$0x1AB0];
	_ =	sdelay $0x4  }
0x21e: {  	v59 =	vshll.u32 v3, $0x1  }
0x21f: {  	v3 =	vand.u32 $0x7, v3;
	v4 =	vand.u32 $0xFFFFFFF0, v59  }
0x220: {  	v3 =	vor.u32 v3, v4  }
0x221: {  	v4 =	vperm.xlane v3, v0;
	_ =	sdelay $0x1  }
0x222: {  	v3 =	vperm.xlane v3, v2;
	v4 =	vadd.s32 v1, v4;
	_ =	sdelay $0x1  }
0x223: {  	v3 =	vadd.s32 v1, v3;
	_ =	sdelay $0x1  }
0x224: {  	s8 =	simm.s32 $0xCB00  }
0x225: {  	[tilespmem:s8], [sflag:$0x3] =	stream.indirect_vreg.gather [hbm4b:s1+s3], $0x80, v4, vm0, $0xb8;
	[tilespmem:$0x11B00] =	vst v63  }
0x226: {  	s5 =	simm.s32 $0xD300  }
0x227: {  	[tilespmem:s5], [sflag:$0x3] =	stream.indirect_vreg.gather [hbm4b:s1+s3], $0x80, v3, vm0, $0xb8;
	[tilespmem:$0x11B00] =	vst v63  }
0x228: {  	_ =	swait.ge [sflag:s15], $0x4000  }
0x229: {  	[sflag:s15] =	ssyncset.done $0x0  }
0x22a: {  	s8 =	rddreg [dreg:$0xe];
	[sflag:s15] =	ssyncadd.s32 $0xFFFFC000  }
0x22b: {  	[hbm4b:s8+s3] =	stream.linear.scatter [tilespmem:s7], [sflag:$0x6], $0x4000, $0x38;
	[tilespmem:$0x11B00] =	vst v63  }
0x22c: {  	_ =	swait.ge [sflag:s2], $0x4000  }
0x22d: {  	[sflag:s2] =	ssyncset.done $0x0  }
0x22e: {  	[sflag:s2] =	ssyncadd.s32 $0xFFFFC000  }
0x22f: {  	v3 =	vld [tilespmem:$0x1AC0];
	_ =	sdelay $0x4  }
0x230: {  	v60 =	vshll.u32 v3, $0x1  }
0x231: {  	v3 =	vand.u32 $0x7, v3;
	v4 =	vand.u32 $0xFFFFFFF0, v60  }
0x232: {  	v3 =	vor.u32 v3, v4  }
0x233: {  	v4 =	vperm.xlane v3, v0;
	_ =	sdelay $0x1  }
0x234: {  	v3 =	vperm.xlane v3, v2;
	v4 =	vadd.s32 v1, v4;
	_ =	sdelay $0x1  }
0x235: {  	v3 =	vadd.s32 v1, v3;
	_ =	sdelay $0x2  }
0x236: {  	[tilespmem:s6], [sflag:$0x4] =	stream.indirect_vreg.gather [hbm4b:s1+s3], $0x80, v4, vm0, $0xb8;
	[tilespmem:$0x11B00] =	vst v63  }
0x237: {  	s5 =	simm.s32 $0xE300  }
0x238: {  	[tilespmem:s5], [sflag:$0x4] =	stream.indirect_vreg.gather [hbm4b:s1+s3], $0x80, v3, vm0, $0xb8;
	[tilespmem:$0x11B00] =	vst v63  }
0x239: {  	v3 =	vld [tilespmem:$0x1AD0];
	_ =	sdelay $0x4  }
0x23a: {  	v61 =	vshll.u32 v3, $0x1  }
0x23b: {  	v3 =	vand.u32 $0x7, v3;
	v4 =	vand.u32 $0xFFFFFFF0, v61  }
0x23c: {  	v3 =	vor.u32 v3, v4  }
0x23d: {  	v4 =	vperm.xlane v3, v0;
	_ =	sdelay $0x1  }
0x23e: {  	v3 =	vperm.xlane v3, v2;
	v4 =	vadd.s32 v1, v4;
	_ =	sdelay $0x1  }
0x23f: {  	v3 =	vadd.s32 v1, v3;
	_ =	sdelay $0x1  }
0x240: {  	s8 =	simm.s32 $0xEB00  }
0x241: {  	[tilespmem:s8], [sflag:$0x4] =	stream.indirect_vreg.gather [hbm4b:s1+s3], $0x80, v4, vm0, $0xb8;
	[tilespmem:$0x11B00] =	vst v63  }
0x242: {  	s5 =	simm.s32 $0xF300  }
0x243: {  	[tilespmem:s5], [sflag:$0x4] =	stream.indirect_vreg.gather [hbm4b:s1+s3], $0x80, v3, vm0, $0xb8;
	[tilespmem:$0x11B00] =	vst v63  }
0x244: {  	v3 =	vld [tilespmem:$0x1AE0];
	_ =	sdelay $0x4  }
0x245: {  	v62 =	vshll.u32 v3, $0x1  }
0x246: {  	v3 =	vand.u32 $0x7, v3;
	v4 =	vand.u32 $0xFFFFFFF0, v62  }
0x247: {  	v3 =	vor.u32 v3, v4  }
0x248: {  	v4 =	vperm.xlane v3, v0;
	_ =	sdelay $0x1  }
0x249: {  	v3 =	vperm.xlane v3, v2;
	v4 =	vadd.s32 v1, v4;
	_ =	sdelay $0x1  }
0x24a: {  	v3 =	vadd.s32 v1, v3;
	_ =	sdelay $0x1  }
0x24b: {  	s8 =	simm.s32 $0xFB00  }
0x24c: {  	[tilespmem:s8], [sflag:$0x4] =	stream.indirect_vreg.gather [hbm4b:s1+s3], $0x80, v4, vm0, $0xb8;
	[tilespmem:$0x11B00] =	vst v63  }
0x24d: {  	s5 =	simm.s32 $0x10300  }
0x24e: {  	[tilespmem:s5], [sflag:$0x4] =	stream.indirect_vreg.gather [hbm4b:s1+s3], $0x80, v3, vm0, $0xb8;
	[tilespmem:$0x11B00] =	vst v63  }
0x24f: {  	v3 =	vld [tilespmem:$0x1AF0];
	_ =	sdelay $0x4  }
0x250: {  	v63 =	vshll.u32 v3, $0x1  }
0x251: {  	v3 =	vand.u32 $0x7, v3;
	v4 =	vand.u32 $0xFFFFFFF0, v63  }
0x252: {  	v3 =	vor.u32 v3, v4  }
0x253: {  	v4 =	vperm.xlane v3, v0;
	_ =	sdelay $0x1  }
0x254: {  	v3 =	vperm.xlane v3, v2;
	v4 =	vadd.s32 v1, v4;
	_ =	sdelay $0x1  }
0x255: {  	v3 =	vadd.s32 v1, v3;
	_ =	sdelay $0x1  }
0x256: {  	s8 =	simm.s32 $0x10B00  }
0x257: {  	[tilespmem:s8], [sflag:$0x4] =	stream.indirect_vreg.gather [hbm4b:s1+s3], $0x80, v4, vm0, $0xb8;
	[tilespmem:$0x11B00] =	vst v63  }
0x258: {  	s5 =	simm.s32 $0x11300  }
0x259: {  	[tilespmem:s5], [sflag:$0x4] =	stream.indirect_vreg.gather [hbm4b:s1+s3], $0x80, v3, vm0, $0xb8;
	[tilespmem:$0x11B00] =	vst v63  }
0x25a: {  	_ =	swait.ge [sflag:s25], $0x4000  }
0x25b: {  	[sflag:s25] =	ssyncset.done $0x0  }
0x25c: {  	s8 =	rddreg [dreg:$0xf];
	[sflag:s25] =	ssyncadd.s32 $0xFFFFC000  }
0x25d: {  	[hbm4b:s8+s3] =	stream.linear.scatter [tilespmem:s16], [sflag:$0x7], $0x4000, $0x38;
	[tilespmem:$0x11B00] =	vst v63  }
0x25e: {  	_ =	swait.ge [sflag:s26], $0x4000  }
0x25f: {  	[sflag:s26] =	ssyncset.done $0x0  }
0x260: {  	[sflag:s26] =	ssyncadd.s32 $0xFFFFC000  }
0x261: {  	_ =	swait.ge [sflag:s29], $0x4000  }
0x262: {  	[sflag:s29] =	ssyncset.done $0x0  }
0x263: {  	s5 =	rddreg [dreg:$0x10];
	[sflag:s29] =	ssyncadd.s32 $0xFFFFC000  }
0x264: {  	[hbm4b:s5+s3] =	stream.linear.scatter [tilespmem:s6], [sflag:$0x8], $0x4000, $0x38;
	[tilespmem:$0x11B00] =	vst v63  }
0x265: {  	_ =	swait.ge [sflag:s30], $0x4000  }
0x266: {  	[sflag:s30] =	ssyncset.done $0x0  }
0x267: {  	[sflag:s30] =	ssyncadd.s32 $0xFFFFC000  }
0x268: {  	_ =	swait.ge [sflag:s31], $0x4000  }
0x269: {  	[sflag:s31] =	ssyncset.done $0x0  }
0x26a: {  	[sflag:s31] =	ssyncadd.s32 $0xFFFFC000  }
0x26b: {  	_ =	swait.ge [sflag:s2], $0x4000  }
0x26c: {  	s0 =	sadd.s32 $0x1, s0;
	s8 =	rddreg [dreg:$0x11]  }
0x26d: {  	p0 =	sne.s32 s0, s8  }
.Ltmp1:
0x26e: {  	_ = 	snop;
	(pc) =	sbr.rel @p0 .LBB2_1-.Ltmp1, $3  }
0x26f: {  	_ =	sdelay $0x1  }
0x270: {  	[sflag:s2] =	ssyncset.done $0x0  }
0x271: {  	[sflag:s2] =	ssyncadd.s32 $0xFFFFC000  }
0x272: {  	_ =	sfence.sel $0x180000  }
0x273: {  	[bflag:$0x0] =	sbarrier.arrive $0xFFFF  }
0x274: {  	_ =	strace $0x9000004A  }
0x275: {  	s0 =	stileid.u32;
	[bflag:$0x2] =	sbarrier.arrive $0xFFFF  }
0x276: {  	p0 =	sne.s32 s0, $0x0;
	s0 =	rddreg [dreg:$0x3]  }
0x277: {  	s0 =	sadd.s32 @!p0 $0x100000, s0  }
0x278: {  	[sflag:s0] =	ssyncadd.tile.s32 @!p0 $0x1;
	_ =	shalt  }
.Lfunc_end2:
_tile_overlayer_lowered:
.L_overlay_start_2:
0x279: {  	(tag) =	ssettag $0x2  }
0x27a: {  	s0 =	rddreg [dreg:$0x0];
	s2 =	stileid.u32  }
0x27b: {  	s1 =	rddreg [dreg:$0x1];
	p0 =	sne.s32 s2, $0x0  }
0x27c: {  	s3 =	rddreg [dreg:$0x2];
	[bflag:$0x3] =	sbarrier.arrive $0xFFFF;
	s2 =	simm.s32 @!p0 $0x1C09  }
0x27d: {  	[timem:s3], [sflag:s2] =	dma.local @!p0 [hbm:s0], s1  }
0x27e: {  	s0 =	simm.s32 @!p0 $0x9  }
0x27f: {  	_ =	swait.ge @!p0 [sflag:s0], s1  }
0x280: {  	s1 =	ssub.s32 @!p0 $0x0, s1;
	[sflag:s0] =	ssyncset.done @!p0 $0x0  }
0x281: {  	[sflag:s0] =	ssyncadd.s32 @!p0 s1  }
0x282: {  	[bflag:$0x3] =	sbarrier.arrive $0xFFFF  }
0x283: {  	_ =	shalt  }

</sc_bundles>
